<compile_context>
chip_gen: v7x
topology: tpu7x:2x2x1
jax: 0.10.2.dev20260603
libtpu: 0.0.44.dev20260713+nightly
codegen_flags: <defaults>
</compile_context>

<pallas_src>
import functools

import jax
import jax.numpy as jnp
from jax import lax
from jax.experimental import pallas as pl
from jax.experimental.pallas import tpu as pltpu
from jax.experimental.pallas import tpu_sc as plsc

N = 10000
D = 128
NPAD = 10240
ROWS_PER_SUB = NPAD // 16
NW = 32
EPB = 80
LAMDA = 0.5
R = 1000

_mesh = plsc.VectorSubcoreMesh(core_axis_name="c", subcore_axis_name="s")



def _sc_deg_body(nb, rows_hbm, zeros1_hbm, out_hbm, rowidx, ones_v, accd):
  c = lax.axis_index("c")
  s = lax.axis_index("s")
  wid = s * 2 + c
  pltpu.sync_copy(rows_hbm.at[wid], rowidx)
  pltpu.sync_copy(zeros1_hbm, accd.at[pl.ds(s * ROWS_PER_SUB, ROWS_PER_SUB)])
  for k in range(EPB // 16):
    ones_v[pl.ds(k * 16, 16)] = jnp.ones((16,), jnp.float32)
  plsc.subcore_barrier()

  def body(j, carry):
    pltpu.sync_copy(ones_v, accd.at[rowidx.at[j]], add=True)
    return carry

  lax.fori_loop(0, nb, body, 0)
  plsc.subcore_barrier()
  pltpu.sync_copy(accd.at[pl.ds(s * ROWS_PER_SUB, ROWS_PER_SUB)],
                  out_hbm.at[c, pl.ds(s * ROWS_PER_SUB, ROWS_PER_SUB)])


def _make_deg(nb):
  return pl.kernel(
      functools.partial(_sc_deg_body, nb),
      out_type=jax.ShapeDtypeStruct((2, NPAD), jnp.float32),
      mesh=_mesh,
      scratch_types=[
          pltpu.VMEM((nb, EPB), jnp.int32),
          pltpu.VMEM((EPB,), jnp.float32),
          pltpu.VMEM_SHARED((NPAD,), jnp.float32),
      ],
  )



def _sc_spmm_body(nb, epb, g_hbm, cols_hbm, rows_hbm, zeros2_hbm, out_hbm,
                  colidx, rowidx, rows_v, acc):
  c = lax.axis_index("c")
  s = lax.axis_index("s")
  wid = s * 2 + c
  pltpu.sync_copy(cols_hbm.at[wid], colidx)
  pltpu.sync_copy(rows_hbm.at[wid], rowidx)
  pltpu.sync_copy(zeros2_hbm, acc.at[pl.ds(s * ROWS_PER_SUB, ROWS_PER_SUB)])
  plsc.subcore_barrier()

  def body(j, carry):
    pltpu.sync_copy(g_hbm.at[colidx.at[j]], rows_v)
    pltpu.sync_copy(rows_v, acc.at[rowidx.at[j]], add=True)
    return carry

  lax.fori_loop(0, nb, body, 0)
  plsc.subcore_barrier()
  pltpu.sync_copy(acc.at[pl.ds(s * ROWS_PER_SUB, ROWS_PER_SUB)],
                  out_hbm.at[c, pl.ds(s * ROWS_PER_SUB, ROWS_PER_SUB)])


def _make_spmm(nb, epb):
  return pl.kernel(
      functools.partial(_sc_spmm_body, nb, epb),
      out_type=jax.ShapeDtypeStruct((2, NPAD, D), jnp.float32),
      mesh=_mesh,
      scratch_types=[
          pltpu.VMEM((nb, epb), jnp.int32),
          pltpu.VMEM((nb, epb), jnp.int32),
          pltpu.VMEM((epb, D), jnp.float32),
          pltpu.VMEM_SHARED((NPAD, D), jnp.float32),
      ],
  )



def _init_body(degp_ref, x_ref, dinv_ref, g_ref):
  deg = degp_ref[0] + degp_ref[1]
  deg = jnp.where(deg == 0.0, 1.0, deg)
  dinv = lax.rsqrt(deg)
  dinv_ref[...] = dinv
  g_ref[...] = dinv * x_ref[...]


_init_call = pl.pallas_call(
    _init_body,
    grid=(N // R,),
    in_specs=[
        pl.BlockSpec((2, R, 1), lambda i: (0, i, 0)),
        pl.BlockSpec((R, D), lambda i: (i, 0)),
    ],
    out_specs=[
        pl.BlockSpec((R, 1), lambda i: (i, 0)),
        pl.BlockSpec((R, D), lambda i: (i, 0)),
    ],
    out_shape=[
        jax.ShapeDtypeStruct((N, 1), jnp.float32),
        jax.ShapeDtypeStruct((N, D), jnp.float32),
    ],
)


def _dense_body(theta, h_ref, aggp_ref, h0_ref, dinv_ref, W_ref, wqT_ref,
                bq1_ref, lng_ref, lnb_ref, h_out_ref, g_out_ref):
  h = h_ref[...]
  dinv = dinv_ref[...]
  s = jax.nn.sigmoid(
      jnp.sum(h * wqT_ref[...], axis=1, keepdims=True) + bq1_ref[0, 0])
  hi = dinv * (aggp_ref[0] + aggp_ref[1])
  support = (1.0 - s) * hi + s * h0_ref[...]
  out = theta * jnp.dot(support, W_ref[...],
                        preferred_element_type=jnp.float32) \
      + (1.0 - theta) * support
  r = jnp.maximum(out, 0.0)
  mu = jnp.mean(r, axis=1, keepdims=True)
  var = jnp.mean((r - mu) ** 2, axis=1, keepdims=True)
  hn = (r - mu) * lax.rsqrt(var + 1e-5) * lng_ref[...] + lnb_ref[...]
  h_out_ref[...] = hn
  g_out_ref[...] = dinv * hn


def _make_dense(theta):
  return pl.pallas_call(
      functools.partial(_dense_body, theta),
      grid=(N // R,),
      in_specs=[
          pl.BlockSpec((R, D), lambda i: (i, 0)),
          pl.BlockSpec((2, R, D), lambda i: (0, i, 0)),
          pl.BlockSpec((R, D), lambda i: (i, 0)),
          pl.BlockSpec((R, 1), lambda i: (i, 0)),
          pl.BlockSpec((D, D), lambda i: (0, 0)),
          pl.BlockSpec((1, D), lambda i: (0, 0)),
          pl.BlockSpec((1, 1), lambda i: (0, 0)),
          pl.BlockSpec((1, D), lambda i: (0, 0)),
          pl.BlockSpec((1, D), lambda i: (0, 0)),
      ],
      out_specs=[
          pl.BlockSpec((R, D), lambda i: (i, 0)),
          pl.BlockSpec((R, D), lambda i: (i, 0)),
      ],
      out_shape=[
          jax.ShapeDtypeStruct((N, D), jnp.float32),
          jax.ShapeDtypeStruct((N, D), jnp.float32),
      ],
  )


def _dense_final_body(theta, h_ref, aggp_ref, h0_ref, dinv_ref, W_ref,
                      wqT_ref, bq1_ref, lng_ref, lnb_ref, wc_ref, bc_ref,
                      o_ref):
  h = h_ref[...]
  dinv = dinv_ref[...]
  s = jax.nn.sigmoid(
      jnp.sum(h * wqT_ref[...], axis=1, keepdims=True) + bq1_ref[0, 0])
  hi = dinv * (aggp_ref[0] + aggp_ref[1])
  support = (1.0 - s) * hi + s * h0_ref[...]
  out = theta * jnp.dot(support, W_ref[...],
                        preferred_element_type=jnp.float32) \
      + (1.0 - theta) * support
  r = jnp.maximum(out, 0.0)
  mu = jnp.mean(r, axis=1, keepdims=True)
  var = jnp.mean((r - mu) ** 2, axis=1, keepdims=True)
  hn = (r - mu) * lax.rsqrt(var + 1e-5) * lng_ref[...] + lnb_ref[...]
  o_ref[...] = jnp.dot(hn, wc_ref[...],
                       preferred_element_type=jnp.float32) + bc_ref[...]


def _make_dense_final(theta):
  return pl.pallas_call(
      functools.partial(_dense_final_body, theta),
      grid=(N // R,),
      in_specs=[
          pl.BlockSpec((R, D), lambda i: (i, 0)),
          pl.BlockSpec((2, R, D), lambda i: (0, i, 0)),
          pl.BlockSpec((R, D), lambda i: (i, 0)),
          pl.BlockSpec((R, 1), lambda i: (i, 0)),
          pl.BlockSpec((D, D), lambda i: (0, 0)),
          pl.BlockSpec((1, D), lambda i: (0, 0)),
          pl.BlockSpec((1, 1), lambda i: (0, 0)),
          pl.BlockSpec((1, D), lambda i: (0, 0)),
          pl.BlockSpec((1, D), lambda i: (0, 0)),
          pl.BlockSpec((D, D), lambda i: (0, 0)),
          pl.BlockSpec((1, D), lambda i: (0, 0)),
      ],
      out_specs=pl.BlockSpec((R, D), lambda i: (i, 0)),
      out_shape=jax.ShapeDtypeStruct((N, D), jnp.float32),
  )


def kernel(x, adj, W0, W1, W2, W3, ln_gamma, ln_beta, wq, bq, wc, bc):
  E = adj.shape[1]
  epw = E // NW
  nb = epw // EPB
  rows = adj[0].reshape(NW, nb, EPB)
  cols = adj[1].reshape(NW, nb, EPB)
  zeros1 = jnp.zeros((ROWS_PER_SUB,), jnp.float32)
  zeros2 = jnp.zeros((ROWS_PER_SUB, D), jnp.float32)

  degp = _make_deg(nb)(rows, zeros1)
  degp3 = degp.reshape(2, NPAD, 1)
  dinv, g = _init_call(degp3, x)

  wqT = wq.reshape(1, D)
  bq1 = (bq - 1.0).reshape(1, 1)
  lng = ln_gamma.reshape(1, D)
  lnb = ln_beta.reshape(1, D)
  wc_pad = jnp.pad(wc, ((0, 0), (0, D - wc.shape[1])))
  bc_pad = jnp.pad(bc, (0, D - bc.shape[0])).reshape(1, D)

  spmm = _make_spmm(nb, EPB)
  h = x
  for i, W in enumerate([W0, W1, W2]):
    aggp = spmm(g, cols, rows, zeros2)
    h, g = _make_dense(LAMDA / (i + 1))(
        h, aggp, x, dinv, W, wqT, bq1, lng, lnb)

  aggp = spmm(g, cols, rows, zeros2)
  logits_pad = _make_dense_final(LAMDA / 4)(
      h, aggp, x, dinv, W3, wqT, bq1, lng, lnb, wc_pad, bc_pad)
  return logits_pad[:, :wc.shape[1]]

# --- scband reference (transcript-rebuilt; emitter-appended) ---
"""Pipeline reference for scband-adgcnfor-dialog-29557964931232 (READ-ONLY COPY).

The authoritative reference and input builder live on the scoring server;
editing this copy changes nothing except your own understanding.
"""

import jax, jax.numpy as jnp
import numpy as np

N, D, L, C, E = 10000, 128, 4, 7, 320000
LAMDA = 0.5

def setup_inputs(seed: int = 0) -> dict:
    key = jax.random.key(seed)
    ks = jax.random.split(key, 16)
    x = jax.random.normal(ks[0], (N, D), dtype=jnp.float32)
    adj = jax.random.randint(ks[1], (2, E), 0, N, dtype=jnp.int32)
    stdv = 1.0 / np.sqrt(D)
    W0 = jax.random.uniform(ks[2], (D, D), minval=-stdv, maxval=stdv, dtype=jnp.float32)
    W1 = jax.random.uniform(ks[3], (D, D), minval=-stdv, maxval=stdv, dtype=jnp.float32)
    W2 = jax.random.uniform(ks[4], (D, D), minval=-stdv, maxval=stdv, dtype=jnp.float32)
    W3 = jax.random.uniform(ks[5], (D, D), minval=-stdv, maxval=stdv, dtype=jnp.float32)
    ln_gamma = jnp.ones((D,), dtype=jnp.float32)
    ln_beta = jnp.zeros((D,), dtype=jnp.float32)
    sq = 1.0 / np.sqrt(D)
    wq = jax.random.uniform(ks[6], (D, 1), minval=-sq, maxval=sq, dtype=jnp.float32)
    bq = jax.random.uniform(ks[7], (1,), minval=-sq, maxval=sq, dtype=jnp.float32)
    wc = jax.random.uniform(ks[8], (D, C), minval=-sq, maxval=sq, dtype=jnp.float32)
    bc = jax.random.uniform(ks[9], (C,), minval=-sq, maxval=sq, dtype=jnp.float32)
    return {"x": x, "adj": adj, "W0": W0, "W1": W1, "W2": W2, "W3": W3,
            "ln_gamma": ln_gamma, "ln_beta": ln_beta, "wq": wq, "bq": bq, "wc": wc, "bc": bc}

def _layernorm(h, g, b):
    mu = h.mean(-1, keepdims=True)
    var = ((h - mu) ** 2).mean(-1, keepdims=True)
    return (h - mu) / jnp.sqrt(var + 1e-5) * g + b

def reference(x, adj, W0, W1, W2, W3, ln_gamma, ln_beta, wq, bq, wc, bc):
    n = x.shape[0]
    row = adj[0]
    col = adj[1]
    # sys_normalized_adjacency: D^{-1/2} A D^{-1/2}, A has data=1 per edge (dupes summed)
    deg = jax.ops.segment_sum(jnp.ones(row.shape[0], dtype=jnp.float32), row, num_segments=n)
    deg = jnp.where(deg == 0, 1.0, deg)
    dinv = deg ** -0.5
    vals = dinv[row] * dinv[col]

    def spmm(h):
        return jax.ops.segment_sum(vals[:, None] * jnp.take(h, col, axis=0), row, num_segments=n)

    h0 = x  # project is None since input_size == hidden_size
    h = x
    Ws = [W0, W1, W2, W3]
    for i, W in enumerate(Ws):
        # dropout is a no-op in eval mode (p=0.0)
        s = jax.nn.sigmoid(h @ wq + bq - 1.0)
        theta = LAMDA / (i + 1)
        hi = spmm(h)
        support = (1.0 - s) * hi + s * h0  # useAOR, variant=False -> r = support
        out = theta * (support @ W) + (1.0 - theta) * support  # useDLR
        h = _layernorm(jax.nn.relu(out), ln_gamma, ln_beta)
    logits = h @ wc + bc
    return logits

if __name__ == "__main__":
    import jax
    _d = setup_inputs()
    print(jax.jit(kernel)(*tuple(_d.values())))

</pallas_src>

<mosaic_0001>
#map = affine_map<(d0, d1) -> (0, 0)>
#map1 = affine_map<(d0, d1) -> (0, 0, 0)>
module attributes {stable_mosaic.version = 14 : i64} {
  func.func @_sc_spmm_body(%arg0: i32, %arg1: i32, %arg2: memref<10000x128xf32, #tpu.memory_space<hbm>>, %arg3: memref<32x125x80xi32, #tpu.memory_space<hbm>>, %arg4: memref<32x125x80xi32, #tpu.memory_space<hbm>>, %arg5: memref<640x128xf32, #tpu.memory_space<hbm>>, %arg6: memref<2x10240x128xf32, #tpu.memory_space<hbm>>, %arg7: memref<125x80xi32, #tpu.memory_space<vmem>>, %arg8: memref<125x80xi32, #tpu.memory_space<vmem>>, %arg9: memref<80x128xf32, #tpu.memory_space<vmem>>, %arg10: memref<10240x128xf32, #tpu.memory_space<vmem_shared>>) attributes {dimension_semantics = [#tpu.dimension_semantics<core_parallel>, #tpu.dimension_semantics<subcore_parallel>], iteration_bounds = array<i64: 2, 16>, scalar_prefetch = 0 : i64, scratch_operands = 4 : i64, tpu.core_type = #tpu.core_type<sc_vector_subcore>, window_params = [{transform_indices = #map}, {transform_indices = #map1}, {transform_indices = #map1}, {transform_indices = #map}, {transform_indices = #map1}]} {
    %mul3A = arith.constant 2 : i32
    %mul3A_0 = arith.muli %arg1, %mul3A : i32
    %add3A = arith.addi %mul3A_0, %arg0 : i32
    "tpu.region"() ({
      %run_scoped3A = tpu.sem_alloc : memref<!tpu.dma_semaphore, #tpu.memory_space<semaphore_mem>>
      %dma_start3A = arith.constant 0 : i32
      %dma_start3A_13 = arith.constant 0 : i32
      %dma_start3A_14 = tpu.memref_slice %arg3[%add3A, %dma_start3A, %dma_start3A_13] : memref<32x125x80xi32, #tpu.memory_space<hbm>> -> memref<1x125x80xi32, #tpu.memory_space<hbm>>
      %dma_start3A_15 = tpu.memref_squeeze %dma_start3A_14 : memref<1x125x80xi32, #tpu.memory_space<hbm>> -> memref<125x80xi32, #tpu.memory_space<hbm>>
      %dma_start3A_16 = arith.constant 0 : i32
      %dma_start3A_17 = arith.constant 0 : i32
      %dma_start3A_18 = tpu.memref_slice %arg3[%add3A, %dma_start3A_16, %dma_start3A_17] : memref<32x125x80xi32, #tpu.memory_space<hbm>> -> memref<1x125x80xi32, #tpu.memory_space<hbm>>
      %dma_start3A_19 = tpu.memref_squeeze %dma_start3A_18 : memref<1x125x80xi32, #tpu.memory_space<hbm>> -> memref<125x80xi32, #tpu.memory_space<hbm>>
      tpu.enqueue_dma source(%dma_start3A_19 : memref<125x80xi32, #tpu.memory_space<hbm>>) target(%arg7 : memref<125x80xi32, #tpu.memory_space<vmem>>) target_semaphore(%run_scoped3A : memref<!tpu.dma_semaphore, #tpu.memory_space<semaphore_mem>>)
      %dma_wait3A = arith.constant 0 : i32
      %dma_wait3A_20 = arith.constant 0 : i32
      %dma_wait3A_21 = tpu.memref_slice %arg3[%add3A, %dma_wait3A, %dma_wait3A_20] : memref<32x125x80xi32, #tpu.memory_space<hbm>> -> memref<1x125x80xi32, #tpu.memory_space<hbm>>
      %dma_wait3A_22 = tpu.memref_squeeze %dma_wait3A_21 : memref<1x125x80xi32, #tpu.memory_space<hbm>> -> memref<125x80xi32, #tpu.memory_space<hbm>>
      %dma_wait3A_23 = arith.constant 0 : i32
      %dma_wait3A_24 = arith.constant 0 : i32
      %dma_wait3A_25 = tpu.memref_slice %arg3[%add3A, %dma_wait3A_23, %dma_wait3A_24] : memref<32x125x80xi32, #tpu.memory_space<hbm>> -> memref<1x125x80xi32, #tpu.memory_space<hbm>>
      %dma_wait3A_26 = tpu.memref_squeeze %dma_wait3A_25 : memref<1x125x80xi32, #tpu.memory_space<hbm>> -> memref<125x80xi32, #tpu.memory_space<hbm>>
      tpu.wait_dma2 semaphore(%run_scoped3A : memref<!tpu.dma_semaphore, #tpu.memory_space<semaphore_mem>>) src(%dma_wait3A_26 : memref<125x80xi32, #tpu.memory_space<hbm>>) dst(%arg7 : memref<125x80xi32, #tpu.memory_space<vmem>>)
      tpu.yield
    }) : () -> ()
    "tpu.region"() ({
      %run_scoped3A = tpu.sem_alloc : memref<!tpu.dma_semaphore, #tpu.memory_space<semaphore_mem>>
      %dma_start3A = arith.constant 0 : i32
      %dma_start3A_13 = arith.constant 0 : i32
      %dma_start3A_14 = tpu.memref_slice %arg4[%add3A, %dma_start3A, %dma_start3A_13] : memref<32x125x80xi32, #tpu.memory_space<hbm>> -> memref<1x125x80xi32, #tpu.memory_space<hbm>>
      %dma_start3A_15 = tpu.memref_squeeze %dma_start3A_14 : memref<1x125x80xi32, #tpu.memory_space<hbm>> -> memref<125x80xi32, #tpu.memory_space<hbm>>
      %dma_start3A_16 = arith.constant 0 : i32
      %dma_start3A_17 = arith.constant 0 : i32
      %dma_start3A_18 = tpu.memref_slice %arg4[%add3A, %dma_start3A_16, %dma_start3A_17] : memref<32x125x80xi32, #tpu.memory_space<hbm>> -> memref<1x125x80xi32, #tpu.memory_space<hbm>>
      %dma_start3A_19 = tpu.memref_squeeze %dma_start3A_18 : memref<1x125x80xi32, #tpu.memory_space<hbm>> -> memref<125x80xi32, #tpu.memory_space<hbm>>
      tpu.enqueue_dma source(%dma_start3A_19 : memref<125x80xi32, #tpu.memory_space<hbm>>) target(%arg8 : memref<125x80xi32, #tpu.memory_space<vmem>>) target_semaphore(%run_scoped3A : memref<!tpu.dma_semaphore, #tpu.memory_space<semaphore_mem>>)
      %dma_wait3A = arith.constant 0 : i32
      %dma_wait3A_20 = arith.constant 0 : i32
      %dma_wait3A_21 = tpu.memref_slice %arg4[%add3A, %dma_wait3A, %dma_wait3A_20] : memref<32x125x80xi32, #tpu.memory_space<hbm>> -> memref<1x125x80xi32, #tpu.memory_space<hbm>>
      %dma_wait3A_22 = tpu.memref_squeeze %dma_wait3A_21 : memref<1x125x80xi32, #tpu.memory_space<hbm>> -> memref<125x80xi32, #tpu.memory_space<hbm>>
      %dma_wait3A_23 = arith.constant 0 : i32
      %dma_wait3A_24 = arith.constant 0 : i32
      %dma_wait3A_25 = tpu.memref_slice %arg4[%add3A, %dma_wait3A_23, %dma_wait3A_24] : memref<32x125x80xi32, #tpu.memory_space<hbm>> -> memref<1x125x80xi32, #tpu.memory_space<hbm>>
      %dma_wait3A_26 = tpu.memref_squeeze %dma_wait3A_25 : memref<1x125x80xi32, #tpu.memory_space<hbm>> -> memref<125x80xi32, #tpu.memory_space<hbm>>
      tpu.wait_dma2 semaphore(%run_scoped3A : memref<!tpu.dma_semaphore, #tpu.memory_space<semaphore_mem>>) src(%dma_wait3A_26 : memref<125x80xi32, #tpu.memory_space<hbm>>) dst(%arg8 : memref<125x80xi32, #tpu.memory_space<vmem>>)
      tpu.yield
    }) : () -> ()
    %mul3A_1 = arith.constant 640 : i32
    %mul3A_2 = arith.muli %arg1, %mul3A_1 : i32
    "tpu.region"() ({
      %run_scoped3A = tpu.sem_alloc : memref<!tpu.dma_semaphore, #tpu.memory_space<semaphore_mem>>
      %dma_start3A = arith.constant 0 : i32
      %dma_start3A_13 = tpu.memref_slice %arg10[%mul3A_2, %dma_start3A] : memref<10240x128xf32, #tpu.memory_space<vmem_shared>> -> memref<640x128xf32, #tpu.memory_space<vmem_shared>>
      tpu.enqueue_dma source(%arg5 : memref<640x128xf32, #tpu.memory_space<hbm>>) target(%dma_start3A_13 : memref<640x128xf32, #tpu.memory_space<vmem_shared>>) target_semaphore(%run_scoped3A : memref<!tpu.dma_semaphore, #tpu.memory_space<semaphore_mem>>)
      %dma_wait3A = arith.constant 0 : i32
      %dma_wait3A_14 = tpu.memref_slice %arg10[%mul3A_2, %dma_wait3A] : memref<10240x128xf32, #tpu.memory_space<vmem_shared>> -> memref<640x128xf32, #tpu.memory_space<vmem_shared>>
      tpu.wait_dma2 semaphore(%run_scoped3A : memref<!tpu.dma_semaphore, #tpu.memory_space<semaphore_mem>>) src(%arg5 : memref<640x128xf32, #tpu.memory_space<hbm>>) dst(%dma_wait3A_14 : memref<640x128xf32, #tpu.memory_space<vmem_shared>>)
      tpu.yield
    }) : () -> ()
    %barrier3A = arith.constant 0 : index
    tpu.barrier barrier_id(%barrier3A)
    %scan3A = arith.constant 0 : i32
    %scan3A_3 = arith.constant 0 : i32
    %scan3A_4 = arith.constant 125 : i32
    %scan3A_5 = arith.addi %scan3A_3, %scan3A_4 : i32
    %scan3A_6 = arith.constant 1 : i32
    scf.for %scan3A_13 = %scan3A_3 to %scan3A_5 step %scan3A_6  : i32 {
      "tpu.region"() ({
        %run_scoped3A = tpu.sem_alloc : memref<!tpu.dma_semaphore, #tpu.memory_space<semaphore_mem>>
        %dma_start3A = arith.constant 0 : i32
        %dma_start3A_14 = tpu.memref_slice %arg7[%scan3A_13, %dma_start3A] : memref<125x80xi32, #tpu.memory_space<vmem>> -> memref<1x80xi32, #tpu.memory_space<vmem>>
        %dma_start3A_15 = tpu.memref_squeeze %dma_start3A_14 : memref<1x80xi32, #tpu.memory_space<vmem>> -> memref<80xi32, #tpu.memory_space<vmem>>
        %dma_start3A_16 = arith.constant 0 : i32
        %dma_start3A_17 = arith.constant 0 : i32
        %dma_start3A_18 = tpu.memref_slice %arg2[%dma_start3A_16, %dma_start3A_17] : memref<10000x128xf32, #tpu.memory_space<hbm>> -> memref<10000x128xf32, #tpu.memory_space<hbm>>
        tpu.enqueue_indirect_dma source(%dma_start3A_18 : memref<10000x128xf32, #tpu.memory_space<hbm>>) target(%arg9 : memref<80x128xf32, #tpu.memory_space<vmem>>) offsets(%dma_start3A_15 : memref<80xi32, #tpu.memory_space<vmem>>) semaphore(%run_scoped3A : memref<!tpu.dma_semaphore, #tpu.memory_space<semaphore_mem>>)
        %dma_wait3A = arith.constant 0 : i32
        %dma_wait3A_19 = tpu.memref_slice %arg7[%scan3A_13, %dma_wait3A] : memref<125x80xi32, #tpu.memory_space<vmem>> -> memref<1x80xi32, #tpu.memory_space<vmem>>
        %dma_wait3A_20 = tpu.memref_squeeze %dma_wait3A_19 : memref<1x80xi32, #tpu.memory_space<vmem>> -> memref<80xi32, #tpu.memory_space<vmem>>
        %dma_wait3A_21 = arith.constant 0 : i32
        %dma_wait3A_22 = arith.constant 0 : i32
        %dma_wait3A_23 = tpu.memref_slice %arg2[%dma_wait3A_21, %dma_wait3A_22] : memref<10000x128xf32, #tpu.memory_space<hbm>> -> memref<10000x128xf32, #tpu.memory_space<hbm>>
        tpu.wait_indirect_dma semaphore(%run_scoped3A : memref<!tpu.dma_semaphore, #tpu.memory_space<semaphore_mem>>) src(%dma_wait3A_23 : memref<10000x128xf32, #tpu.memory_space<hbm>>) dst(%arg9 : memref<80x128xf32, #tpu.memory_space<vmem>>)
        tpu.yield
      }) : () -> ()
      "tpu.region"() ({
        %run_scoped3A = tpu.sem_alloc : memref<!tpu.dma_semaphore, #tpu.memory_space<semaphore_mem>>
        %dma_start3A = arith.constant 0 : i32
        %dma_start3A_14 = tpu.memref_slice %arg8[%scan3A_13, %dma_start3A] : memref<125x80xi32, #tpu.memory_space<vmem>> -> memref<1x80xi32, #tpu.memory_space<vmem>>
        %dma_start3A_15 = tpu.memref_squeeze %dma_start3A_14 : memref<1x80xi32, #tpu.memory_space<vmem>> -> memref<80xi32, #tpu.memory_space<vmem>>
        %dma_start3A_16 = arith.constant 0 : i32
        %dma_start3A_17 = arith.constant 0 : i32
        %dma_start3A_18 = tpu.memref_slice %arg10[%dma_start3A_16, %dma_start3A_17] : memref<10240x128xf32, #tpu.memory_space<vmem_shared>> -> memref<10240x128xf32, #tpu.memory_space<vmem_shared>>
        tpu.enqueue_indirect_dma source(%arg9 : memref<80x128xf32, #tpu.memory_space<vmem>>) target(%dma_start3A_18 : memref<10240x128xf32, #tpu.memory_space<vmem_shared>>) offsets(%dma_start3A_15 : memref<80xi32, #tpu.memory_space<vmem>>) semaphore(%run_scoped3A : memref<!tpu.dma_semaphore, #tpu.memory_space<semaphore_mem>>) {add = true}
        %dma_wait3A = arith.constant 0 : i32
        %dma_wait3A_19 = tpu.memref_slice %arg8[%scan3A_13, %dma_wait3A] : memref<125x80xi32, #tpu.memory_space<vmem>> -> memref<1x80xi32, #tpu.memory_space<vmem>>
        %dma_wait3A_20 = tpu.memref_squeeze %dma_wait3A_19 : memref<1x80xi32, #tpu.memory_space<vmem>> -> memref<80xi32, #tpu.memory_space<vmem>>
        %dma_wait3A_21 = arith.constant 0 : i32
        %dma_wait3A_22 = arith.constant 0 : i32
        %dma_wait3A_23 = tpu.memref_slice %arg10[%dma_wait3A_21, %dma_wait3A_22] : memref<10240x128xf32, #tpu.memory_space<vmem_shared>> -> memref<10240x128xf32, #tpu.memory_space<vmem_shared>>
        tpu.wait_indirect_dma semaphore(%run_scoped3A : memref<!tpu.dma_semaphore, #tpu.memory_space<semaphore_mem>>) src(%arg9 : memref<80x128xf32, #tpu.memory_space<vmem>>) dst(%dma_wait3A_23 : memref<10240x128xf32, #tpu.memory_space<vmem_shared>>)
        tpu.yield
      }) : () -> ()
    }
    %scan3A_7 = arith.constant 125 : i32
    %barrier3A_8 = arith.constant 0 : index
    tpu.barrier barrier_id(%barrier3A_8)
    %mul3A_9 = arith.constant 640 : i32
    %mul3A_10 = arith.muli %arg1, %mul3A_9 : i32
    %mul3A_11 = arith.constant 640 : i32
    %mul3A_12 = arith.muli %arg1, %mul3A_11 : i32
    "tpu.region"() ({
      %run_scoped3A = tpu.sem_alloc : memref<!tpu.dma_semaphore, #tpu.memory_space<semaphore_mem>>
      %dma_start3A = arith.constant 0 : i32
      %dma_start3A_13 = tpu.memref_slice %arg6[%arg0, %mul3A_12, %dma_start3A] : memref<2x10240x128xf32, #tpu.memory_space<hbm>> -> memref<1x640x128xf32, #tpu.memory_space<hbm>>
      %dma_start3A_14 = tpu.memref_squeeze %dma_start3A_13 : memref<1x640x128xf32, #tpu.memory_space<hbm>> -> memref<640x128xf32, #tpu.memory_space<hbm>>
      %dma_start3A_15 = arith.constant 0 : i32
      %dma_start3A_16 = tpu.memref_slice %arg10[%mul3A_10, %dma_start3A_15] : memref<10240x128xf32, #tpu.memory_space<vmem_shared>> -> memref<640x128xf32, #tpu.memory_space<vmem_shared>>
      tpu.enqueue_dma source(%dma_start3A_16 : memref<640x128xf32, #tpu.memory_space<vmem_shared>>) target(%dma_start3A_14 : memref<640x128xf32, #tpu.memory_space<hbm>>) target_semaphore(%run_scoped3A : memref<!tpu.dma_semaphore, #tpu.memory_space<semaphore_mem>>)
      %dma_wait3A = arith.constant 0 : i32
      %dma_wait3A_17 = tpu.memref_slice %arg6[%arg0, %mul3A_12, %dma_wait3A] : memref<2x10240x128xf32, #tpu.memory_space<hbm>> -> memref<1x640x128xf32, #tpu.memory_space<hbm>>
      %dma_wait3A_18 = tpu.memref_squeeze %dma_wait3A_17 : memref<1x640x128xf32, #tpu.memory_space<hbm>> -> memref<640x128xf32, #tpu.memory_space<hbm>>
      %dma_wait3A_19 = arith.constant 0 : i32
      %dma_wait3A_20 = tpu.memref_slice %arg10[%mul3A_10, %dma_wait3A_19] : memref<10240x128xf32, #tpu.memory_space<vmem_shared>> -> memref<640x128xf32, #tpu.memory_space<vmem_shared>>
      tpu.wait_dma2 semaphore(%run_scoped3A : memref<!tpu.dma_semaphore, #tpu.memory_space<semaphore_mem>>) src(%dma_wait3A_20 : memref<640x128xf32, #tpu.memory_space<vmem_shared>>) dst(%dma_wait3A_18 : memref<640x128xf32, #tpu.memory_space<hbm>>)
      tpu.yield
    }) : () -> ()
    return
  }
}

#map = affine_map<(d0, d1) -> (0, 0)>
#map1 = affine_map<(d0, d1) -> (0, 0, 0)>
module attributes {stable_mosaic.version = 14 : i64} {
  func.func @_sc_spmm_body(%arg0: i32, %arg1: i32, %arg2: memref<10000x128xf32, #tpu.memory_space<hbm>>, %arg3: memref<32x125x80xi32, #tpu.memory_space<hbm>>, %arg4: memref<32x125x80xi32, #tpu.memory_space<hbm>>, %arg5: memref<640x128xf32, #tpu.memory_space<hbm>>, %arg6: memref<2x10240x128xf32, #tpu.memory_space<hbm>>, %arg7: memref<125x80xi32, #tpu.memory_space<vmem>>, %arg8: memref<125x80xi32, #tpu.memory_space<vmem>>, %arg9: memref<80x128xf32, #tpu.memory_space<vmem>>, %arg10: memref<10240x128xf32, #tpu.memory_space<vmem_shared>>) attributes {dimension_semantics = [#tpu.dimension_semantics<core_parallel>, #tpu.dimension_semantics<subcore_parallel>], iteration_bounds = array<i64: 2, 16>, scalar_prefetch = 0 : i64, scratch_operands = 4 : i64, tpu.core_type = #tpu.core_type<sc_vector_subcore>, window_params = [{transform_indices = #map}, {transform_indices = #map1}, {transform_indices = #map1}, {transform_indices = #map}, {transform_indices = #map1}]} {
    %mul3A = arith.constant 2 : i32
    %mul3A_0 = arith.muli %arg1, %mul3A : i32
    %add3A = arith.addi %mul3A_0, %arg0 : i32
    "tpu.region"() ({
      %run_scoped3A = tpu.sem_alloc : memref<!tpu.dma_semaphore, #tpu.memory_space<semaphore_mem>>
      %dma_start3A = arith.constant 0 : i32
      %dma_start3A_13 = arith.constant 0 : i32
      %dma_start3A_14 = tpu.memref_slice %arg3[%add3A, %dma_start3A, %dma_start3A_13] : memref<32x125x80xi32, #tpu.memory_space<hbm>> -> memref<1x125x80xi32, #tpu.memory_space<hbm>>
      %dma_start3A_15 = tpu.memref_squeeze %dma_start3A_14 : memref<1x125x80xi32, #tpu.memory_space<hbm>> -> memref<125x80xi32, #tpu.memory_space<hbm>>
      %dma_start3A_16 = arith.constant 0 : i32
      %dma_start3A_17 = arith.constant 0 : i32
      %dma_start3A_18 = tpu.memref_slice %arg3[%add3A, %dma_start3A_16, %dma_start3A_17] : memref<32x125x80xi32, #tpu.memory_space<hbm>> -> memref<1x125x80xi32, #tpu.memory_space<hbm>>
      %dma_start3A_19 = tpu.memref_squeeze %dma_start3A_18 : memref<1x125x80xi32, #tpu.memory_space<hbm>> -> memref<125x80xi32, #tpu.memory_space<hbm>>
      tpu.enqueue_dma source(%dma_start3A_19 : memref<125x80xi32, #tpu.memory_space<hbm>>) target(%arg7 : memref<125x80xi32, #tpu.memory_space<vmem>>) target_semaphore(%run_scoped3A : memref<!tpu.dma_semaphore, #tpu.memory_space<semaphore_mem>>)
      %dma_wait3A = arith.constant 0 : i32
      %dma_wait3A_20 = arith.constant 0 : i32
      %dma_wait3A_21 = tpu.memref_slice %arg3[%add3A, %dma_wait3A, %dma_wait3A_20] : memref<32x125x80xi32, #tpu.memory_space<hbm>> -> memref<1x125x80xi32, #tpu.memory_space<hbm>>
      %dma_wait3A_22 = tpu.memref_squeeze %dma_wait3A_21 : memref<1x125x80xi32, #tpu.memory_space<hbm>> -> memref<125x80xi32, #tpu.memory_space<hbm>>
      %dma_wait3A_23 = arith.constant 0 : i32
      %dma_wait3A_24 = arith.constant 0 : i32
      %dma_wait3A_25 = tpu.memref_slice %arg3[%add3A, %dma_wait3A_23, %dma_wait3A_24] : memref<32x125x80xi32, #tpu.memory_space<hbm>> -> memref<1x125x80xi32, #tpu.memory_space<hbm>>
      %dma_wait3A_26 = tpu.memref_squeeze %dma_wait3A_25 : memref<1x125x80xi32, #tpu.memory_space<hbm>> -> memref<125x80xi32, #tpu.memory_space<hbm>>
      tpu.wait_dma2 semaphore(%run_scoped3A : memref<!tpu.dma_semaphore, #tpu.memory_space<semaphore_mem>>) src(%dma_wait3A_26 : memref<125x80xi32, #tpu.memory_space<hbm>>) dst(%arg7 : memref<125x80xi32, #tpu.memory_space<vmem>>)
      tpu.yield
    }) : () -> ()
    "tpu.region"() ({
      %run_scoped3A = tpu.sem_alloc : memref<!tpu.dma_semaphore, #tpu.memory_space<semaphore_mem>>
      %dma_start3A = arith.constant 0 : i32
      %dma_start3A_13 = arith.constant 0 : i32
      %dma_start3A_14 = tpu.memref_slice %arg4[%add3A, %dma_start3A, %dma_start3A_13] : memref<32x125x80xi32, #tpu.memory_space<hbm>> -> memref<1x125x80xi32, #tpu.memory_space<hbm>>
      %dma_start3A_15 = tpu.memref_squeeze %dma_start3A_14 : memref<1x125x80xi32, #tpu.memory_space<hbm>> -> memref<125x80xi32, #tpu.memory_space<hbm>>
      %dma_start3A_16 = arith.constant 0 : i32
      %dma_start3A_17 = arith.constant 0 : i32
      %dma_start3A_18 = tpu.memref_slice %arg4[%add3A, %dma_start3A_16, %dma_start3A_17] : memref<32x125x80xi32, #tpu.memory_space<hbm>> -> memref<1x125x80xi32, #tpu.memory_space<hbm>>
      %dma_start3A_19 = tpu.memref_squeeze %dma_start3A_18 : memref<1x125x80xi32, #tpu.memory_space<hbm>> -> memref<125x80xi32, #tpu.memory_space<hbm>>
      tpu.enqueue_dma source(%dma_start3A_19 : memref<125x80xi32, #tpu.memory_space<hbm>>) target(%arg8 : memref<125x80xi32, #tpu.memory_space<vmem>>) target_semaphore(%run_scoped3A : memref<!tpu.dma_semaphore, #tpu.memory_space<semaphore_mem>>)
      %dma_wait3A = arith.constant 0 : i32
      %dma_wait3A_20 = arith.constant 0 : i32
      %dma_wait3A_21 = tpu.memref_slice %arg4[%add3A, %dma_wait3A, %dma_wait3A_20] : memref<32x125x80xi32, #tpu.memory_space<hbm>> -> memref<1x125x80xi32, #tpu.memory_space<hbm>>
      %dma_wait3A_22 = tpu.memref_squeeze %dma_wait3A_21 : memref<1x125x80xi32, #tpu.memory_space<hbm>> -> memref<125x80xi32, #tpu.memory_space<hbm>>
      %dma_wait3A_23 = arith.constant 0 : i32
      %dma_wait3A_24 = arith.constant 0 : i32
      %dma_wait3A_25 = tpu.memref_slice %arg4[%add3A, %dma_wait3A_23, %dma_wait3A_24] : memref<32x125x80xi32, #tpu.memory_space<hbm>> -> memref<1x125x80xi32, #tpu.memory_space<hbm>>
      %dma_wait3A_26 = tpu.memref_squeeze %dma_wait3A_25 : memref<1x125x80xi32, #tpu.memory_space<hbm>> -> memref<125x80xi32, #tpu.memory_space<hbm>>
      tpu.wait_dma2 semaphore(%run_scoped3A : memref<!tpu.dma_semaphore, #tpu.memory_space<semaphore_mem>>) src(%dma_wait3A_26 : memref<125x80xi32, #tpu.memory_space<hbm>>) dst(%arg8 : memref<125x80xi32, #tpu.memory_space<vmem>>)
      tpu.yield
    }) : () -> ()
    %mul3A_1 = arith.constant 640 : i32
    %mul3A_2 = arith.muli %arg1, %mul3A_1 : i32
    "tpu.region"() ({
      %run_scoped3A = tpu.sem_alloc : memref<!tpu.dma_semaphore, #tpu.memory_space<semaphore_mem>>
      %dma_start3A = arith.constant 0 : i32
      %dma_start3A_13 = tpu.memref_slice %arg10[%mul3A_2, %dma_start3A] : memref<10240x128xf32, #tpu.memory_space<vmem_shared>> -> memref<640x128xf32, #tpu.memory_space<vmem_shared>>
      tpu.enqueue_dma source(%arg5 : memref<640x128xf32, #tpu.memory_space<hbm>>) target(%dma_start3A_13 : memref<640x128xf32, #tpu.memory_space<vmem_shared>>) target_semaphore(%run_scoped3A : memref<!tpu.dma_semaphore, #tpu.memory_space<semaphore_mem>>)
      %dma_wait3A = arith.constant 0 : i32
      %dma_wait3A_14 = tpu.memref_slice %arg10[%mul3A_2, %dma_wait3A] : memref<10240x128xf32, #tpu.memory_space<vmem_shared>> -> memref<640x128xf32, #tpu.memory_space<vmem_shared>>
      tpu.wait_dma2 semaphore(%run_scoped3A : memref<!tpu.dma_semaphore, #tpu.memory_space<semaphore_mem>>) src(%arg5 : memref<640x128xf32, #tpu.memory_space<hbm>>) dst(%dma_wait3A_14 : memref<640x128xf32, #tpu.memory_space<vmem_shared>>)
      tpu.yield
    }) : () -> ()
    %barrier3A = arith.constant 0 : index
    tpu.barrier barrier_id(%barrier3A)
    %scan3A = arith.constant 0 : i32
    %scan3A_3 = arith.constant 0 : i32
    %scan3A_4 = arith.constant 125 : i32
    %scan3A_5 = arith.addi %scan3A_3, %scan3A_4 : i32
    %scan3A_6 = arith.constant 1 : i32
    scf.for %scan3A_13 = %scan3A_3 to %scan3A_5 step %scan3A_6  : i32 {
      "tpu.region"() ({
        %run_scoped3A = tpu.sem_alloc : memref<!tpu.dma_semaphore, #tpu.memory_space<semaphore_mem>>
        %dma_start3A = arith.constant 0 : i32
        %dma_start3A_14 = tpu.memref_slice %arg7[%scan3A_13, %dma_start3A] : memref<125x80xi32, #tpu.memory_space<vmem>> -> memref<1x80xi32, #tpu.memory_space<vmem>>
        %dma_start3A_15 = tpu.memref_squeeze %dma_start3A_14 : memref<1x80xi32, #tpu.memory_space<vmem>> -> memref<80xi32, #tpu.memory_space<vmem>>
        %dma_start3A_16 = arith.constant 0 : i32
        %dma_start3A_17 = arith.constant 0 : i32
        %dma_start3A_18 = tpu.memref_slice %arg2[%dma_start3A_16, %dma_start3A_17] : memref<10000x128xf32, #tpu.memory_space<hbm>> -> memref<10000x128xf32, #tpu.memory_space<hbm>>
        tpu.enqueue_indirect_dma source(%dma_start3A_18 : memref<10000x128xf32, #tpu.memory_space<hbm>>) target(%arg9 : memref<80x128xf32, #tpu.memory_space<vmem>>) offsets(%dma_start3A_15 : memref<80xi32, #tpu.memory_space<vmem>>) semaphore(%run_scoped3A : memref<!tpu.dma_semaphore, #tpu.memory_space<semaphore_mem>>)
        %dma_wait3A = arith.constant 0 : i32
        %dma_wait3A_19 = tpu.memref_slice %arg7[%scan3A_13, %dma_wait3A] : memref<125x80xi32, #tpu.memory_space<vmem>> -> memref<1x80xi32, #tpu.memory_space<vmem>>
        %dma_wait3A_20 = tpu.memref_squeeze %dma_wait3A_19 : memref<1x80xi32, #tpu.memory_space<vmem>> -> memref<80xi32, #tpu.memory_space<vmem>>
        %dma_wait3A_21 = arith.constant 0 : i32
        %dma_wait3A_22 = arith.constant 0 : i32
        %dma_wait3A_23 = tpu.memref_slice %arg2[%dma_wait3A_21, %dma_wait3A_22] : memref<10000x128xf32, #tpu.memory_space<hbm>> -> memref<10000x128xf32, #tpu.memory_space<hbm>>
        tpu.wait_indirect_dma semaphore(%run_scoped3A : memref<!tpu.dma_semaphore, #tpu.memory_space<semaphore_mem>>) src(%dma_wait3A_23 : memref<10000x128xf32, #tpu.memory_space<hbm>>) dst(%arg9 : memref<80x128xf32, #tpu.memory_space<vmem>>)
        tpu.yield
      }) : () -> ()
      "tpu.region"() ({
        %run_scoped3A = tpu.sem_alloc : memref<!tpu.dma_semaphore, #tpu.memory_space<semaphore_mem>>
        %dma_start3A = arith.constant 0 : i32
        %dma_start3A_14 = tpu.memref_slice %arg8[%scan3A_13, %dma_start3A] : memref<125x80xi32, #tpu.memory_space<vmem>> -> memref<1x80xi32, #tpu.memory_space<vmem>>
        %dma_start3A_15 = tpu.memref_squeeze %dma_start3A_14 : memref<1x80xi32, #tpu.memory_space<vmem>> -> memref<80xi32, #tpu.memory_space<vmem>>
        %dma_start3A_16 = arith.constant 0 : i32
        %dma_start3A_17 = arith.constant 0 : i32
        %dma_start3A_18 = tpu.memref_slice %arg10[%dma_start3A_16, %dma_start3A_17] : memref<10240x128xf32, #tpu.memory_space<vmem_shared>> -> memref<10240x128xf32, #tpu.memory_space<vmem_shared>>
        tpu.enqueue_indirect_dma source(%arg9 : memref<80x128xf32, #tpu.memory_space<vmem>>) target(%dma_start3A_18 : memref<10240x128xf32, #tpu.memory_space<vmem_shared>>) offsets(%dma_start3A_15 : memref<80xi32, #tpu.memory_space<vmem>>) semaphore(%run_scoped3A : memref<!tpu.dma_semaphore, #tpu.memory_space<semaphore_mem>>) {add = true}
        %dma_wait3A = arith.constant 0 : i32
        %dma_wait3A_19 = tpu.memref_slice %arg8[%scan3A_13, %dma_wait3A] : memref<125x80xi32, #tpu.memory_space<vmem>> -> memref<1x80xi32, #tpu.memory_space<vmem>>
        %dma_wait3A_20 = tpu.memref_squeeze %dma_wait3A_19 : memref<1x80xi32, #tpu.memory_space<vmem>> -> memref<80xi32, #tpu.memory_space<vmem>>
        %dma_wait3A_21 = arith.constant 0 : i32
        %dma_wait3A_22 = arith.constant 0 : i32
        %dma_wait3A_23 = tpu.memref_slice %arg10[%dma_wait3A_21, %dma_wait3A_22] : memref<10240x128xf32, #tpu.memory_space<vmem_shared>> -> memref<10240x128xf32, #tpu.memory_space<vmem_shared>>
        tpu.wait_indirect_dma semaphore(%run_scoped3A : memref<!tpu.dma_semaphore, #tpu.memory_space<semaphore_mem>>) src(%arg9 : memref<80x128xf32, #tpu.memory_space<vmem>>) dst(%dma_wait3A_23 : memref<10240x128xf32, #tpu.memory_space<vmem_shared>>)
        tpu.yield
      }) : () -> ()
    }
    %scan3A_7 = arith.constant 125 : i32
    %barrier3A_8 = arith.constant 0 : index
    tpu.barrier barrier_id(%barrier3A_8)
    %mul3A_9 = arith.constant 640 : i32
    %mul3A_10 = arith.muli %arg1, %mul3A_9 : i32
    %mul3A_11 = arith.constant 640 : i32
    %mul3A_12 = arith.muli %arg1, %mul3A_11 : i32
    "tpu.region"() ({
      %run_scoped3A = tpu.sem_alloc : memref<!tpu.dma_semaphore, #tpu.memory_space<semaphore_mem>>
      %dma_start3A = arith.constant 0 : i32
      %dma_start3A_13 = tpu.memref_slice %arg6[%arg0, %mul3A_12, %dma_start3A] : memref<2x10240x128xf32, #tpu.memory_space<hbm>> -> memref<1x640x128xf32, #tpu.memory_space<hbm>>
      %dma_start3A_14 = tpu.memref_squeeze %dma_start3A_13 : memref<1x640x128xf32, #tpu.memory_space<hbm>> -> memref<640x128xf32, #tpu.memory_space<hbm>>
      %dma_start3A_15 = arith.constant 0 : i32
      %dma_start3A_16 = tpu.memref_slice %arg10[%mul3A_10, %dma_start3A_15] : memref<10240x128xf32, #tpu.memory_space<vmem_shared>> -> memref<640x128xf32, #tpu.memory_space<vmem_shared>>
      tpu.enqueue_dma source(%dma_start3A_16 : memref<640x128xf32, #tpu.memory_space<vmem_shared>>) target(%dma_start3A_14 : memref<640x128xf32, #tpu.memory_space<hbm>>) target_semaphore(%run_scoped3A : memref<!tpu.dma_semaphore, #tpu.memory_space<semaphore_mem>>)
      %dma_wait3A = arith.constant 0 : i32
      %dma_wait3A_17 = tpu.memref_slice %arg6[%arg0, %mul3A_12, %dma_wait3A] : memref<2x10240x128xf32, #tpu.memory_space<hbm>> -> memref<1x640x128xf32, #tpu.memory_space<hbm>>
      %dma_wait3A_18 = tpu.memref_squeeze %dma_wait3A_17 : memref<1x640x128xf32, #tpu.memory_space<hbm>> -> memref<640x128xf32, #tpu.memory_space<hbm>>
      %dma_wait3A_19 = arith.constant 0 : i32
      %dma_wait3A_20 = tpu.memref_slice %arg10[%mul3A_10, %dma_wait3A_19] : memref<10240x128xf32, #tpu.memory_space<vmem_shared>> -> memref<640x128xf32, #tpu.memory_space<vmem_shared>>
      tpu.wait_dma2 semaphore(%run_scoped3A : memref<!tpu.dma_semaphore, #tpu.memory_space<semaphore_mem>>) src(%dma_wait3A_20 : memref<640x128xf32, #tpu.memory_space<vmem_shared>>) dst(%dma_wait3A_18 : memref<640x128xf32, #tpu.memory_space<hbm>>)
      tpu.yield
    }) : () -> ()
    return
  }
}

#map = affine_map<(d0, d1) -> (0, 0, 0)>
#map1 = affine_map<(d0, d1) -> (0)>
#map2 = affine_map<(d0, d1) -> (0, 0)>
module attributes {stable_mosaic.version = 14 : i64} {
  func.func @_sc_deg_body(%arg0: i32, %arg1: i32, %arg2: memref<32x125x80xi32, #tpu.memory_space<hbm>>, %arg3: memref<640xf32, #tpu.memory_space<hbm>>, %arg4: memref<2x10240xf32, #tpu.memory_space<hbm>>, %arg5: memref<125x80xi32, #tpu.memory_space<vmem>>, %arg6: memref<80xf32, #tpu.memory_space<vmem>>, %arg7: memref<10240xf32, #tpu.memory_space<vmem_shared>>) attributes {dimension_semantics = [#tpu.dimension_semantics<core_parallel>, #tpu.dimension_semantics<subcore_parallel>], iteration_bounds = array<i64: 2, 16>, scalar_prefetch = 0 : i64, scratch_operands = 3 : i64, tpu.core_type = #tpu.core_type<sc_vector_subcore>, window_params = [{transform_indices = #map}, {transform_indices = #map1}, {transform_indices = #map2}]} {
    %mul3A = arith.constant 2 : i32
    %mul3A_0 = arith.muli %arg1, %mul3A : i32
    %add3A = arith.addi %mul3A_0, %arg0 : i32
    "tpu.region"() ({
      %run_scoped3A = tpu.sem_alloc : memref<!tpu.dma_semaphore, #tpu.memory_space<semaphore_mem>>
      %dma_start3A = arith.constant 0 : i32
      %dma_start3A_41 = arith.constant 0 : i32
      %dma_start3A_42 = tpu.memref_slice %arg2[%add3A, %dma_start3A, %dma_start3A_41] : memref<32x125x80xi32, #tpu.memory_space<hbm>> -> memref<1x125x80xi32, #tpu.memory_space<hbm>>
      %dma_start3A_43 = tpu.memref_squeeze %dma_start3A_42 : memref<1x125x80xi32, #tpu.memory_space<hbm>> -> memref<125x80xi32, #tpu.memory_space<hbm>>
      %dma_start3A_44 = arith.constant 0 : i32
      %dma_start3A_45 = arith.constant 0 : i32
      %dma_start3A_46 = tpu.memref_slice %arg2[%add3A, %dma_start3A_44, %dma_start3A_45] : memref<32x125x80xi32, #tpu.memory_space<hbm>> -> memref<1x125x80xi32, #tpu.memory_space<hbm>>
      %dma_start3A_47 = tpu.memref_squeeze %dma_start3A_46 : memref<1x125x80xi32, #tpu.memory_space<hbm>> -> memref<125x80xi32, #tpu.memory_space<hbm>>
      tpu.enqueue_dma source(%dma_start3A_47 : memref<125x80xi32, #tpu.memory_space<hbm>>) target(%arg5 : memref<125x80xi32, #tpu.memory_space<vmem>>) target_semaphore(%run_scoped3A : memref<!tpu.dma_semaphore, #tpu.memory_space<semaphore_mem>>)
      %dma_wait3A = arith.constant 0 : i32
      %dma_wait3A_48 = arith.constant 0 : i32
      %dma_wait3A_49 = tpu.memref_slice %arg2[%add3A, %dma_wait3A, %dma_wait3A_48] : memref<32x125x80xi32, #tpu.memory_space<hbm>> -> memref<1x125x80xi32, #tpu.memory_space<hbm>>
      %dma_wait3A_50 = tpu.memref_squeeze %dma_wait3A_49 : memref<1x125x80xi32, #tpu.memory_space<hbm>> -> memref<125x80xi32, #tpu.memory_space<hbm>>
      %dma_wait3A_51 = arith.constant 0 : i32
      %dma_wait3A_52 = arith.constant 0 : i32
      %dma_wait3A_53 = tpu.memref_slice %arg2[%add3A, %dma_wait3A_51, %dma_wait3A_52] : memref<32x125x80xi32, #tpu.memory_space<hbm>> -> memref<1x125x80xi32, #tpu.memory_space<hbm>>
      %dma_wait3A_54 = tpu.memref_squeeze %dma_wait3A_53 : memref<1x125x80xi32, #tpu.memory_space<hbm>> -> memref<125x80xi32, #tpu.memory_space<hbm>>
      tpu.wait_dma2 semaphore(%run_scoped3A : memref<!tpu.dma_semaphore, #tpu.memory_space<semaphore_mem>>) src(%dma_wait3A_54 : memref<125x80xi32, #tpu.memory_space<hbm>>) dst(%arg5 : memref<125x80xi32, #tpu.memory_space<vmem>>)
      tpu.yield
    }) : () -> ()
    %mul3A_1 = arith.constant 640 : i32
    %mul3A_2 = arith.muli %arg1, %mul3A_1 : i32
    "tpu.region"() ({
      %run_scoped3A = tpu.sem_alloc : memref<!tpu.dma_semaphore, #tpu.memory_space<semaphore_mem>>
      %dma_start3A = tpu.memref_slice %arg7[%mul3A_2] : memref<10240xf32, #tpu.memory_space<vmem_shared>> -> memref<640xf32, #tpu.memory_space<vmem_shared>>
      tpu.enqueue_dma source(%arg3 : memref<640xf32, #tpu.memory_space<hbm>>) target(%dma_start3A : memref<640xf32, #tpu.memory_space<vmem_shared>>) target_semaphore(%run_scoped3A : memref<!tpu.dma_semaphore, #tpu.memory_space<semaphore_mem>>)
      %dma_wait3A = tpu.memref_slice %arg7[%mul3A_2] : memref<10240xf32, #tpu.memory_space<vmem_shared>> -> memref<640xf32, #tpu.memory_space<vmem_shared>>
      tpu.wait_dma2 semaphore(%run_scoped3A : memref<!tpu.dma_semaphore, #tpu.memory_space<semaphore_mem>>) src(%arg3 : memref<640xf32, #tpu.memory_space<hbm>>) dst(%dma_wait3A : memref<640xf32, #tpu.memory_space<vmem_shared>>)
      tpu.yield
    }) : () -> ()
    %broadcast_in_dim3A = arith.constant 1.000000e+00 : f32
    %broadcast_in_dim3A_3 = vector.broadcast %broadcast_in_dim3A : f32 to vector<16xf32>
    %swap3A = arith.constant 0 : index
    %swap3A_4 = tpu.vector_load %arg6[%swap3A] {strides = array<i32>} : memref<80xf32, #tpu.memory_space<vmem>>, vector<16xf32>,
    %swap3A_5 = vector.shape_cast %swap3A_4 : vector<16xf32> to vector<16xf32>
    %swap3A_6 = vector.shape_cast %broadcast_in_dim3A_3 : vector<16xf32> to vector<16xf32>
    tpu.vector_store %arg6[%swap3A], %swap3A_6 {strides = array<i32>} : memref<80xf32, #tpu.memory_space<vmem>>, vector<16xf32>,
    %broadcast_in_dim3A_7 = arith.constant 1.000000e+00 : f32
    %broadcast_in_dim3A_8 = vector.broadcast %broadcast_in_dim3A_7 : f32 to vector<16xf32>
    %swap3A_9 = arith.constant 16 : index
    %swap3A_10 = tpu.vector_load %arg6[%swap3A_9] {strides = array<i32>} : memref<80xf32, #tpu.memory_space<vmem>>, vector<16xf32>,
    %swap3A_11 = vector.shape_cast %swap3A_10 : vector<16xf32> to vector<16xf32>
    %swap3A_12 = vector.shape_cast %broadcast_in_dim3A_8 : vector<16xf32> to vector<16xf32>
    tpu.vector_store %arg6[%swap3A_9], %swap3A_12 {strides = array<i32>} : memref<80xf32, #tpu.memory_space<vmem>>, vector<16xf32>,
    %broadcast_in_dim3A_13 = arith.constant 1.000000e+00 : f32
    %broadcast_in_dim3A_14 = vector.broadcast %broadcast_in_dim3A_13 : f32 to vector<16xf32>
    %swap3A_15 = arith.constant 32 : index
    %swap3A_16 = tpu.vector_load %arg6[%swap3A_15] {strides = array<i32>} : memref<80xf32, #tpu.memory_space<vmem>>, vector<16xf32>,
    %swap3A_17 = vector.shape_cast %swap3A_16 : vector<16xf32> to vector<16xf32>
    %swap3A_18 = vector.shape_cast %broadcast_in_dim3A_14 : vector<16xf32> to vector<16xf32>
    tpu.vector_store %arg6[%swap3A_15], %swap3A_18 {strides = array<i32>} : memref<80xf32, #tpu.memory_space<vmem>>, vector<16xf32>,
    %broadcast_in_dim3A_19 = arith.constant 1.000000e+00 : f32
    %broadcast_in_dim3A_20 = vector.broadcast %broadcast_in_dim3A_19 : f32 to vector<16xf32>
    %swap3A_21 = arith.constant 48 : index
    %swap3A_22 = tpu.vector_load %arg6[%swap3A_21] {strides = array<i32>} : memref<80xf32, #tpu.memory_space<vmem>>, vector<16xf32>,
    %swap3A_23 = vector.shape_cast %swap3A_22 : vector<16xf32> to vector<16xf32>
    %swap3A_24 = vector.shape_cast %broadcast_in_dim3A_20 : vector<16xf32> to vector<16xf32>
    tpu.vector_store %arg6[%swap3A_21], %swap3A_24 {strides = array<i32>} : memref<80xf32, #tpu.memory_space<vmem>>, vector<16xf32>,
    %broadcast_in_dim3A_25 = arith.constant 1.000000e+00 : f32
    %broadcast_in_dim3A_26 = vector.broadcast %broadcast_in_dim3A_25 : f32 to vector<16xf32>
    %swap3A_27 = arith.constant 64 : index
    %swap3A_28 = tpu.vector_load %arg6[%swap3A_27] {strides = array<i32>} : memref<80xf32, #tpu.memory_space<vmem>>, vector<16xf32>,
    %swap3A_29 = vector.shape_cast %swap3A_28 : vector<16xf32> to vector<16xf32>
    %swap3A_30 = vector.shape_cast %broadcast_in_dim3A_26 : vector<16xf32> to vector<16xf32>
    tpu.vector_store %arg6[%swap3A_27], %swap3A_30 {strides = array<i32>} : memref<80xf32, #tpu.memory_space<vmem>>, vector<16xf32>,
    %barrier3A = arith.constant 0 : index
    tpu.barrier barrier_id(%barrier3A)
    %scan3A = arith.constant 0 : i32
    %scan3A_31 = arith.constant 0 : i32
    %scan3A_32 = arith.constant 125 : i32
    %scan3A_33 = arith.addi %scan3A_31, %scan3A_32 : i32
    %scan3A_34 = arith.constant 1 : i32
    scf.for %scan3A_41 = %scan3A_31 to %scan3A_33 step %scan3A_34  : i32 {
      "tpu.region"() ({
        %run_scoped3A = tpu.sem_alloc : memref<!tpu.dma_semaphore, #tpu.memory_space<semaphore_mem>>
        %dma_start3A = arith.constant 0 : i32
        %dma_start3A_42 = tpu.memref_slice %arg5[%scan3A_41, %dma_start3A] : memref<125x80xi32, #tpu.memory_space<vmem>> -> memref<1x80xi32, #tpu.memory_space<vmem>>
        %dma_start3A_43 = tpu.memref_squeeze %dma_start3A_42 : memref<1x80xi32, #tpu.memory_space<vmem>> -> memref<80xi32, #tpu.memory_space<vmem>>
        %dma_start3A_44 = arith.constant 0 : i32
        %dma_start3A_45 = tpu.memref_slice %arg7[%dma_start3A_44] : memref<10240xf32, #tpu.memory_space<vmem_shared>> -> memref<10240xf32, #tpu.memory_space<vmem_shared>>
        tpu.enqueue_indirect_dma source(%arg6 : memref<80xf32, #tpu.memory_space<vmem>>) target(%dma_start3A_45 : memref<10240xf32, #tpu.memory_space<vmem_shared>>) offsets(%dma_start3A_43 : memref<80xi32, #tpu.memory_space<vmem>>) semaphore(%run_scoped3A : memref<!tpu.dma_semaphore, #tpu.memory_space<semaphore_mem>>) {add = true}
        %dma_wait3A = arith.constant 0 : i32
        %dma_wait3A_46 = tpu.memref_slice %arg5[%scan3A_41, %dma_wait3A] : memref<125x80xi32, #tpu.memory_space<vmem>> -> memref<1x80xi32, #tpu.memory_space<vmem>>
        %dma_wait3A_47 = tpu.memref_squeeze %dma_wait3A_46 : memref<1x80xi32, #tpu.memory_space<vmem>> -> memref<80xi32, #tpu.memory_space<vmem>>
        %dma_wait3A_48 = arith.constant 0 : i32
        %dma_wait3A_49 = tpu.memref_slice %arg7[%dma_wait3A_48] : memref<10240xf32, #tpu.memory_space<vmem_shared>> -> memref<10240xf32, #tpu.memory_space<vmem_shared>>
        tpu.wait_indirect_dma semaphore(%run_scoped3A : memref<!tpu.dma_semaphore, #tpu.memory_space<semaphore_mem>>) src(%arg6 : memref<80xf32, #tpu.memory_space<vmem>>) dst(%dma_wait3A_49 : memref<10240xf32, #tpu.memory_space<vmem_shared>>)
        tpu.yield
      }) : () -> ()
    }
    %scan3A_35 = arith.constant 125 : i32
    %barrier3A_36 = arith.constant 0 : index
    tpu.barrier barrier_id(%barrier3A_36)
    %mul3A_37 = arith.constant 640 : i32
    %mul3A_38 = arith.muli %arg1, %mul3A_37 : i32
    %mul3A_39 = arith.constant 640 : i32
    %mul3A_40 = arith.muli %arg1, %mul3A_39 : i32
    "tpu.region"() ({
      %run_scoped3A = tpu.sem_alloc : memref<!tpu.dma_semaphore, #tpu.memory_space<semaphore_mem>>
      %dma_start3A = tpu.memref_slice %arg4[%arg0, %mul3A_40] : memref<2x10240xf32, #tpu.memory_space<hbm>> -> memref<1x640xf32, #tpu.memory_space<hbm>>
      %dma_start3A_41 = tpu.memref_squeeze %dma_start3A : memref<1x640xf32, #tpu.memory_space<hbm>> -> memref<640xf32, #tpu.memory_space<hbm>>
      %dma_start3A_42 = tpu.memref_slice %arg7[%mul3A_38] : memref<10240xf32, #tpu.memory_space<vmem_shared>> -> memref<640xf32, #tpu.memory_space<vmem_shared>>
      tpu.enqueue_dma source(%dma_start3A_42 : memref<640xf32, #tpu.memory_space<vmem_shared>>) target(%dma_start3A_41 : memref<640xf32, #tpu.memory_space<hbm>>) target_semaphore(%run_scoped3A : memref<!tpu.dma_semaphore, #tpu.memory_space<semaphore_mem>>)
      %dma_wait3A = tpu.memref_slice %arg4[%arg0, %mul3A_40] : memref<2x10240xf32, #tpu.memory_space<hbm>> -> memref<1x640xf32, #tpu.memory_space<hbm>>
      %dma_wait3A_43 = tpu.memref_squeeze %dma_wait3A : memref<1x640xf32, #tpu.memory_space<hbm>> -> memref<640xf32, #tpu.memory_space<hbm>>
      %dma_wait3A_44 = tpu.memref_slice %arg7[%mul3A_38] : memref<10240xf32, #tpu.memory_space<vmem_shared>> -> memref<640xf32, #tpu.memory_space<vmem_shared>>
      tpu.wait_dma2 semaphore(%run_scoped3A : memref<!tpu.dma_semaphore, #tpu.memory_space<semaphore_mem>>) src(%dma_wait3A_44 : memref<640xf32, #tpu.memory_space<vmem_shared>>) dst(%dma_wait3A_43 : memref<640xf32, #tpu.memory_space<hbm>>)
      tpu.yield
    }) : () -> ()
    return
  }
}

#map = affine_map<(d0, d1) -> (0, 0)>
#map1 = affine_map<(d0, d1) -> (0, 0, 0)>
module attributes {stable_mosaic.version = 14 : i64} {
  func.func @_sc_spmm_body(%arg0: i32, %arg1: i32, %arg2: memref<10000x128xf32, #tpu.memory_space<hbm>>, %arg3: memref<32x125x80xi32, #tpu.memory_space<hbm>>, %arg4: memref<32x125x80xi32, #tpu.memory_space<hbm>>, %arg5: memref<640x128xf32, #tpu.memory_space<hbm>>, %arg6: memref<2x10240x128xf32, #tpu.memory_space<hbm>>, %arg7: memref<125x80xi32, #tpu.memory_space<vmem>>, %arg8: memref<125x80xi32, #tpu.memory_space<vmem>>, %arg9: memref<80x128xf32, #tpu.memory_space<vmem>>, %arg10: memref<10240x128xf32, #tpu.memory_space<vmem_shared>>) attributes {dimension_semantics = [#tpu.dimension_semantics<core_parallel>, #tpu.dimension_semantics<subcore_parallel>], iteration_bounds = array<i64: 2, 16>, scalar_prefetch = 0 : i64, scratch_operands = 4 : i64, tpu.core_type = #tpu.core_type<sc_vector_subcore>, window_params = [{transform_indices = #map}, {transform_indices = #map1}, {transform_indices = #map1}, {transform_indices = #map}, {transform_indices = #map1}]} {
    %mul3A = arith.constant 2 : i32
    %mul3A_0 = arith.muli %arg1, %mul3A : i32
    %add3A = arith.addi %mul3A_0, %arg0 : i32
    "tpu.region"() ({
      %run_scoped3A = tpu.sem_alloc : memref<!tpu.dma_semaphore, #tpu.memory_space<semaphore_mem>>
      %dma_start3A = arith.constant 0 : i32
      %dma_start3A_13 = arith.constant 0 : i32
      %dma_start3A_14 = tpu.memref_slice %arg3[%add3A, %dma_start3A, %dma_start3A_13] : memref<32x125x80xi32, #tpu.memory_space<hbm>> -> memref<1x125x80xi32, #tpu.memory_space<hbm>>
      %dma_start3A_15 = tpu.memref_squeeze %dma_start3A_14 : memref<1x125x80xi32, #tpu.memory_space<hbm>> -> memref<125x80xi32, #tpu.memory_space<hbm>>
      %dma_start3A_16 = arith.constant 0 : i32
      %dma_start3A_17 = arith.constant 0 : i32
      %dma_start3A_18 = tpu.memref_slice %arg3[%add3A, %dma_start3A_16, %dma_start3A_17] : memref<32x125x80xi32, #tpu.memory_space<hbm>> -> memref<1x125x80xi32, #tpu.memory_space<hbm>>
      %dma_start3A_19 = tpu.memref_squeeze %dma_start3A_18 : memref<1x125x80xi32, #tpu.memory_space<hbm>> -> memref<125x80xi32, #tpu.memory_space<hbm>>
      tpu.enqueue_dma source(%dma_start3A_19 : memref<125x80xi32, #tpu.memory_space<hbm>>) target(%arg7 : memref<125x80xi32, #tpu.memory_space<vmem>>) target_semaphore(%run_scoped3A : memref<!tpu.dma_semaphore, #tpu.memory_space<semaphore_mem>>)
      %dma_wait3A = arith.constant 0 : i32
      %dma_wait3A_20 = arith.constant 0 : i32
      %dma_wait3A_21 = tpu.memref_slice %arg3[%add3A, %dma_wait3A, %dma_wait3A_20] : memref<32x125x80xi32, #tpu.memory_space<hbm>> -> memref<1x125x80xi32, #tpu.memory_space<hbm>>
      %dma_wait3A_22 = tpu.memref_squeeze %dma_wait3A_21 : memref<1x125x80xi32, #tpu.memory_space<hbm>> -> memref<125x80xi32, #tpu.memory_space<hbm>>
      %dma_wait3A_23 = arith.constant 0 : i32
      %dma_wait3A_24 = arith.constant 0 : i32
      %dma_wait3A_25 = tpu.memref_slice %arg3[%add3A, %dma_wait3A_23, %dma_wait3A_24] : memref<32x125x80xi32, #tpu.memory_space<hbm>> -> memref<1x125x80xi32, #tpu.memory_space<hbm>>
      %dma_wait3A_26 = tpu.memref_squeeze %dma_wait3A_25 : memref<1x125x80xi32, #tpu.memory_space<hbm>> -> memref<125x80xi32, #tpu.memory_space<hbm>>
      tpu.wait_dma2 semaphore(%run_scoped3A : memref<!tpu.dma_semaphore, #tpu.memory_space<semaphore_mem>>) src(%dma_wait3A_26 : memref<125x80xi32, #tpu.memory_space<hbm>>) dst(%arg7 : memref<125x80xi32, #tpu.memory_space<vmem>>)
      tpu.yield
    }) : () -> ()
    "tpu.region"() ({
      %run_scoped3A = tpu.sem_alloc : memref<!tpu.dma_semaphore, #tpu.memory_space<semaphore_mem>>
      %dma_start3A = arith.constant 0 : i32
      %dma_start3A_13 = arith.constant 0 : i32
      %dma_start3A_14 = tpu.memref_slice %arg4[%add3A, %dma_start3A, %dma_start3A_13] : memref<32x125x80xi32, #tpu.memory_space<hbm>> -> memref<1x125x80xi32, #tpu.memory_space<hbm>>
      %dma_start3A_15 = tpu.memref_squeeze %dma_start3A_14 : memref<1x125x80xi32, #tpu.memory_space<hbm>> -> memref<125x80xi32, #tpu.memory_space<hbm>>
      %dma_start3A_16 = arith.constant 0 : i32
      %dma_start3A_17 = arith.constant 0 : i32
      %dma_start3A_18 = tpu.memref_slice %arg4[%add3A, %dma_start3A_16, %dma_start3A_17] : memref<32x125x80xi32, #tpu.memory_space<hbm>> -> memref<1x125x80xi32, #tpu.memory_space<hbm>>
      %dma_start3A_19 = tpu.memref_squeeze %dma_start3A_18 : memref<1x125x80xi32, #tpu.memory_space<hbm>> -> memref<125x80xi32, #tpu.memory_space<hbm>>
      tpu.enqueue_dma source(%dma_start3A_19 : memref<125x80xi32, #tpu.memory_space<hbm>>) target(%arg8 : memref<125x80xi32, #tpu.memory_space<vmem>>) target_semaphore(%run_scoped3A : memref<!tpu.dma_semaphore, #tpu.memory_space<semaphore_mem>>)
      %dma_wait3A = arith.constant 0 : i32
      %dma_wait3A_20 = arith.constant 0 : i32
      %dma_wait3A_21 = tpu.memref_slice %arg4[%add3A, %dma_wait3A, %dma_wait3A_20] : memref<32x125x80xi32, #tpu.memory_space<hbm>> -> memref<1x125x80xi32, #tpu.memory_space<hbm>>
      %dma_wait3A_22 = tpu.memref_squeeze %dma_wait3A_21 : memref<1x125x80xi32, #tpu.memory_space<hbm>> -> memref<125x80xi32, #tpu.memory_space<hbm>>
      %dma_wait3A_23 = arith.constant 0 : i32
      %dma_wait3A_24 = arith.constant 0 : i32
      %dma_wait3A_25 = tpu.memref_slice %arg4[%add3A, %dma_wait3A_23, %dma_wait3A_24] : memref<32x125x80xi32, #tpu.memory_space<hbm>> -> memref<1x125x80xi32, #tpu.memory_space<hbm>>
      %dma_wait3A_26 = tpu.memref_squeeze %dma_wait3A_25 : memref<1x125x80xi32, #tpu.memory_space<hbm>> -> memref<125x80xi32, #tpu.memory_space<hbm>>
      tpu.wait_dma2 semaphore(%run_scoped3A : memref<!tpu.dma_semaphore, #tpu.memory_space<semaphore_mem>>) src(%dma_wait3A_26 : memref<125x80xi32, #tpu.memory_space<hbm>>) dst(%arg8 : memref<125x80xi32, #tpu.memory_space<vmem>>)
      tpu.yield
    }) : () -> ()
    %mul3A_1 = arith.constant 640 : i32
    %mul3A_2 = arith.muli %arg1, %mul3A_1 : i32
    "tpu.region"() ({
      %run_scoped3A = tpu.sem_alloc : memref<!tpu.dma_semaphore, #tpu.memory_space<semaphore_mem>>
      %dma_start3A = arith.constant 0 : i32
      %dma_start3A_13 = tpu.memref_slice %arg10[%mul3A_2, %dma_start3A] : memref<10240x128xf32, #tpu.memory_space<vmem_shared>> -> memref<640x128xf32, #tpu.memory_space<vmem_shared>>
      tpu.enqueue_dma source(%arg5 : memref<640x128xf32, #tpu.memory_space<hbm>>) target(%dma_start3A_13 : memref<640x128xf32, #tpu.memory_space<vmem_shared>>) target_semaphore(%run_scoped3A : memref<!tpu.dma_semaphore, #tpu.memory_space<semaphore_mem>>)
      %dma_wait3A = arith.constant 0 : i32
      %dma_wait3A_14 = tpu.memref_slice %arg10[%mul3A_2, %dma_wait3A] : memref<10240x128xf32, #tpu.memory_space<vmem_shared>> -> memref<640x128xf32, #tpu.memory_space<vmem_shared>>
      tpu.wait_dma2 semaphore(%run_scoped3A : memref<!tpu.dma_semaphore, #tpu.memory_space<semaphore_mem>>) src(%arg5 : memref<640x128xf32, #tpu.memory_space<hbm>>) dst(%dma_wait3A_14 : memref<640x128xf32, #tpu.memory_space<vmem_shared>>)
      tpu.yield
    }) : () -> ()
    %barrier3A = arith.constant 0 : index
    tpu.barrier barrier_id(%barrier3A)
    %scan3A = arith.constant 0 : i32
    %scan3A_3 = arith.constant 0 : i32
    %scan3A_4 = arith.constant 125 : i32
    %scan3A_5 = arith.addi %scan3A_3, %scan3A_4 : i32
    %scan3A_6 = arith.constant 1 : i32
    scf.for %scan3A_13 = %scan3A_3 to %scan3A_5 step %scan3A_6  : i32 {
      "tpu.region"() ({
        %run_scoped3A = tpu.sem_alloc : memref<!tpu.dma_semaphore, #tpu.memory_space<semaphore_mem>>
        %dma_start3A = arith.constant 0 : i32
        %dma_start3A_14 = tpu.memref_slice %arg7[%scan3A_13, %dma_start3A] : memref<125x80xi32, #tpu.memory_space<vmem>> -> memref<1x80xi32, #tpu.memory_space<vmem>>
        %dma_start3A_15 = tpu.memref_squeeze %dma_start3A_14 : memref<1x80xi32, #tpu.memory_space<vmem>> -> memref<80xi32, #tpu.memory_space<vmem>>
        %dma_start3A_16 = arith.constant 0 : i32
        %dma_start3A_17 = arith.constant 0 : i32
        %dma_start3A_18 = tpu.memref_slice %arg2[%dma_start3A_16, %dma_start3A_17] : memref<10000x128xf32, #tpu.memory_space<hbm>> -> memref<10000x128xf32, #tpu.memory_space<hbm>>
        tpu.enqueue_indirect_dma source(%dma_start3A_18 : memref<10000x128xf32, #tpu.memory_space<hbm>>) target(%arg9 : memref<80x128xf32, #tpu.memory_space<vmem>>) offsets(%dma_start3A_15 : memref<80xi32, #tpu.memory_space<vmem>>) semaphore(%run_scoped3A : memref<!tpu.dma_semaphore, #tpu.memory_space<semaphore_mem>>)
        %dma_wait3A = arith.constant 0 : i32
        %dma_wait3A_19 = tpu.memref_slice %arg7[%scan3A_13, %dma_wait3A] : memref<125x80xi32, #tpu.memory_space<vmem>> -> memref<1x80xi32, #tpu.memory_space<vmem>>
        %dma_wait3A_20 = tpu.memref_squeeze %dma_wait3A_19 : memref<1x80xi32, #tpu.memory_space<vmem>> -> memref<80xi32, #tpu.memory_space<vmem>>
        %dma_wait3A_21 = arith.constant 0 : i32
        %dma_wait3A_22 = arith.constant 0 : i32
        %dma_wait3A_23 = tpu.memref_slice %arg2[%dma_wait3A_21, %dma_wait3A_22] : memref<10000x128xf32, #tpu.memory_space<hbm>> -> memref<10000x128xf32, #tpu.memory_space<hbm>>
        tpu.wait_indirect_dma semaphore(%run_scoped3A : memref<!tpu.dma_semaphore, #tpu.memory_space<semaphore_mem>>) src(%dma_wait3A_23 : memref<10000x128xf32, #tpu.memory_space<hbm>>) dst(%arg9 : memref<80x128xf32, #tpu.memory_space<vmem>>)
        tpu.yield
      }) : () -> ()
      "tpu.region"() ({
        %run_scoped3A = tpu.sem_alloc : memref<!tpu.dma_semaphore, #tpu.memory_space<semaphore_mem>>
        %dma_start3A = arith.constant 0 : i32
        %dma_start3A_14 = tpu.memref_slice %arg8[%scan3A_13, %dma_start3A] : memref<125x80xi32, #tpu.memory_space<vmem>> -> memref<1x80xi32, #tpu.memory_space<vmem>>
        %dma_start3A_15 = tpu.memref_squeeze %dma_start3A_14 : memref<1x80xi32, #tpu.memory_space<vmem>> -> memref<80xi32, #tpu.memory_space<vmem>>
        %dma_start3A_16 = arith.constant 0 : i32
        %dma_start3A_17 = arith.constant 0 : i32
        %dma_start3A_18 = tpu.memref_slice %arg10[%dma_start3A_16, %dma_start3A_17] : memref<10240x128xf32, #tpu.memory_space<vmem_shared>> -> memref<10240x128xf32, #tpu.memory_space<vmem_shared>>
        tpu.enqueue_indirect_dma source(%arg9 : memref<80x128xf32, #tpu.memory_space<vmem>>) target(%dma_start3A_18 : memref<10240x128xf32, #tpu.memory_space<vmem_shared>>) offsets(%dma_start3A_15 : memref<80xi32, #tpu.memory_space<vmem>>) semaphore(%run_scoped3A : memref<!tpu.dma_semaphore, #tpu.memory_space<semaphore_mem>>) {add = true}
        %dma_wait3A = arith.constant 0 : i32
        %dma_wait3A_19 = tpu.memref_slice %arg8[%scan3A_13, %dma_wait3A] : memref<125x80xi32, #tpu.memory_space<vmem>> -> memref<1x80xi32, #tpu.memory_space<vmem>>
        %dma_wait3A_20 = tpu.memref_squeeze %dma_wait3A_19 : memref<1x80xi32, #tpu.memory_space<vmem>> -> memref<80xi32, #tpu.memory_space<vmem>>
        %dma_wait3A_21 = arith.constant 0 : i32
        %dma_wait3A_22 = arith.constant 0 : i32
        %dma_wait3A_23 = tpu.memref_slice %arg10[%dma_wait3A_21, %dma_wait3A_22] : memref<10240x128xf32, #tpu.memory_space<vmem_shared>> -> memref<10240x128xf32, #tpu.memory_space<vmem_shared>>
        tpu.wait_indirect_dma semaphore(%run_scoped3A : memref<!tpu.dma_semaphore, #tpu.memory_space<semaphore_mem>>) src(%arg9 : memref<80x128xf32, #tpu.memory_space<vmem>>) dst(%dma_wait3A_23 : memref<10240x128xf32, #tpu.memory_space<vmem_shared>>)
        tpu.yield
      }) : () -> ()
    }
    %scan3A_7 = arith.constant 125 : i32
    %barrier3A_8 = arith.constant 0 : index
    tpu.barrier barrier_id(%barrier3A_8)
    %mul3A_9 = arith.constant 640 : i32
    %mul3A_10 = arith.muli %arg1, %mul3A_9 : i32
    %mul3A_11 = arith.constant 640 : i32
    %mul3A_12 = arith.muli %arg1, %mul3A_11 : i32
    "tpu.region"() ({
      %run_scoped3A = tpu.sem_alloc : memref<!tpu.dma_semaphore, #tpu.memory_space<semaphore_mem>>
      %dma_start3A = arith.constant 0 : i32
      %dma_start3A_13 = tpu.memref_slice %arg6[%arg0, %mul3A_12, %dma_start3A] : memref<2x10240x128xf32, #tpu.memory_space<hbm>> -> memref<1x640x128xf32, #tpu.memory_space<hbm>>
      %dma_start3A_14 = tpu.memref_squeeze %dma_start3A_13 : memref<1x640x128xf32, #tpu.memory_space<hbm>> -> memref<640x128xf32, #tpu.memory_space<hbm>>
      %dma_start3A_15 = arith.constant 0 : i32
      %dma_start3A_16 = tpu.memref_slice %arg10[%mul3A_10, %dma_start3A_15] : memref<10240x128xf32, #tpu.memory_space<vmem_shared>> -> memref<640x128xf32, #tpu.memory_space<vmem_shared>>
      tpu.enqueue_dma source(%dma_start3A_16 : memref<640x128xf32, #tpu.memory_space<vmem_shared>>) target(%dma_start3A_14 : memref<640x128xf32, #tpu.memory_space<hbm>>) target_semaphore(%run_scoped3A : memref<!tpu.dma_semaphore, #tpu.memory_space<semaphore_mem>>)
      %dma_wait3A = arith.constant 0 : i32
      %dma_wait3A_17 = tpu.memref_slice %arg6[%arg0, %mul3A_12, %dma_wait3A] : memref<2x10240x128xf32, #tpu.memory_space<hbm>> -> memref<1x640x128xf32, #tpu.memory_space<hbm>>
      %dma_wait3A_18 = tpu.memref_squeeze %dma_wait3A_17 : memref<1x640x128xf32, #tpu.memory_space<hbm>> -> memref<640x128xf32, #tpu.memory_space<hbm>>
      %dma_wait3A_19 = arith.constant 0 : i32
      %dma_wait3A_20 = tpu.memref_slice %arg10[%mul3A_10, %dma_wait3A_19] : memref<10240x128xf32, #tpu.memory_space<vmem_shared>> -> memref<640x128xf32, #tpu.memory_space<vmem_shared>>
      tpu.wait_dma2 semaphore(%run_scoped3A : memref<!tpu.dma_semaphore, #tpu.memory_space<semaphore_mem>>) src(%dma_wait3A_20 : memref<640x128xf32, #tpu.memory_space<vmem_shared>>) dst(%dma_wait3A_18 : memref<640x128xf32, #tpu.memory_space<hbm>>)
      tpu.yield
    }) : () -> ()
    return
  }
}

#map = affine_map<(d0, d1) -> (0, 0)>
#map1 = affine_map<(d0, d1) -> (0, 0, 0)>
module attributes {stable_mosaic.version = 14 : i64} {
  func.func @_sc_spmm_body(%arg0: i32, %arg1: i32, %arg2: memref<10000x128xf32, #tpu.memory_space<hbm>>, %arg3: memref<32x125x80xi32, #tpu.memory_space<hbm>>, %arg4: memref<32x125x80xi32, #tpu.memory_space<hbm>>, %arg5: memref<640x128xf32, #tpu.memory_space<hbm>>, %arg6: memref<2x10240x128xf32, #tpu.memory_space<hbm>>, %arg7: memref<125x80xi32, #tpu.memory_space<vmem>>, %arg8: memref<125x80xi32, #tpu.memory_space<vmem>>, %arg9: memref<80x128xf32, #tpu.memory_space<vmem>>, %arg10: memref<10240x128xf32, #tpu.memory_space<vmem_shared>>) attributes {dimension_semantics = [#tpu.dimension_semantics<core_parallel>, #tpu.dimension_semantics<subcore_parallel>], iteration_bounds = array<i64: 2, 16>, scalar_prefetch = 0 : i64, scratch_operands = 4 : i64, tpu.core_type = #tpu.core_type<sc_vector_subcore>, window_params = [{transform_indices = #map}, {transform_indices = #map1}, {transform_indices = #map1}, {transform_indices = #map}, {transform_indices = #map1}]} {
    %mul3A = arith.constant 2 : i32
    %mul3A_0 = arith.muli %arg1, %mul3A : i32
    %add3A = arith.addi %mul3A_0, %arg0 : i32
    "tpu.region"() ({
      %run_scoped3A = tpu.sem_alloc : memref<!tpu.dma_semaphore, #tpu.memory_space<semaphore_mem>>
      %dma_start3A = arith.constant 0 : i32
      %dma_start3A_13 = arith.constant 0 : i32
      %dma_start3A_14 = tpu.memref_slice %arg3[%add3A, %dma_start3A, %dma_start3A_13] : memref<32x125x80xi32, #tpu.memory_space<hbm>> -> memref<1x125x80xi32, #tpu.memory_space<hbm>>
      %dma_start3A_15 = tpu.memref_squeeze %dma_start3A_14 : memref<1x125x80xi32, #tpu.memory_space<hbm>> -> memref<125x80xi32, #tpu.memory_space<hbm>>
      %dma_start3A_16 = arith.constant 0 : i32
      %dma_start3A_17 = arith.constant 0 : i32
      %dma_start3A_18 = tpu.memref_slice %arg3[%add3A, %dma_start3A_16, %dma_start3A_17] : memref<32x125x80xi32, #tpu.memory_space<hbm>> -> memref<1x125x80xi32, #tpu.memory_space<hbm>>
      %dma_start3A_19 = tpu.memref_squeeze %dma_start3A_18 : memref<1x125x80xi32, #tpu.memory_space<hbm>> -> memref<125x80xi32, #tpu.memory_space<hbm>>
      tpu.enqueue_dma source(%dma_start3A_19 : memref<125x80xi32, #tpu.memory_space<hbm>>) target(%arg7 : memref<125x80xi32, #tpu.memory_space<vmem>>) target_semaphore(%run_scoped3A : memref<!tpu.dma_semaphore, #tpu.memory_space<semaphore_mem>>)
      %dma_wait3A = arith.constant 0 : i32
      %dma_wait3A_20 = arith.constant 0 : i32
      %dma_wait3A_21 = tpu.memref_slice %arg3[%add3A, %dma_wait3A, %dma_wait3A_20] : memref<32x125x80xi32, #tpu.memory_space<hbm>> -> memref<1x125x80xi32, #tpu.memory_space<hbm>>
      %dma_wait3A_22 = tpu.memref_squeeze %dma_wait3A_21 : memref<1x125x80xi32, #tpu.memory_space<hbm>> -> memref<125x80xi32, #tpu.memory_space<hbm>>
      %dma_wait3A_23 = arith.constant 0 : i32
      %dma_wait3A_24 = arith.constant 0 : i32
      %dma_wait3A_25 = tpu.memref_slice %arg3[%add3A, %dma_wait3A_23, %dma_wait3A_24] : memref<32x125x80xi32, #tpu.memory_space<hbm>> -> memref<1x125x80xi32, #tpu.memory_space<hbm>>
      %dma_wait3A_26 = tpu.memref_squeeze %dma_wait3A_25 : memref<1x125x80xi32, #tpu.memory_space<hbm>> -> memref<125x80xi32, #tpu.memory_space<hbm>>
      tpu.wait_dma2 semaphore(%run_scoped3A : memref<!tpu.dma_semaphore, #tpu.memory_space<semaphore_mem>>) src(%dma_wait3A_26 : memref<125x80xi32, #tpu.memory_space<hbm>>) dst(%arg7 : memref<125x80xi32, #tpu.memory_space<vmem>>)
      tpu.yield
    }) : () -> ()
    "tpu.region"() ({
      %run_scoped3A = tpu.sem_alloc : memref<!tpu.dma_semaphore, #tpu.memory_space<semaphore_mem>>
      %dma_start3A = arith.constant 0 : i32
      %dma_start3A_13 = arith.constant 0 : i32
      %dma_start3A_14 = tpu.memref_slice %arg4[%add3A, %dma_start3A, %dma_start3A_13] : memref<32x125x80xi32, #tpu.memory_space<hbm>> -> memref<1x125x80xi32, #tpu.memory_space<hbm>>
      %dma_start3A_15 = tpu.memref_squeeze %dma_start3A_14 : memref<1x125x80xi32, #tpu.memory_space<hbm>> -> memref<125x80xi32, #tpu.memory_space<hbm>>
      %dma_start3A_16 = arith.constant 0 : i32
      %dma_start3A_17 = arith.constant 0 : i32
      %dma_start3A_18 = tpu.memref_slice %arg4[%add3A, %dma_start3A_16, %dma_start3A_17] : memref<32x125x80xi32, #tpu.memory_space<hbm>> -> memref<1x125x80xi32, #tpu.memory_space<hbm>>
      %dma_start3A_19 = tpu.memref_squeeze %dma_start3A_18 : memref<1x125x80xi32, #tpu.memory_space<hbm>> -> memref<125x80xi32, #tpu.memory_space<hbm>>
      tpu.enqueue_dma source(%dma_start3A_19 : memref<125x80xi32, #tpu.memory_space<hbm>>) target(%arg8 : memref<125x80xi32, #tpu.memory_space<vmem>>) target_semaphore(%run_scoped3A : memref<!tpu.dma_semaphore, #tpu.memory_space<semaphore_mem>>)
      %dma_wait3A = arith.constant 0 : i32
      %dma_wait3A_20 = arith.constant 0 : i32
      %dma_wait3A_21 = tpu.memref_slice %arg4[%add3A, %dma_wait3A, %dma_wait3A_20] : memref<32x125x80xi32, #tpu.memory_space<hbm>> -> memref<1x125x80xi32, #tpu.memory_space<hbm>>
      %dma_wait3A_22 = tpu.memref_squeeze %dma_wait3A_21 : memref<1x125x80xi32, #tpu.memory_space<hbm>> -> memref<125x80xi32, #tpu.memory_space<hbm>>
      %dma_wait3A_23 = arith.constant 0 : i32
      %dma_wait3A_24 = arith.constant 0 : i32
      %dma_wait3A_25 = tpu.memref_slice %arg4[%add3A, %dma_wait3A_23, %dma_wait3A_24] : memref<32x125x80xi32, #tpu.memory_space<hbm>> -> memref<1x125x80xi32, #tpu.memory_space<hbm>>
      %dma_wait3A_26 = tpu.memref_squeeze %dma_wait3A_25 : memref<1x125x80xi32, #tpu.memory_space<hbm>> -> memref<125x80xi32, #tpu.memory_space<hbm>>
      tpu.wait_dma2 semaphore(%run_scoped3A : memref<!tpu.dma_semaphore, #tpu.memory_space<semaphore_mem>>) src(%dma_wait3A_26 : memref<125x80xi32, #tpu.memory_space<hbm>>) dst(%arg8 : memref<125x80xi32, #tpu.memory_space<vmem>>)
      tpu.yield
    }) : () -> ()
    %mul3A_1 = arith.constant 640 : i32
    %mul3A_2 = arith.muli %arg1, %mul3A_1 : i32
    "tpu.region"() ({
      %run_scoped3A = tpu.sem_alloc : memref<!tpu.dma_semaphore, #tpu.memory_space<semaphore_mem>>
      %dma_start3A = arith.constant 0 : i32
      %dma_start3A_13 = tpu.memref_slice %arg10[%mul3A_2, %dma_start3A] : memref<10240x128xf32, #tpu.memory_space<vmem_shared>> -> memref<640x128xf32, #tpu.memory_space<vmem_shared>>
      tpu.enqueue_dma source(%arg5 : memref<640x128xf32, #tpu.memory_space<hbm>>) target(%dma_start3A_13 : memref<640x128xf32, #tpu.memory_space<vmem_shared>>) target_semaphore(%run_scoped3A : memref<!tpu.dma_semaphore, #tpu.memory_space<semaphore_mem>>)
      %dma_wait3A = arith.constant 0 : i32
      %dma_wait3A_14 = tpu.memref_slice %arg10[%mul3A_2, %dma_wait3A] : memref<10240x128xf32, #tpu.memory_space<vmem_shared>> -> memref<640x128xf32, #tpu.memory_space<vmem_shared>>
      tpu.wait_dma2 semaphore(%run_scoped3A : memref<!tpu.dma_semaphore, #tpu.memory_space<semaphore_mem>>) src(%arg5 : memref<640x128xf32, #tpu.memory_space<hbm>>) dst(%dma_wait3A_14 : memref<640x128xf32, #tpu.memory_space<vmem_shared>>)
      tpu.yield
    }) : () -> ()
    %barrier3A = arith.constant 0 : index
    tpu.barrier barrier_id(%barrier3A)
    %scan3A = arith.constant 0 : i32
    %scan3A_3 = arith.constant 0 : i32
    %scan3A_4 = arith.constant 125 : i32
    %scan3A_5 = arith.addi %scan3A_3, %scan3A_4 : i32
    %scan3A_6 = arith.constant 1 : i32
    scf.for %scan3A_13 = %scan3A_3 to %scan3A_5 step %scan3A_6  : i32 {
      "tpu.region"() ({
        %run_scoped3A = tpu.sem_alloc : memref<!tpu.dma_semaphore, #tpu.memory_space<semaphore_mem>>
        %dma_start3A = arith.constant 0 : i32
        %dma_start3A_14 = tpu.memref_slice %arg7[%scan3A_13, %dma_start3A] : memref<125x80xi32, #tpu.memory_space<vmem>> -> memref<1x80xi32, #tpu.memory_space<vmem>>
        %dma_start3A_15 = tpu.memref_squeeze %dma_start3A_14 : memref<1x80xi32, #tpu.memory_space<vmem>> -> memref<80xi32, #tpu.memory_space<vmem>>
        %dma_start3A_16 = arith.constant 0 : i32
        %dma_start3A_17 = arith.constant 0 : i32
        %dma_start3A_18 = tpu.memref_slice %arg2[%dma_start3A_16, %dma_start3A_17] : memref<10000x128xf32, #tpu.memory_space<hbm>> -> memref<10000x128xf32, #tpu.memory_space<hbm>>
        tpu.enqueue_indirect_dma source(%dma_start3A_18 : memref<10000x128xf32, #tpu.memory_space<hbm>>) target(%arg9 : memref<80x128xf32, #tpu.memory_space<vmem>>) offsets(%dma_start3A_15 : memref<80xi32, #tpu.memory_space<vmem>>) semaphore(%run_scoped3A : memref<!tpu.dma_semaphore, #tpu.memory_space<semaphore_mem>>)
        %dma_wait3A = arith.constant 0 : i32
        %dma_wait3A_19 = tpu.memref_slice %arg7[%scan3A_13, %dma_wait3A] : memref<125x80xi32, #tpu.memory_space<vmem>> -> memref<1x80xi32, #tpu.memory_space<vmem>>
        %dma_wait3A_20 = tpu.memref_squeeze %dma_wait3A_19 : memref<1x80xi32, #tpu.memory_space<vmem>> -> memref<80xi32, #tpu.memory_space<vmem>>
        %dma_wait3A_21 = arith.constant 0 : i32
        %dma_wait3A_22 = arith.constant 0 : i32
        %dma_wait3A_23 = tpu.memref_slice %arg2[%dma_wait3A_21, %dma_wait3A_22] : memref<10000x128xf32, #tpu.memory_space<hbm>> -> memref<10000x128xf32, #tpu.memory_space<hbm>>
        tpu.wait_indirect_dma semaphore(%run_scoped3A : memref<!tpu.dma_semaphore, #tpu.memory_space<semaphore_mem>>) src(%dma_wait3A_23 : memref<10000x128xf32, #tpu.memory_space<hbm>>) dst(%arg9 : memref<80x128xf32, #tpu.memory_space<vmem>>)
        tpu.yield
      }) : () -> ()
      "tpu.region"() ({
        %run_scoped3A = tpu.sem_alloc : memref<!tpu.dma_semaphore, #tpu.memory_space<semaphore_mem>>
        %dma_start3A = arith.constant 0 : i32
        %dma_start3A_14 = tpu.memref_slice %arg8[%scan3A_13, %dma_start3A] : memref<125x80xi32, #tpu.memory_space<vmem>> -> memref<1x80xi32, #tpu.memory_space<vmem>>
        %dma_start3A_15 = tpu.memref_squeeze %dma_start3A_14 : memref<1x80xi32, #tpu.memory_space<vmem>> -> memref<80xi32, #tpu.memory_space<vmem>>
        %dma_start3A_16 = arith.constant 0 : i32
        %dma_start3A_17 = arith.constant 0 : i32
        %dma_start3A_18 = tpu.memref_slice %arg10[%dma_start3A_16, %dma_start3A_17] : memref<10240x128xf32, #tpu.memory_space<vmem_shared>> -> memref<10240x128xf32, #tpu.memory_space<vmem_shared>>
        tpu.enqueue_indirect_dma source(%arg9 : memref<80x128xf32, #tpu.memory_space<vmem>>) target(%dma_start3A_18 : memref<10240x128xf32, #tpu.memory_space<vmem_shared>>) offsets(%dma_start3A_15 : memref<80xi32, #tpu.memory_space<vmem>>) semaphore(%run_scoped3A : memref<!tpu.dma_semaphore, #tpu.memory_space<semaphore_mem>>) {add = true}
        %dma_wait3A = arith.constant 0 : i32
        %dma_wait3A_19 = tpu.memref_slice %arg8[%scan3A_13, %dma_wait3A] : memref<125x80xi32, #tpu.memory_space<vmem>> -> memref<1x80xi32, #tpu.memory_space<vmem>>
        %dma_wait3A_20 = tpu.memref_squeeze %dma_wait3A_19 : memref<1x80xi32, #tpu.memory_space<vmem>> -> memref<80xi32, #tpu.memory_space<vmem>>
        %dma_wait3A_21 = arith.constant 0 : i32
        %dma_wait3A_22 = arith.constant 0 : i32
        %dma_wait3A_23 = tpu.memref_slice %arg10[%dma_wait3A_21, %dma_wait3A_22] : memref<10240x128xf32, #tpu.memory_space<vmem_shared>> -> memref<10240x128xf32, #tpu.memory_space<vmem_shared>>
        tpu.wait_indirect_dma semaphore(%run_scoped3A : memref<!tpu.dma_semaphore, #tpu.memory_space<semaphore_mem>>) src(%arg9 : memref<80x128xf32, #tpu.memory_space<vmem>>) dst(%dma_wait3A_23 : memref<10240x128xf32, #tpu.memory_space<vmem_shared>>)
        tpu.yield
      }) : () -> ()
    }
    %scan3A_7 = arith.constant 125 : i32
    %barrier3A_8 = arith.constant 0 : index
    tpu.barrier barrier_id(%barrier3A_8)
    %mul3A_9 = arith.constant 640 : i32
    %mul3A_10 = arith.muli %arg1, %mul3A_9 : i32
    %mul3A_11 = arith.constant 640 : i32
    %mul3A_12 = arith.muli %arg1, %mul3A_11 : i32
    "tpu.region"() ({
      %run_scoped3A = tpu.sem_alloc : memref<!tpu.dma_semaphore, #tpu.memory_space<semaphore_mem>>
      %dma_start3A = arith.constant 0 : i32
      %dma_start3A_13 = tpu.memref_slice %arg6[%arg0, %mul3A_12, %dma_start3A] : memref<2x10240x128xf32, #tpu.memory_space<hbm>> -> memref<1x640x128xf32, #tpu.memory_space<hbm>>
      %dma_start3A_14 = tpu.memref_squeeze %dma_start3A_13 : memref<1x640x128xf32, #tpu.memory_space<hbm>> -> memref<640x128xf32, #tpu.memory_space<hbm>>
      %dma_start3A_15 = arith.constant 0 : i32
      %dma_start3A_16 = tpu.memref_slice %arg10[%mul3A_10, %dma_start3A_15] : memref<10240x128xf32, #tpu.memory_space<vmem_shared>> -> memref<640x128xf32, #tpu.memory_space<vmem_shared>>
      tpu.enqueue_dma source(%dma_start3A_16 : memref<640x128xf32, #tpu.memory_space<vmem_shared>>) target(%dma_start3A_14 : memref<640x128xf32, #tpu.memory_space<hbm>>) target_semaphore(%run_scoped3A : memref<!tpu.dma_semaphore, #tpu.memory_space<semaphore_mem>>)
      %dma_wait3A = arith.constant 0 : i32
      %dma_wait3A_17 = tpu.memref_slice %arg6[%arg0, %mul3A_12, %dma_wait3A] : memref<2x10240x128xf32, #tpu.memory_space<hbm>> -> memref<1x640x128xf32, #tpu.memory_space<hbm>>
      %dma_wait3A_18 = tpu.memref_squeeze %dma_wait3A_17 : memref<1x640x128xf32, #tpu.memory_space<hbm>> -> memref<640x128xf32, #tpu.memory_space<hbm>>
      %dma_wait3A_19 = arith.constant 0 : i32
      %dma_wait3A_20 = tpu.memref_slice %arg10[%mul3A_10, %dma_wait3A_19] : memref<10240x128xf32, #tpu.memory_space<vmem_shared>> -> memref<640x128xf32, #tpu.memory_space<vmem_shared>>
      tpu.wait_dma2 semaphore(%run_scoped3A : memref<!tpu.dma_semaphore, #tpu.memory_space<semaphore_mem>>) src(%dma_wait3A_20 : memref<640x128xf32, #tpu.memory_space<vmem_shared>>) dst(%dma_wait3A_18 : memref<640x128xf32, #tpu.memory_space<hbm>>)
      tpu.yield
    }) : () -> ()
    return
  }
}

module attributes {stable_mosaic.version = 14 : i64} {
  func.func @_init_body(%arg0: i32, %arg1: memref<2x1000x1xf32, #tpu.memory_space<vmem>>, %arg2: memref<1000x128xf32, #tpu.memory_space<vmem>>, %arg3: memref<1000x1xf32, #tpu.memory_space<vmem>>, %arg4: memref<1000x128xf32, #tpu.memory_space<vmem>>) attributes {dimension_semantics = [#tpu.dimension_semantics<arbitrary>], iteration_bounds = array<i64: 10>, scalar_prefetch = 0 : i64, scratch_operands = 0 : i64, tpu.core_type = #tpu.core_type<tc>, window_params = [{transform_indices = @transform_0, window_bounds = array<i64: 2, 1000, 1>}, {transform_indices = @transform_1, window_bounds = array<i64: 1000, 128>}, {transform_indices = @transform_2, window_bounds = array<i64: 1000, 1>}, {transform_indices = @transform_3, window_bounds = array<i64: 1000, 128>}]} {
    %get3A = arith.constant 0 : index
    %get3A_0 = arith.constant 0 : index
    %get3A_1 = arith.constant 0 : index
    %get3A_2 = vector.load %arg1[%get3A, %get3A_0, %get3A_1] : memref<2x1000x1xf32, #tpu.memory_space<vmem>>, vector<1x1000x1xf32>
    %get3A_3 = vector.shape_cast %get3A_2 : vector<1x1000x1xf32> to vector<1000x1xf32>
    %get3A_4 = arith.constant 1 : index
    %get3A_5 = arith.constant 0 : index
    %get3A_6 = arith.constant 0 : index
    %get3A_7 = vector.load %arg1[%get3A_4, %get3A_5, %get3A_6] : memref<2x1000x1xf32, #tpu.memory_space<vmem>>, vector<1x1000x1xf32>
    %get3A_8 = vector.shape_cast %get3A_7 : vector<1x1000x1xf32> to vector<1000x1xf32>
    %add3A = arith.addf %get3A_3, %get3A_8 : vector<1000x1xf32>
    %eq3A = arith.constant 0.000000e+00 : f32
    %eq3A_9 = vector.broadcast %eq3A : f32 to vector<1000x1xf32>
    %eq3A_10 = arith.cmpf oeq, %add3A, %eq3A_9 : vector<1000x1xf32>
    %jit3A = arith.constant 1.000000e+00 : f32
    %broadcast_in_dim3A = vector.broadcast %jit3A : f32 to vector<1000x1xf32>
    %select_n3A = arith.select %eq3A_10, %broadcast_in_dim3A, %add3A : vector<1000x1xi1>, vector<1000x1xf32>
    %rsqrt3A = math.rsqrt %select_n3A : vector<1000x1xf32>
    %swap3A = arith.constant 0 : index
    %swap3A_11 = arith.constant 0 : index
    %swap3A_12 = vector.load %arg3[%swap3A, %swap3A_11] : memref<1000x1xf32, #tpu.memory_space<vmem>>, vector<1000x1xf32>
    tpu.vector_store %arg3[%swap3A, %swap3A_11], %rsqrt3A {strides = array<i32>} : memref<1000x1xf32, #tpu.memory_space<vmem>>, vector<1000x1xf32>,
    %get3A_13 = arith.constant 0 : index
    %get3A_14 = arith.constant 0 : index
    %get3A_15 = vector.load %arg2[%get3A_13, %get3A_14] : memref<1000x128xf32, #tpu.memory_space<vmem>>, vector<1000x128xf32>
    %mul3A = vector.broadcast %rsqrt3A : vector<1000x1xf32> to vector<1000x128xf32>
    %mul3A_16 = arith.mulf %mul3A, %get3A_15 : vector<1000x128xf32>
    %swap3A_17 = arith.constant 0 : index
    %swap3A_18 = arith.constant 0 : index
    %swap3A_19 = vector.load %arg4[%swap3A_17, %swap3A_18] : memref<1000x128xf32, #tpu.memory_space<vmem>>, vector<1000x128xf32>
    tpu.vector_store %arg4[%swap3A_17, %swap3A_18], %mul3A_16 {strides = array<i32>} : memref<1000x128xf32, #tpu.memory_space<vmem>>, vector<1000x128xf32>,
    return
  }
  func.func @transform_0(%arg0: i32) -> (i32, i32, i32) {
    %c0_i32 = arith.constant 0 : i32
    %c0_i32_0 = arith.constant 0 : i32
    %c0_i32_1 = arith.constant 0 : i32
    return %c0_i32, %arg0, %c0_i32_0 : i32, i32, i32
  }
  func.func @transform_1(%arg0: i32) -> (i32, i32) {
    %c0_i32 = arith.constant 0 : i32
    %c0_i32_0 = arith.constant 0 : i32
    return %arg0, %c0_i32 : i32, i32
  }
  func.func @transform_2(%arg0: i32) -> (i32, i32) {
    %c0_i32 = arith.constant 0 : i32
    %c0_i32_0 = arith.constant 0 : i32
    return %arg0, %c0_i32 : i32, i32
  }
  func.func @transform_3(%arg0: i32) -> (i32, i32) {
    %c0_i32 = arith.constant 0 : i32
    %c0_i32_0 = arith.constant 0 : i32
    return %arg0, %c0_i32 : i32, i32
  }
}

module attributes {stable_mosaic.version = 14 : i64} {
  func.func @_dense_body(%arg0: i32, %arg1: memref<1000x128xf32, #tpu.memory_space<vmem>>, %arg2: memref<2x1000x128xf32, #tpu.memory_space<vmem>>, %arg3: memref<1000x128xf32, #tpu.memory_space<vmem>>, %arg4: memref<1000x1xf32, #tpu.memory_space<vmem>>, %arg5: memref<128x128xf32, #tpu.memory_space<vmem>>, %arg6: memref<1x128xf32, #tpu.memory_space<vmem>>, %arg7: memref<1x1xf32, #tpu.memory_space<vmem>>, %arg8: memref<1x128xf32, #tpu.memory_space<vmem>>, %arg9: memref<1x128xf32, #tpu.memory_space<vmem>>, %arg10: memref<1000x128xf32, #tpu.memory_space<vmem>>, %arg11: memref<1000x128xf32, #tpu.memory_space<vmem>>) attributes {dimension_semantics = [#tpu.dimension_semantics<arbitrary>], iteration_bounds = array<i64: 10>, scalar_prefetch = 0 : i64, scratch_operands = 0 : i64, tpu.core_type = #tpu.core_type<tc>, window_params = [{transform_indices = @transform_0, window_bounds = array<i64: 1000, 128>}, {transform_indices = @transform_1, window_bounds = array<i64: 2, 1000, 128>}, {transform_indices = @transform_2, window_bounds = array<i64: 1000, 128>}, {transform_indices = @transform_3, window_bounds = array<i64: 1000, 1>}, {pipeline_mode = #tpu.pipeline_mode<synchronous>, transform_indices = @transform_4, window_bounds = array<i64: 128, 128>}, {pipeline_mode = #tpu.pipeline_mode<synchronous>, transform_indices = @transform_5, window_bounds = array<i64: 1, 128>}, {pipeline_mode = #tpu.pipeline_mode<synchronous>, transform_indices = @transform_6, window_bounds = array<i64: 1, 1>}, {pipeline_mode = #tpu.pipeline_mode<synchronous>, transform_indices = @transform_7, window_bounds = array<i64: 1, 128>}, {pipeline_mode = #tpu.pipeline_mode<synchronous>, transform_indices = @transform_8, window_bounds = array<i64: 1, 128>}, {transform_indices = @transform_9, window_bounds = array<i64: 1000, 128>}, {transform_indices = @transform_10, window_bounds = array<i64: 1000, 128>}]} {
    %get3A = arith.constant 0 : index
    %get3A_0 = arith.constant 0 : index
    %get3A_1 = vector.load %arg1[%get3A, %get3A_0] : memref<1000x128xf32, #tpu.memory_space<vmem>>, vector<1000x128xf32>
    %get3A_2 = arith.constant 0 : index
    %get3A_3 = arith.constant 0 : index
    %get3A_4 = vector.load %arg4[%get3A_2, %get3A_3] : memref<1000x1xf32, #tpu.memory_space<vmem>>, vector<1000x1xf32>
    %get3A_5 = arith.constant 0 : index
    %get3A_6 = arith.constant 0 : index
    %get3A_7 = vector.load %arg6[%get3A_5, %get3A_6] : memref<1x128xf32, #tpu.memory_space<vmem>>, vector<1x128xf32>
    %mul3A = vector.broadcast %get3A_7 : vector<1x128xf32> to vector<1000x128xf32>
    %mul3A_8 = arith.mulf %get3A_1, %mul3A : vector<1000x128xf32>
    %reduce_sum3A = arith.constant dense<0.000000e+00> : vector<1000xf32>
    %reduce_sum3A_9 = vector.multi_reduction <add>, %mul3A_8, %reduce_sum3A [1] : vector<1000x128xf32> to vector<1000xf32>
    %broadcast_in_dim3A = vector.shape_cast %reduce_sum3A_9 : vector<1000xf32> to vector<1000x1xf32>
    %get3A_10 = arith.constant 0 : index
    %get3A_11 = arith.constant 0 : index
    %get3A_12 = vector.load %arg7[%get3A_10, %get3A_11] : memref<1x1xf32, #tpu.memory_space<vmem>>, vector<1x1xf32>
    %get3A_13 = vector.extract %get3A_12[0, 0] : f32 from vector<1x1xf32>
    %add3A = vector.broadcast %get3A_13 : f32 to vector<1000x1xf32>
    %add3A_14 = arith.addf %broadcast_in_dim3A, %add3A : vector<1000x1xf32>
    %logistic3A = arith.negf %add3A_14 : vector<1000x1xf32>
    %logistic3A_15 = math.exp %logistic3A : vector<1000x1xf32>
    %logistic3A_16 = arith.constant 1.000000e+00 : f32
    %logistic3A_17 = vector.broadcast %logistic3A_16 : f32 to vector<1000x1xf32>
    %logistic3A_18 = arith.addf %logistic3A_17, %logistic3A_15 : vector<1000x1xf32>
    %logistic3A_19 = arith.divf %logistic3A_17, %logistic3A_18 : vector<1000x1xf32>
    %get3A_20 = arith.constant 0 : index
    %get3A_21 = arith.constant 0 : index
    %get3A_22 = arith.constant 0 : index
    %get3A_23 = vector.load %arg2[%get3A_20, %get3A_21, %get3A_22] : memref<2x1000x128xf32, #tpu.memory_space<vmem>>, vector<1x1000x128xf32>
    %get3A_24 = vector.shape_cast %get3A_23 : vector<1x1000x128xf32> to vector<1000x128xf32>
    %get3A_25 = arith.constant 1 : index
    %get3A_26 = arith.constant 0 : index
    %get3A_27 = arith.constant 0 : index
    %get3A_28 = vector.load %arg2[%get3A_25, %get3A_26, %get3A_27] : memref<2x1000x128xf32, #tpu.memory_space<vmem>>, vector<1x1000x128xf32>
    %get3A_29 = vector.shape_cast %get3A_28 : vector<1x1000x128xf32> to vector<1000x128xf32>
    %add3A_30 = arith.addf %get3A_24, %get3A_29 : vector<1000x128xf32>
    %mul3A_31 = vector.broadcast %get3A_4 : vector<1000x1xf32> to vector<1000x128xf32>
    %mul3A_32 = arith.mulf %mul3A_31, %add3A_30 : vector<1000x128xf32>
    %sub3A = arith.constant 1.000000e+00 : f32
    %sub3A_33 = vector.broadcast %sub3A : f32 to vector<1000x1xf32>
    %sub3A_34 = arith.subf %sub3A_33, %logistic3A_19 : vector<1000x1xf32>
    %mul3A_35 = vector.broadcast %sub3A_34 : vector<1000x1xf32> to vector<1000x128xf32>
    %mul3A_36 = arith.mulf %mul3A_35, %mul3A_32 : vector<1000x128xf32>
    %get3A_37 = arith.constant 0 : index
    %get3A_38 = arith.constant 0 : index
    %get3A_39 = vector.load %arg3[%get3A_37, %get3A_38] : memref<1000x128xf32, #tpu.memory_space<vmem>>, vector<1000x128xf32>
    %mul3A_40 = vector.broadcast %logistic3A_19 : vector<1000x1xf32> to vector<1000x128xf32>
    %mul3A_41 = arith.mulf %mul3A_40, %get3A_39 : vector<1000x128xf32>
    %add3A_42 = arith.addf %mul3A_36, %mul3A_41 : vector<1000x128xf32>
    %get3A_43 = arith.constant 0 : index
    %get3A_44 = arith.constant 0 : index
    %get3A_45 = vector.load %arg5[%get3A_43, %get3A_44] : memref<128x128xf32, #tpu.memory_space<vmem>>, vector<128x128xf32>
    %dot_general3A = arith.constant dense<0.000000e+00> : vector<1000x128xf32>
    %dot_general3A_46 = tpu.matmul %add3A_42, %get3A_45, %dot_general3A {dimension_numbers = #tpu.dot_dimension_numbers<[1], [0], [0], [1], [0, 0, 1, 1], [], []>, transpose_lhs_hint = false} : vector<1000x128xf32>, vector<128x128xf32>, vector<1000x128xf32> -> vector<1000x128xf32>
    %mul3A_47 = arith.constant 5.000000e-01 : f32
    %mul3A_48 = vector.broadcast %mul3A_47 : f32 to vector<1000x128xf32>
    %mul3A_49 = arith.mulf %mul3A_48, %dot_general3A_46 : vector<1000x128xf32>
    %mul3A_50 = arith.constant 5.000000e-01 : f32
    %mul3A_51 = vector.broadcast %mul3A_50 : f32 to vector<1000x128xf32>
    %mul3A_52 = arith.mulf %mul3A_51, %add3A_42 : vector<1000x128xf32>
    %add3A_53 = arith.addf %mul3A_49, %mul3A_52 : vector<1000x128xf32>
    %max3A = arith.constant 0.000000e+00 : f32
    %max3A_54 = vector.broadcast %max3A : f32 to vector<1000x128xf32>
    %max3A_55 = arith.maximumf %add3A_53, %max3A_54 : vector<1000x128xf32>
    %reduce_sum3A_56 = arith.constant dense<0.000000e+00> : vector<1000xf32>
    %reduce_sum3A_57 = vector.multi_reduction <add>, %max3A_55, %reduce_sum3A_56 [1] : vector<1000x128xf32> to vector<1000xf32>
    %broadcast_in_dim3A_58 = vector.shape_cast %reduce_sum3A_57 : vector<1000xf32> to vector<1000x1xf32>
    %div3A = arith.constant 1.280000e+02 : f32
    %div3A_59 = vector.broadcast %div3A : f32 to vector<1000x1xf32>
    %div3A_60 = arith.divf %broadcast_in_dim3A_58, %div3A_59 : vector<1000x1xf32>
    %sub3A_61 = vector.broadcast %div3A_60 : vector<1000x1xf32> to vector<1000x128xf32>
    %sub3A_62 = arith.subf %max3A_55, %sub3A_61 : vector<1000x128xf32>
    %integer_pow3A = arith.mulf %sub3A_62, %sub3A_62 : vector<1000x128xf32>
    %reduce_sum3A_63 = arith.constant dense<0.000000e+00> : vector<1000xf32>
    %reduce_sum3A_64 = vector.multi_reduction <add>, %integer_pow3A, %reduce_sum3A_63 [1] : vector<1000x128xf32> to vector<1000xf32>
    %broadcast_in_dim3A_65 = vector.shape_cast %reduce_sum3A_64 : vector<1000xf32> to vector<1000x1xf32>
    %div3A_66 = arith.constant 1.280000e+02 : f32
    %div3A_67 = vector.broadcast %div3A_66 : f32 to vector<1000x1xf32>
    %div3A_68 = arith.divf %broadcast_in_dim3A_65, %div3A_67 : vector<1000x1xf32>
    %sub3A_69 = vector.broadcast %div3A_60 : vector<1000x1xf32> to vector<1000x128xf32>
    %sub3A_70 = arith.subf %max3A_55, %sub3A_69 : vector<1000x128xf32>
    %add3A_71 = arith.constant 9.99999974E-6 : f32
    %add3A_72 = vector.broadcast %add3A_71 : f32 to vector<1000x1xf32>
    %add3A_73 = arith.addf %div3A_68, %add3A_72 : vector<1000x1xf32>
    %rsqrt3A = math.rsqrt %add3A_73 : vector<1000x1xf32>
    %mul3A_74 = vector.broadcast %rsqrt3A : vector<1000x1xf32> to vector<1000x128xf32>
    %mul3A_75 = arith.mulf %sub3A_70, %mul3A_74 : vector<1000x128xf32>
    %get3A_76 = arith.constant 0 : index
    %get3A_77 = arith.constant 0 : index
    %get3A_78 = vector.load %arg8[%get3A_76, %get3A_77] : memref<1x128xf32, #tpu.memory_space<vmem>>, vector<1x128xf32>
    %mul3A_79 = vector.broadcast %get3A_78 : vector<1x128xf32> to vector<1000x128xf32>
    %mul3A_80 = arith.mulf %mul3A_75, %mul3A_79 : vector<1000x128xf32>
    %get3A_81 = arith.constant 0 : index
    %get3A_82 = arith.constant 0 : index
    %get3A_83 = vector.load %arg9[%get3A_81, %get3A_82] : memref<1x128xf32, #tpu.memory_space<vmem>>, vector<1x128xf32>
    %add3A_84 = vector.broadcast %get3A_83 : vector<1x128xf32> to vector<1000x128xf32>
    %add3A_85 = arith.addf %mul3A_80, %add3A_84 : vector<1000x128xf32>
    %swap3A = arith.constant 0 : index
    %swap3A_86 = arith.constant 0 : index
    %swap3A_87 = vector.load %arg10[%swap3A, %swap3A_86] : memref<1000x128xf32, #tpu.memory_space<vmem>>, vector<1000x128xf32>
    tpu.vector_store %arg10[%swap3A, %swap3A_86], %add3A_85 {strides = array<i32>} : memref<1000x128xf32, #tpu.memory_space<vmem>>, vector<1000x128xf32>,
    %mul3A_88 = vector.broadcast %get3A_4 : vector<1000x1xf32> to vector<1000x128xf32>
    %mul3A_89 = arith.mulf %mul3A_88, %add3A_85 : vector<1000x128xf32>
    %swap3A_90 = arith.constant 0 : index
    %swap3A_91 = arith.constant 0 : index
    %swap3A_92 = vector.load %arg11[%swap3A_90, %swap3A_91] : memref<1000x128xf32, #tpu.memory_space<vmem>>, vector<1000x128xf32>
    tpu.vector_store %arg11[%swap3A_90, %swap3A_91], %mul3A_89 {strides = array<i32>} : memref<1000x128xf32, #tpu.memory_space<vmem>>, vector<1000x128xf32>,
    return
  }
  func.func @transform_0(%arg0: i32) -> (i32, i32) {
    %c0_i32 = arith.constant 0 : i32
    %c0_i32_0 = arith.constant 0 : i32
    return %arg0, %c0_i32 : i32, i32
  }
  func.func @transform_1(%arg0: i32) -> (i32, i32, i32) {
    %c0_i32 = arith.constant 0 : i32
    %c0_i32_0 = arith.constant 0 : i32
    %c0_i32_1 = arith.constant 0 : i32
    return %c0_i32, %arg0, %c0_i32_0 : i32, i32, i32
  }
  func.func @transform_2(%arg0: i32) -> (i32, i32) {
    %c0_i32 = arith.constant 0 : i32
    %c0_i32_0 = arith.constant 0 : i32
    return %arg0, %c0_i32 : i32, i32
  }
  func.func @transform_3(%arg0: i32) -> (i32, i32) {
    %c0_i32 = arith.constant 0 : i32
    %c0_i32_0 = arith.constant 0 : i32
    return %arg0, %c0_i32 : i32, i32
  }
  func.func @transform_4(%arg0: i32) -> (i32, i32) {
    %c0_i32 = arith.constant 0 : i32
    %c0_i32_0 = arith.constant 0 : i32
    %c0_i32_1 = arith.constant 0 : i32
    return %c0_i32, %c0_i32_0 : i32, i32
  }
  func.func @transform_5(%arg0: i32) -> (i32, i32) {
    %c0_i32 = arith.constant 0 : i32
    %c0_i32_0 = arith.constant 0 : i32
    %c0_i32_1 = arith.constant 0 : i32
    return %c0_i32, %c0_i32_0 : i32, i32
  }
  func.func @transform_6(%arg0: i32) -> (i32, i32) {
    %c0_i32 = arith.constant 0 : i32
    %c0_i32_0 = arith.constant 0 : i32
    %c0_i32_1 = arith.constant 0 : i32
    return %c0_i32, %c0_i32_0 : i32, i32
  }
  func.func @transform_7(%arg0: i32) -> (i32, i32) {
    %c0_i32 = arith.constant 0 : i32
    %c0_i32_0 = arith.constant 0 : i32
    %c0_i32_1 = arith.constant 0 : i32
    return %c0_i32, %c0_i32_0 : i32, i32
  }
  func.func @transform_8(%arg0: i32) -> (i32, i32) {
    %c0_i32 = arith.constant 0 : i32
    %c0_i32_0 = arith.constant 0 : i32
    %c0_i32_1 = arith.constant 0 : i32
    return %c0_i32, %c0_i32_0 : i32, i32
  }
  func.func @transform_9(%arg0: i32) -> (i32, i32) {
    %c0_i32 = arith.constant 0 : i32
    %c0_i32_0 = arith.constant 0 : i32
    return %arg0, %c0_i32 : i32, i32
  }
  func.func @transform_10(%arg0: i32) -> (i32, i32) {
    %c0_i32 = arith.constant 0 : i32
    %c0_i32_0 = arith.constant 0 : i32
    return %arg0, %c0_i32 : i32, i32
  }
}

module attributes {stable_mosaic.version = 14 : i64} {
  func.func @_dense_body(%arg0: i32, %arg1: memref<1000x128xf32, #tpu.memory_space<vmem>>, %arg2: memref<2x1000x128xf32, #tpu.memory_space<vmem>>, %arg3: memref<1000x128xf32, #tpu.memory_space<vmem>>, %arg4: memref<1000x1xf32, #tpu.memory_space<vmem>>, %arg5: memref<128x128xf32, #tpu.memory_space<vmem>>, %arg6: memref<1x128xf32, #tpu.memory_space<vmem>>, %arg7: memref<1x1xf32, #tpu.memory_space<vmem>>, %arg8: memref<1x128xf32, #tpu.memory_space<vmem>>, %arg9: memref<1x128xf32, #tpu.memory_space<vmem>>, %arg10: memref<1000x128xf32, #tpu.memory_space<vmem>>, %arg11: memref<1000x128xf32, #tpu.memory_space<vmem>>) attributes {dimension_semantics = [#tpu.dimension_semantics<arbitrary>], iteration_bounds = array<i64: 10>, scalar_prefetch = 0 : i64, scratch_operands = 0 : i64, tpu.core_type = #tpu.core_type<tc>, window_params = [{transform_indices = @transform_0, window_bounds = array<i64: 1000, 128>}, {transform_indices = @transform_1, window_bounds = array<i64: 2, 1000, 128>}, {transform_indices = @transform_2, window_bounds = array<i64: 1000, 128>}, {transform_indices = @transform_3, window_bounds = array<i64: 1000, 1>}, {pipeline_mode = #tpu.pipeline_mode<synchronous>, transform_indices = @transform_4, window_bounds = array<i64: 128, 128>}, {pipeline_mode = #tpu.pipeline_mode<synchronous>, transform_indices = @transform_5, window_bounds = array<i64: 1, 128>}, {pipeline_mode = #tpu.pipeline_mode<synchronous>, transform_indices = @transform_6, window_bounds = array<i64: 1, 1>}, {pipeline_mode = #tpu.pipeline_mode<synchronous>, transform_indices = @transform_7, window_bounds = array<i64: 1, 128>}, {pipeline_mode = #tpu.pipeline_mode<synchronous>, transform_indices = @transform_8, window_bounds = array<i64: 1, 128>}, {transform_indices = @transform_9, window_bounds = array<i64: 1000, 128>}, {transform_indices = @transform_10, window_bounds = array<i64: 1000, 128>}]} {
    %get3A = arith.constant 0 : index
    %get3A_0 = arith.constant 0 : index
    %get3A_1 = vector.load %arg1[%get3A, %get3A_0] : memref<1000x128xf32, #tpu.memory_space<vmem>>, vector<1000x128xf32>
    %get3A_2 = arith.constant 0 : index
    %get3A_3 = arith.constant 0 : index
    %get3A_4 = vector.load %arg4[%get3A_2, %get3A_3] : memref<1000x1xf32, #tpu.memory_space<vmem>>, vector<1000x1xf32>
    %get3A_5 = arith.constant 0 : index
    %get3A_6 = arith.constant 0 : index
    %get3A_7 = vector.load %arg6[%get3A_5, %get3A_6] : memref<1x128xf32, #tpu.memory_space<vmem>>, vector<1x128xf32>
    %mul3A = vector.broadcast %get3A_7 : vector<1x128xf32> to vector<1000x128xf32>
    %mul3A_8 = arith.mulf %get3A_1, %mul3A : vector<1000x128xf32>
    %reduce_sum3A = arith.constant dense<0.000000e+00> : vector<1000xf32>
    %reduce_sum3A_9 = vector.multi_reduction <add>, %mul3A_8, %reduce_sum3A [1] : vector<1000x128xf32> to vector<1000xf32>
    %broadcast_in_dim3A = vector.shape_cast %reduce_sum3A_9 : vector<1000xf32> to vector<1000x1xf32>
    %get3A_10 = arith.constant 0 : index
    %get3A_11 = arith.constant 0 : index
    %get3A_12 = vector.load %arg7[%get3A_10, %get3A_11] : memref<1x1xf32, #tpu.memory_space<vmem>>, vector<1x1xf32>
    %get3A_13 = vector.extract %get3A_12[0, 0] : f32 from vector<1x1xf32>
    %add3A = vector.broadcast %get3A_13 : f32 to vector<1000x1xf32>
    %add3A_14 = arith.addf %broadcast_in_dim3A, %add3A : vector<1000x1xf32>
    %logistic3A = arith.negf %add3A_14 : vector<1000x1xf32>
    %logistic3A_15 = math.exp %logistic3A : vector<1000x1xf32>
    %logistic3A_16 = arith.constant 1.000000e+00 : f32
    %logistic3A_17 = vector.broadcast %logistic3A_16 : f32 to vector<1000x1xf32>
    %logistic3A_18 = arith.addf %logistic3A_17, %logistic3A_15 : vector<1000x1xf32>
    %logistic3A_19 = arith.divf %logistic3A_17, %logistic3A_18 : vector<1000x1xf32>
    %get3A_20 = arith.constant 0 : index
    %get3A_21 = arith.constant 0 : index
    %get3A_22 = arith.constant 0 : index
    %get3A_23 = vector.load %arg2[%get3A_20, %get3A_21, %get3A_22] : memref<2x1000x128xf32, #tpu.memory_space<vmem>>, vector<1x1000x128xf32>
    %get3A_24 = vector.shape_cast %get3A_23 : vector<1x1000x128xf32> to vector<1000x128xf32>
    %get3A_25 = arith.constant 1 : index
    %get3A_26 = arith.constant 0 : index
    %get3A_27 = arith.constant 0 : index
    %get3A_28 = vector.load %arg2[%get3A_25, %get3A_26, %get3A_27] : memref<2x1000x128xf32, #tpu.memory_space<vmem>>, vector<1x1000x128xf32>
    %get3A_29 = vector.shape_cast %get3A_28 : vector<1x1000x128xf32> to vector<1000x128xf32>
    %add3A_30 = arith.addf %get3A_24, %get3A_29 : vector<1000x128xf32>
    %mul3A_31 = vector.broadcast %get3A_4 : vector<1000x1xf32> to vector<1000x128xf32>
    %mul3A_32 = arith.mulf %mul3A_31, %add3A_30 : vector<1000x128xf32>
    %sub3A = arith.constant 1.000000e+00 : f32
    %sub3A_33 = vector.broadcast %sub3A : f32 to vector<1000x1xf32>
    %sub3A_34 = arith.subf %sub3A_33, %logistic3A_19 : vector<1000x1xf32>
    %mul3A_35 = vector.broadcast %sub3A_34 : vector<1000x1xf32> to vector<1000x128xf32>
    %mul3A_36 = arith.mulf %mul3A_35, %mul3A_32 : vector<1000x128xf32>
    %get3A_37 = arith.constant 0 : index
    %get3A_38 = arith.constant 0 : index
    %get3A_39 = vector.load %arg3[%get3A_37, %get3A_38] : memref<1000x128xf32, #tpu.memory_space<vmem>>, vector<1000x128xf32>
    %mul3A_40 = vector.broadcast %logistic3A_19 : vector<1000x1xf32> to vector<1000x128xf32>
    %mul3A_41 = arith.mulf %mul3A_40, %get3A_39 : vector<1000x128xf32>
    %add3A_42 = arith.addf %mul3A_36, %mul3A_41 : vector<1000x128xf32>
    %get3A_43 = arith.constant 0 : index
    %get3A_44 = arith.constant 0 : index
    %get3A_45 = vector.load %arg5[%get3A_43, %get3A_44] : memref<128x128xf32, #tpu.memory_space<vmem>>, vector<128x128xf32>
    %dot_general3A = arith.constant dense<0.000000e+00> : vector<1000x128xf32>
    %dot_general3A_46 = tpu.matmul %add3A_42, %get3A_45, %dot_general3A {dimension_numbers = #tpu.dot_dimension_numbers<[1], [0], [0], [1], [0, 0, 1, 1], [], []>, transpose_lhs_hint = false} : vector<1000x128xf32>, vector<128x128xf32>, vector<1000x128xf32> -> vector<1000x128xf32>
    %mul3A_47 = arith.constant 2.500000e-01 : f32
    %mul3A_48 = vector.broadcast %mul3A_47 : f32 to vector<1000x128xf32>
    %mul3A_49 = arith.mulf %mul3A_48, %dot_general3A_46 : vector<1000x128xf32>
    %mul3A_50 = arith.constant 7.500000e-01 : f32
    %mul3A_51 = vector.broadcast %mul3A_50 : f32 to vector<1000x128xf32>
    %mul3A_52 = arith.mulf %mul3A_51, %add3A_42 : vector<1000x128xf32>
    %add3A_53 = arith.addf %mul3A_49, %mul3A_52 : vector<1000x128xf32>
    %max3A = arith.constant 0.000000e+00 : f32
    %max3A_54 = vector.broadcast %max3A : f32 to vector<1000x128xf32>
    %max3A_55 = arith.maximumf %add3A_53, %max3A_54 : vector<1000x128xf32>
    %reduce_sum3A_56 = arith.constant dense<0.000000e+00> : vector<1000xf32>
    %reduce_sum3A_57 = vector.multi_reduction <add>, %max3A_55, %reduce_sum3A_56 [1] : vector<1000x128xf32> to vector<1000xf32>
    %broadcast_in_dim3A_58 = vector.shape_cast %reduce_sum3A_57 : vector<1000xf32> to vector<1000x1xf32>
    %div3A = arith.constant 1.280000e+02 : f32
    %div3A_59 = vector.broadcast %div3A : f32 to vector<1000x1xf32>
    %div3A_60 = arith.divf %broadcast_in_dim3A_58, %div3A_59 : vector<1000x1xf32>
    %sub3A_61 = vector.broadcast %div3A_60 : vector<1000x1xf32> to vector<1000x128xf32>
    %sub3A_62 = arith.subf %max3A_55, %sub3A_61 : vector<1000x128xf32>
    %integer_pow3A = arith.mulf %sub3A_62, %sub3A_62 : vector<1000x128xf32>
    %reduce_sum3A_63 = arith.constant dense<0.000000e+00> : vector<1000xf32>
    %reduce_sum3A_64 = vector.multi_reduction <add>, %integer_pow3A, %reduce_sum3A_63 [1] : vector<1000x128xf32> to vector<1000xf32>
    %broadcast_in_dim3A_65 = vector.shape_cast %reduce_sum3A_64 : vector<1000xf32> to vector<1000x1xf32>
    %div3A_66 = arith.constant 1.280000e+02 : f32
    %div3A_67 = vector.broadcast %div3A_66 : f32 to vector<1000x1xf32>
    %div3A_68 = arith.divf %broadcast_in_dim3A_65, %div3A_67 : vector<1000x1xf32>
    %sub3A_69 = vector.broadcast %div3A_60 : vector<1000x1xf32> to vector<1000x128xf32>
    %sub3A_70 = arith.subf %max3A_55, %sub3A_69 : vector<1000x128xf32>
    %add3A_71 = arith.constant 9.99999974E-6 : f32
    %add3A_72 = vector.broadcast %add3A_71 : f32 to vector<1000x1xf32>
    %add3A_73 = arith.addf %div3A_68, %add3A_72 : vector<1000x1xf32>
    %rsqrt3A = math.rsqrt %add3A_73 : vector<1000x1xf32>
    %mul3A_74 = vector.broadcast %rsqrt3A : vector<1000x1xf32> to vector<1000x128xf32>
    %mul3A_75 = arith.mulf %sub3A_70, %mul3A_74 : vector<1000x128xf32>
    %get3A_76 = arith.constant 0 : index
    %get3A_77 = arith.constant 0 : index
    %get3A_78 = vector.load %arg8[%get3A_76, %get3A_77] : memref<1x128xf32, #tpu.memory_space<vmem>>, vector<1x128xf32>
    %mul3A_79 = vector.broadcast %get3A_78 : vector<1x128xf32> to vector<1000x128xf32>
    %mul3A_80 = arith.mulf %mul3A_75, %mul3A_79 : vector<1000x128xf32>
    %get3A_81 = arith.constant 0 : index
    %get3A_82 = arith.constant 0 : index
    %get3A_83 = vector.load %arg9[%get3A_81, %get3A_82] : memref<1x128xf32, #tpu.memory_space<vmem>>, vector<1x128xf32>
    %add3A_84 = vector.broadcast %get3A_83 : vector<1x128xf32> to vector<1000x128xf32>
    %add3A_85 = arith.addf %mul3A_80, %add3A_84 : vector<1000x128xf32>
    %swap3A = arith.constant 0 : index
    %swap3A_86 = arith.constant 0 : index
    %swap3A_87 = vector.load %arg10[%swap3A, %swap3A_86] : memref<1000x128xf32, #tpu.memory_space<vmem>>, vector<1000x128xf32>
    tpu.vector_store %arg10[%swap3A, %swap3A_86], %add3A_85 {strides = array<i32>} : memref<1000x128xf32, #tpu.memory_space<vmem>>, vector<1000x128xf32>,
    %mul3A_88 = vector.broadcast %get3A_4 : vector<1000x1xf32> to vector<1000x128xf32>
    %mul3A_89 = arith.mulf %mul3A_88, %add3A_85 : vector<1000x128xf32>
    %swap3A_90 = arith.constant 0 : index
    %swap3A_91 = arith.constant 0 : index
    %swap3A_92 = vector.load %arg11[%swap3A_90, %swap3A_91] : memref<1000x128xf32, #tpu.memory_space<vmem>>, vector<1000x128xf32>
    tpu.vector_store %arg11[%swap3A_90, %swap3A_91], %mul3A_89 {strides = array<i32>} : memref<1000x128xf32, #tpu.memory_space<vmem>>, vector<1000x128xf32>,
    return
  }
  func.func @transform_0(%arg0: i32) -> (i32, i32) {
    %c0_i32 = arith.constant 0 : i32
    %c0_i32_0 = arith.constant 0 : i32
    return %arg0, %c0_i32 : i32, i32
  }
  func.func @transform_1(%arg0: i32) -> (i32, i32, i32) {
    %c0_i32 = arith.constant 0 : i32
    %c0_i32_0 = arith.constant 0 : i32
    %c0_i32_1 = arith.constant 0 : i32
    return %c0_i32, %arg0, %c0_i32_0 : i32, i32, i32
  }
  func.func @transform_2(%arg0: i32) -> (i32, i32) {
    %c0_i32 = arith.constant 0 : i32
    %c0_i32_0 = arith.constant 0 : i32
    return %arg0, %c0_i32 : i32, i32
  }
  func.func @transform_3(%arg0: i32) -> (i32, i32) {
    %c0_i32 = arith.constant 0 : i32
    %c0_i32_0 = arith.constant 0 : i32
    return %arg0, %c0_i32 : i32, i32
  }
  func.func @transform_4(%arg0: i32) -> (i32, i32) {
    %c0_i32 = arith.constant 0 : i32
    %c0_i32_0 = arith.constant 0 : i32
    %c0_i32_1 = arith.constant 0 : i32
    return %c0_i32, %c0_i32_0 : i32, i32
  }
  func.func @transform_5(%arg0: i32) -> (i32, i32) {
    %c0_i32 = arith.constant 0 : i32
    %c0_i32_0 = arith.constant 0 : i32
    %c0_i32_1 = arith.constant 0 : i32
    return %c0_i32, %c0_i32_0 : i32, i32
  }
  func.func @transform_6(%arg0: i32) -> (i32, i32) {
    %c0_i32 = arith.constant 0 : i32
    %c0_i32_0 = arith.constant 0 : i32
    %c0_i32_1 = arith.constant 0 : i32
    return %c0_i32, %c0_i32_0 : i32, i32
  }
  func.func @transform_7(%arg0: i32) -> (i32, i32) {
    %c0_i32 = arith.constant 0 : i32
    %c0_i32_0 = arith.constant 0 : i32
    %c0_i32_1 = arith.constant 0 : i32
    return %c0_i32, %c0_i32_0 : i32, i32
  }
  func.func @transform_8(%arg0: i32) -> (i32, i32) {
    %c0_i32 = arith.constant 0 : i32
    %c0_i32_0 = arith.constant 0 : i32
    %c0_i32_1 = arith.constant 0 : i32
    return %c0_i32, %c0_i32_0 : i32, i32
  }
  func.func @transform_9(%arg0: i32) -> (i32, i32) {
    %c0_i32 = arith.constant 0 : i32
    %c0_i32_0 = arith.constant 0 : i32
    return %arg0, %c0_i32 : i32, i32
  }
  func.func @transform_10(%arg0: i32) -> (i32, i32) {
    %c0_i32 = arith.constant 0 : i32
    %c0_i32_0 = arith.constant 0 : i32
    return %arg0, %c0_i32 : i32, i32
  }
}

module attributes {stable_mosaic.version = 14 : i64} {
  func.func @_dense_body(%arg0: i32, %arg1: memref<1000x128xf32, #tpu.memory_space<vmem>>, %arg2: memref<2x1000x128xf32, #tpu.memory_space<vmem>>, %arg3: memref<1000x128xf32, #tpu.memory_space<vmem>>, %arg4: memref<1000x1xf32, #tpu.memory_space<vmem>>, %arg5: memref<128x128xf32, #tpu.memory_space<vmem>>, %arg6: memref<1x128xf32, #tpu.memory_space<vmem>>, %arg7: memref<1x1xf32, #tpu.memory_space<vmem>>, %arg8: memref<1x128xf32, #tpu.memory_space<vmem>>, %arg9: memref<1x128xf32, #tpu.memory_space<vmem>>, %arg10: memref<1000x128xf32, #tpu.memory_space<vmem>>, %arg11: memref<1000x128xf32, #tpu.memory_space<vmem>>) attributes {dimension_semantics = [#tpu.dimension_semantics<arbitrary>], iteration_bounds = array<i64: 10>, scalar_prefetch = 0 : i64, scratch_operands = 0 : i64, tpu.core_type = #tpu.core_type<tc>, window_params = [{transform_indices = @transform_0, window_bounds = array<i64: 1000, 128>}, {transform_indices = @transform_1, window_bounds = array<i64: 2, 1000, 128>}, {transform_indices = @transform_2, window_bounds = array<i64: 1000, 128>}, {transform_indices = @transform_3, window_bounds = array<i64: 1000, 1>}, {pipeline_mode = #tpu.pipeline_mode<synchronous>, transform_indices = @transform_4, window_bounds = array<i64: 128, 128>}, {pipeline_mode = #tpu.pipeline_mode<synchronous>, transform_indices = @transform_5, window_bounds = array<i64: 1, 128>}, {pipeline_mode = #tpu.pipeline_mode<synchronous>, transform_indices = @transform_6, window_bounds = array<i64: 1, 1>}, {pipeline_mode = #tpu.pipeline_mode<synchronous>, transform_indices = @transform_7, window_bounds = array<i64: 1, 128>}, {pipeline_mode = #tpu.pipeline_mode<synchronous>, transform_indices = @transform_8, window_bounds = array<i64: 1, 128>}, {transform_indices = @transform_9, window_bounds = array<i64: 1000, 128>}, {transform_indices = @transform_10, window_bounds = array<i64: 1000, 128>}]} {
    %get3A = arith.constant 0 : index
    %get3A_0 = arith.constant 0 : index
    %get3A_1 = vector.load %arg1[%get3A, %get3A_0] : memref<1000x128xf32, #tpu.memory_space<vmem>>, vector<1000x128xf32>
    %get3A_2 = arith.constant 0 : index
    %get3A_3 = arith.constant 0 : index
    %get3A_4 = vector.load %arg4[%get3A_2, %get3A_3] : memref<1000x1xf32, #tpu.memory_space<vmem>>, vector<1000x1xf32>
    %get3A_5 = arith.constant 0 : index
    %get3A_6 = arith.constant 0 : index
    %get3A_7 = vector.load %arg6[%get3A_5, %get3A_6] : memref<1x128xf32, #tpu.memory_space<vmem>>, vector<1x128xf32>
    %mul3A = vector.broadcast %get3A_7 : vector<1x128xf32> to vector<1000x128xf32>
    %mul3A_8 = arith.mulf %get3A_1, %mul3A : vector<1000x128xf32>
    %reduce_sum3A = arith.constant dense<0.000000e+00> : vector<1000xf32>
    %reduce_sum3A_9 = vector.multi_reduction <add>, %mul3A_8, %reduce_sum3A [1] : vector<1000x128xf32> to vector<1000xf32>
    %broadcast_in_dim3A = vector.shape_cast %reduce_sum3A_9 : vector<1000xf32> to vector<1000x1xf32>
    %get3A_10 = arith.constant 0 : index
    %get3A_11 = arith.constant 0 : index
    %get3A_12 = vector.load %arg7[%get3A_10, %get3A_11] : memref<1x1xf32, #tpu.memory_space<vmem>>, vector<1x1xf32>
    %get3A_13 = vector.extract %get3A_12[0, 0] : f32 from vector<1x1xf32>
    %add3A = vector.broadcast %get3A_13 : f32 to vector<1000x1xf32>
    %add3A_14 = arith.addf %broadcast_in_dim3A, %add3A : vector<1000x1xf32>
    %logistic3A = arith.negf %add3A_14 : vector<1000x1xf32>
    %logistic3A_15 = math.exp %logistic3A : vector<1000x1xf32>
    %logistic3A_16 = arith.constant 1.000000e+00 : f32
    %logistic3A_17 = vector.broadcast %logistic3A_16 : f32 to vector<1000x1xf32>
    %logistic3A_18 = arith.addf %logistic3A_17, %logistic3A_15 : vector<1000x1xf32>
    %logistic3A_19 = arith.divf %logistic3A_17, %logistic3A_18 : vector<1000x1xf32>
    %get3A_20 = arith.constant 0 : index
    %get3A_21 = arith.constant 0 : index
    %get3A_22 = arith.constant 0 : index
    %get3A_23 = vector.load %arg2[%get3A_20, %get3A_21, %get3A_22] : memref<2x1000x128xf32, #tpu.memory_space<vmem>>, vector<1x1000x128xf32>
    %get3A_24 = vector.shape_cast %get3A_23 : vector<1x1000x128xf32> to vector<1000x128xf32>
    %get3A_25 = arith.constant 1 : index
    %get3A_26 = arith.constant 0 : index
    %get3A_27 = arith.constant 0 : index
    %get3A_28 = vector.load %arg2[%get3A_25, %get3A_26, %get3A_27] : memref<2x1000x128xf32, #tpu.memory_space<vmem>>, vector<1x1000x128xf32>
    %get3A_29 = vector.shape_cast %get3A_28 : vector<1x1000x128xf32> to vector<1000x128xf32>
    %add3A_30 = arith.addf %get3A_24, %get3A_29 : vector<1000x128xf32>
    %mul3A_31 = vector.broadcast %get3A_4 : vector<1000x1xf32> to vector<1000x128xf32>
    %mul3A_32 = arith.mulf %mul3A_31, %add3A_30 : vector<1000x128xf32>
    %sub3A = arith.constant 1.000000e+00 : f32
    %sub3A_33 = vector.broadcast %sub3A : f32 to vector<1000x1xf32>
    %sub3A_34 = arith.subf %sub3A_33, %logistic3A_19 : vector<1000x1xf32>
    %mul3A_35 = vector.broadcast %sub3A_34 : vector<1000x1xf32> to vector<1000x128xf32>
    %mul3A_36 = arith.mulf %mul3A_35, %mul3A_32 : vector<1000x128xf32>
    %get3A_37 = arith.constant 0 : index
    %get3A_38 = arith.constant 0 : index
    %get3A_39 = vector.load %arg3[%get3A_37, %get3A_38] : memref<1000x128xf32, #tpu.memory_space<vmem>>, vector<1000x128xf32>
    %mul3A_40 = vector.broadcast %logistic3A_19 : vector<1000x1xf32> to vector<1000x128xf32>
    %mul3A_41 = arith.mulf %mul3A_40, %get3A_39 : vector<1000x128xf32>
    %add3A_42 = arith.addf %mul3A_36, %mul3A_41 : vector<1000x128xf32>
    %get3A_43 = arith.constant 0 : index
    %get3A_44 = arith.constant 0 : index
    %get3A_45 = vector.load %arg5[%get3A_43, %get3A_44] : memref<128x128xf32, #tpu.memory_space<vmem>>, vector<128x128xf32>
    %dot_general3A = arith.constant dense<0.000000e+00> : vector<1000x128xf32>
    %dot_general3A_46 = tpu.matmul %add3A_42, %get3A_45, %dot_general3A {dimension_numbers = #tpu.dot_dimension_numbers<[1], [0], [0], [1], [0, 0, 1, 1], [], []>, transpose_lhs_hint = false} : vector<1000x128xf32>, vector<128x128xf32>, vector<1000x128xf32> -> vector<1000x128xf32>
    %mul3A_47 = arith.constant 0.166666672 : f32
    %mul3A_48 = vector.broadcast %mul3A_47 : f32 to vector<1000x128xf32>
    %mul3A_49 = arith.mulf %mul3A_48, %dot_general3A_46 : vector<1000x128xf32>
    %mul3A_50 = arith.constant 0.833333313 : f32
    %mul3A_51 = vector.broadcast %mul3A_50 : f32 to vector<1000x128xf32>
    %mul3A_52 = arith.mulf %mul3A_51, %add3A_42 : vector<1000x128xf32>
    %add3A_53 = arith.addf %mul3A_49, %mul3A_52 : vector<1000x128xf32>
    %max3A = arith.constant 0.000000e+00 : f32
    %max3A_54 = vector.broadcast %max3A : f32 to vector<1000x128xf32>
    %max3A_55 = arith.maximumf %add3A_53, %max3A_54 : vector<1000x128xf32>
    %reduce_sum3A_56 = arith.constant dense<0.000000e+00> : vector<1000xf32>
    %reduce_sum3A_57 = vector.multi_reduction <add>, %max3A_55, %reduce_sum3A_56 [1] : vector<1000x128xf32> to vector<1000xf32>
    %broadcast_in_dim3A_58 = vector.shape_cast %reduce_sum3A_57 : vector<1000xf32> to vector<1000x1xf32>
    %div3A = arith.constant 1.280000e+02 : f32
    %div3A_59 = vector.broadcast %div3A : f32 to vector<1000x1xf32>
    %div3A_60 = arith.divf %broadcast_in_dim3A_58, %div3A_59 : vector<1000x1xf32>
    %sub3A_61 = vector.broadcast %div3A_60 : vector<1000x1xf32> to vector<1000x128xf32>
    %sub3A_62 = arith.subf %max3A_55, %sub3A_61 : vector<1000x128xf32>
    %integer_pow3A = arith.mulf %sub3A_62, %sub3A_62 : vector<1000x128xf32>
    %reduce_sum3A_63 = arith.constant dense<0.000000e+00> : vector<1000xf32>
    %reduce_sum3A_64 = vector.multi_reduction <add>, %integer_pow3A, %reduce_sum3A_63 [1] : vector<1000x128xf32> to vector<1000xf32>
    %broadcast_in_dim3A_65 = vector.shape_cast %reduce_sum3A_64 : vector<1000xf32> to vector<1000x1xf32>
    %div3A_66 = arith.constant 1.280000e+02 : f32
    %div3A_67 = vector.broadcast %div3A_66 : f32 to vector<1000x1xf32>
    %div3A_68 = arith.divf %broadcast_in_dim3A_65, %div3A_67 : vector<1000x1xf32>
    %sub3A_69 = vector.broadcast %div3A_60 : vector<1000x1xf32> to vector<1000x128xf32>
    %sub3A_70 = arith.subf %max3A_55, %sub3A_69 : vector<1000x128xf32>
    %add3A_71 = arith.constant 9.99999974E-6 : f32
    %add3A_72 = vector.broadcast %add3A_71 : f32 to vector<1000x1xf32>
    %add3A_73 = arith.addf %div3A_68, %add3A_72 : vector<1000x1xf32>
    %rsqrt3A = math.rsqrt %add3A_73 : vector<1000x1xf32>
    %mul3A_74 = vector.broadcast %rsqrt3A : vector<1000x1xf32> to vector<1000x128xf32>
    %mul3A_75 = arith.mulf %sub3A_70, %mul3A_74 : vector<1000x128xf32>
    %get3A_76 = arith.constant 0 : index
    %get3A_77 = arith.constant 0 : index
    %get3A_78 = vector.load %arg8[%get3A_76, %get3A_77] : memref<1x128xf32, #tpu.memory_space<vmem>>, vector<1x128xf32>
    %mul3A_79 = vector.broadcast %get3A_78 : vector<1x128xf32> to vector<1000x128xf32>
    %mul3A_80 = arith.mulf %mul3A_75, %mul3A_79 : vector<1000x128xf32>
    %get3A_81 = arith.constant 0 : index
    %get3A_82 = arith.constant 0 : index
    %get3A_83 = vector.load %arg9[%get3A_81, %get3A_82] : memref<1x128xf32, #tpu.memory_space<vmem>>, vector<1x128xf32>
    %add3A_84 = vector.broadcast %get3A_83 : vector<1x128xf32> to vector<1000x128xf32>
    %add3A_85 = arith.addf %mul3A_80, %add3A_84 : vector<1000x128xf32>
    %swap3A = arith.constant 0 : index
    %swap3A_86 = arith.constant 0 : index
    %swap3A_87 = vector.load %arg10[%swap3A, %swap3A_86] : memref<1000x128xf32, #tpu.memory_space<vmem>>, vector<1000x128xf32>
    tpu.vector_store %arg10[%swap3A, %swap3A_86], %add3A_85 {strides = array<i32>} : memref<1000x128xf32, #tpu.memory_space<vmem>>, vector<1000x128xf32>,
    %mul3A_88 = vector.broadcast %get3A_4 : vector<1000x1xf32> to vector<1000x128xf32>
    %mul3A_89 = arith.mulf %mul3A_88, %add3A_85 : vector<1000x128xf32>
    %swap3A_90 = arith.constant 0 : index
    %swap3A_91 = arith.constant 0 : index
    %swap3A_92 = vector.load %arg11[%swap3A_90, %swap3A_91] : memref<1000x128xf32, #tpu.memory_space<vmem>>, vector<1000x128xf32>
    tpu.vector_store %arg11[%swap3A_90, %swap3A_91], %mul3A_89 {strides = array<i32>} : memref<1000x128xf32, #tpu.memory_space<vmem>>, vector<1000x128xf32>,
    return
  }
  func.func @transform_0(%arg0: i32) -> (i32, i32) {
    %c0_i32 = arith.constant 0 : i32
    %c0_i32_0 = arith.constant 0 : i32
    return %arg0, %c0_i32 : i32, i32
  }
  func.func @transform_1(%arg0: i32) -> (i32, i32, i32) {
    %c0_i32 = arith.constant 0 : i32
    %c0_i32_0 = arith.constant 0 : i32
    %c0_i32_1 = arith.constant 0 : i32
    return %c0_i32, %arg0, %c0_i32_0 : i32, i32, i32
  }
  func.func @transform_2(%arg0: i32) -> (i32, i32) {
    %c0_i32 = arith.constant 0 : i32
    %c0_i32_0 = arith.constant 0 : i32
    return %arg0, %c0_i32 : i32, i32
  }
  func.func @transform_3(%arg0: i32) -> (i32, i32) {
    %c0_i32 = arith.constant 0 : i32
    %c0_i32_0 = arith.constant 0 : i32
    return %arg0, %c0_i32 : i32, i32
  }
  func.func @transform_4(%arg0: i32) -> (i32, i32) {
    %c0_i32 = arith.constant 0 : i32
    %c0_i32_0 = arith.constant 0 : i32
    %c0_i32_1 = arith.constant 0 : i32
    return %c0_i32, %c0_i32_0 : i32, i32
  }
  func.func @transform_5(%arg0: i32) -> (i32, i32) {
    %c0_i32 = arith.constant 0 : i32
    %c0_i32_0 = arith.constant 0 : i32
    %c0_i32_1 = arith.constant 0 : i32
    return %c0_i32, %c0_i32_0 : i32, i32
  }
  func.func @transform_6(%arg0: i32) -> (i32, i32) {
    %c0_i32 = arith.constant 0 : i32
    %c0_i32_0 = arith.constant 0 : i32
    %c0_i32_1 = arith.constant 0 : i32
    return %c0_i32, %c0_i32_0 : i32, i32
  }
  func.func @transform_7(%arg0: i32) -> (i32, i32) {
    %c0_i32 = arith.constant 0 : i32
    %c0_i32_0 = arith.constant 0 : i32
    %c0_i32_1 = arith.constant 0 : i32
    return %c0_i32, %c0_i32_0 : i32, i32
  }
  func.func @transform_8(%arg0: i32) -> (i32, i32) {
    %c0_i32 = arith.constant 0 : i32
    %c0_i32_0 = arith.constant 0 : i32
    %c0_i32_1 = arith.constant 0 : i32
    return %c0_i32, %c0_i32_0 : i32, i32
  }
  func.func @transform_9(%arg0: i32) -> (i32, i32) {
    %c0_i32 = arith.constant 0 : i32
    %c0_i32_0 = arith.constant 0 : i32
    return %arg0, %c0_i32 : i32, i32
  }
  func.func @transform_10(%arg0: i32) -> (i32, i32) {
    %c0_i32 = arith.constant 0 : i32
    %c0_i32_0 = arith.constant 0 : i32
    return %arg0, %c0_i32 : i32, i32
  }
}

module attributes {stable_mosaic.version = 14 : i64} {
  func.func @_dense_final_body(%arg0: i32, %arg1: memref<1000x128xf32, #tpu.memory_space<vmem>>, %arg2: memref<2x1000x128xf32, #tpu.memory_space<vmem>>, %arg3: memref<1000x128xf32, #tpu.memory_space<vmem>>, %arg4: memref<1000x1xf32, #tpu.memory_space<vmem>>, %arg5: memref<128x128xf32, #tpu.memory_space<vmem>>, %arg6: memref<1x128xf32, #tpu.memory_space<vmem>>, %arg7: memref<1x1xf32, #tpu.memory_space<vmem>>, %arg8: memref<1x128xf32, #tpu.memory_space<vmem>>, %arg9: memref<1x128xf32, #tpu.memory_space<vmem>>, %arg10: memref<128x128xf32, #tpu.memory_space<vmem>>, %arg11: memref<1x128xf32, #tpu.memory_space<vmem>>, %arg12: memref<1000x128xf32, #tpu.memory_space<vmem>>) attributes {dimension_semantics = [#tpu.dimension_semantics<arbitrary>], iteration_bounds = array<i64: 10>, scalar_prefetch = 0 : i64, scratch_operands = 0 : i64, tpu.core_type = #tpu.core_type<tc>, window_params = [{transform_indices = @transform_0, window_bounds = array<i64: 1000, 128>}, {transform_indices = @transform_1, window_bounds = array<i64: 2, 1000, 128>}, {transform_indices = @transform_2, window_bounds = array<i64: 1000, 128>}, {transform_indices = @transform_3, window_bounds = array<i64: 1000, 1>}, {pipeline_mode = #tpu.pipeline_mode<synchronous>, transform_indices = @transform_4, window_bounds = array<i64: 128, 128>}, {pipeline_mode = #tpu.pipeline_mode<synchronous>, transform_indices = @transform_5, window_bounds = array<i64: 1, 128>}, {pipeline_mode = #tpu.pipeline_mode<synchronous>, transform_indices = @transform_6, window_bounds = array<i64: 1, 1>}, {pipeline_mode = #tpu.pipeline_mode<synchronous>, transform_indices = @transform_7, window_bounds = array<i64: 1, 128>}, {pipeline_mode = #tpu.pipeline_mode<synchronous>, transform_indices = @transform_8, window_bounds = array<i64: 1, 128>}, {pipeline_mode = #tpu.pipeline_mode<synchronous>, transform_indices = @transform_9, window_bounds = array<i64: 128, 128>}, {pipeline_mode = #tpu.pipeline_mode<synchronous>, transform_indices = @transform_10, window_bounds = array<i64: 1, 128>}, {transform_indices = @transform_11, window_bounds = array<i64: 1000, 128>}]} {
    %get3A = arith.constant 0 : index
    %get3A_0 = arith.constant 0 : index
    %get3A_1 = vector.load %arg1[%get3A, %get3A_0] : memref<1000x128xf32, #tpu.memory_space<vmem>>, vector<1000x128xf32>
    %get3A_2 = arith.constant 0 : index
    %get3A_3 = arith.constant 0 : index
    %get3A_4 = vector.load %arg4[%get3A_2, %get3A_3] : memref<1000x1xf32, #tpu.memory_space<vmem>>, vector<1000x1xf32>
    %get3A_5 = arith.constant 0 : index
    %get3A_6 = arith.constant 0 : index
    %get3A_7 = vector.load %arg6[%get3A_5, %get3A_6] : memref<1x128xf32, #tpu.memory_space<vmem>>, vector<1x128xf32>
    %mul3A = vector.broadcast %get3A_7 : vector<1x128xf32> to vector<1000x128xf32>
    %mul3A_8 = arith.mulf %get3A_1, %mul3A : vector<1000x128xf32>
    %reduce_sum3A = arith.constant dense<0.000000e+00> : vector<1000xf32>
    %reduce_sum3A_9 = vector.multi_reduction <add>, %mul3A_8, %reduce_sum3A [1] : vector<1000x128xf32> to vector<1000xf32>
    %broadcast_in_dim3A = vector.shape_cast %reduce_sum3A_9 : vector<1000xf32> to vector<1000x1xf32>
    %get3A_10 = arith.constant 0 : index
    %get3A_11 = arith.constant 0 : index
    %get3A_12 = vector.load %arg7[%get3A_10, %get3A_11] : memref<1x1xf32, #tpu.memory_space<vmem>>, vector<1x1xf32>
    %get3A_13 = vector.extract %get3A_12[0, 0] : f32 from vector<1x1xf32>
    %add3A = vector.broadcast %get3A_13 : f32 to vector<1000x1xf32>
    %add3A_14 = arith.addf %broadcast_in_dim3A, %add3A : vector<1000x1xf32>
    %logistic3A = arith.negf %add3A_14 : vector<1000x1xf32>
    %logistic3A_15 = math.exp %logistic3A : vector<1000x1xf32>
    %logistic3A_16 = arith.constant 1.000000e+00 : f32
    %logistic3A_17 = vector.broadcast %logistic3A_16 : f32 to vector<1000x1xf32>
    %logistic3A_18 = arith.addf %logistic3A_17, %logistic3A_15 : vector<1000x1xf32>
    %logistic3A_19 = arith.divf %logistic3A_17, %logistic3A_18 : vector<1000x1xf32>
    %get3A_20 = arith.constant 0 : index
    %get3A_21 = arith.constant 0 : index
    %get3A_22 = arith.constant 0 : index
    %get3A_23 = vector.load %arg2[%get3A_20, %get3A_21, %get3A_22] : memref<2x1000x128xf32, #tpu.memory_space<vmem>>, vector<1x1000x128xf32>
    %get3A_24 = vector.shape_cast %get3A_23 : vector<1x1000x128xf32> to vector<1000x128xf32>
    %get3A_25 = arith.constant 1 : index
    %get3A_26 = arith.constant 0 : index
    %get3A_27 = arith.constant 0 : index
    %get3A_28 = vector.load %arg2[%get3A_25, %get3A_26, %get3A_27] : memref<2x1000x128xf32, #tpu.memory_space<vmem>>, vector<1x1000x128xf32>
    %get3A_29 = vector.shape_cast %get3A_28 : vector<1x1000x128xf32> to vector<1000x128xf32>
    %add3A_30 = arith.addf %get3A_24, %get3A_29 : vector<1000x128xf32>
    %mul3A_31 = vector.broadcast %get3A_4 : vector<1000x1xf32> to vector<1000x128xf32>
    %mul3A_32 = arith.mulf %mul3A_31, %add3A_30 : vector<1000x128xf32>
    %sub3A = arith.constant 1.000000e+00 : f32
    %sub3A_33 = vector.broadcast %sub3A : f32 to vector<1000x1xf32>
    %sub3A_34 = arith.subf %sub3A_33, %logistic3A_19 : vector<1000x1xf32>
    %mul3A_35 = vector.broadcast %sub3A_34 : vector<1000x1xf32> to vector<1000x128xf32>
    %mul3A_36 = arith.mulf %mul3A_35, %mul3A_32 : vector<1000x128xf32>
    %get3A_37 = arith.constant 0 : index
    %get3A_38 = arith.constant 0 : index
    %get3A_39 = vector.load %arg3[%get3A_37, %get3A_38] : memref<1000x128xf32, #tpu.memory_space<vmem>>, vector<1000x128xf32>
    %mul3A_40 = vector.broadcast %logistic3A_19 : vector<1000x1xf32> to vector<1000x128xf32>
    %mul3A_41 = arith.mulf %mul3A_40, %get3A_39 : vector<1000x128xf32>
    %add3A_42 = arith.addf %mul3A_36, %mul3A_41 : vector<1000x128xf32>
    %get3A_43 = arith.constant 0 : index
    %get3A_44 = arith.constant 0 : index
    %get3A_45 = vector.load %arg5[%get3A_43, %get3A_44] : memref<128x128xf32, #tpu.memory_space<vmem>>, vector<128x128xf32>
    %dot_general3A = arith.constant dense<0.000000e+00> : vector<1000x128xf32>
    %dot_general3A_46 = tpu.matmul %add3A_42, %get3A_45, %dot_general3A {dimension_numbers = #tpu.dot_dimension_numbers<[1], [0], [0], [1], [0, 0, 1, 1], [], []>, transpose_lhs_hint = false} : vector<1000x128xf32>, vector<128x128xf32>, vector<1000x128xf32> -> vector<1000x128xf32>
    %mul3A_47 = arith.constant 1.250000e-01 : f32
    %mul3A_48 = vector.broadcast %mul3A_47 : f32 to vector<1000x128xf32>
    %mul3A_49 = arith.mulf %mul3A_48, %dot_general3A_46 : vector<1000x128xf32>
    %mul3A_50 = arith.constant 8.750000e-01 : f32
    %mul3A_51 = vector.broadcast %mul3A_50 : f32 to vector<1000x128xf32>
    %mul3A_52 = arith.mulf %mul3A_51, %add3A_42 : vector<1000x128xf32>
    %add3A_53 = arith.addf %mul3A_49, %mul3A_52 : vector<1000x128xf32>
    %max3A = arith.constant 0.000000e+00 : f32
    %max3A_54 = vector.broadcast %max3A : f32 to vector<1000x128xf32>
    %max3A_55 = arith.maximumf %add3A_53, %max3A_54 : vector<1000x128xf32>
    %reduce_sum3A_56 = arith.constant dense<0.000000e+00> : vector<1000xf32>
    %reduce_sum3A_57 = vector.multi_reduction <add>, %max3A_55, %reduce_sum3A_56 [1] : vector<1000x128xf32> to vector<1000xf32>
    %broadcast_in_dim3A_58 = vector.shape_cast %reduce_sum3A_57 : vector<1000xf32> to vector<1000x1xf32>
    %div3A = arith.constant 1.280000e+02 : f32
    %div3A_59 = vector.broadcast %div3A : f32 to vector<1000x1xf32>
    %div3A_60 = arith.divf %broadcast_in_dim3A_58, %div3A_59 : vector<1000x1xf32>
    %sub3A_61 = vector.broadcast %div3A_60 : vector<1000x1xf32> to vector<1000x128xf32>
    %sub3A_62 = arith.subf %max3A_55, %sub3A_61 : vector<1000x128xf32>
    %integer_pow3A = arith.mulf %sub3A_62, %sub3A_62 : vector<1000x128xf32>
    %reduce_sum3A_63 = arith.constant dense<0.000000e+00> : vector<1000xf32>
    %reduce_sum3A_64 = vector.multi_reduction <add>, %integer_pow3A, %reduce_sum3A_63 [1] : vector<1000x128xf32> to vector<1000xf32>
    %broadcast_in_dim3A_65 = vector.shape_cast %reduce_sum3A_64 : vector<1000xf32> to vector<1000x1xf32>
    %div3A_66 = arith.constant 1.280000e+02 : f32
    %div3A_67 = vector.broadcast %div3A_66 : f32 to vector<1000x1xf32>
    %div3A_68 = arith.divf %broadcast_in_dim3A_65, %div3A_67 : vector<1000x1xf32>
    %sub3A_69 = vector.broadcast %div3A_60 : vector<1000x1xf32> to vector<1000x128xf32>
    %sub3A_70 = arith.subf %max3A_55, %sub3A_69 : vector<1000x128xf32>
    %add3A_71 = arith.constant 9.99999974E-6 : f32
    %add3A_72 = vector.broadcast %add3A_71 : f32 to vector<1000x1xf32>
    %add3A_73 = arith.addf %div3A_68, %add3A_72 : vector<1000x1xf32>
    %rsqrt3A = math.rsqrt %add3A_73 : vector<1000x1xf32>
    %mul3A_74 = vector.broadcast %rsqrt3A : vector<1000x1xf32> to vector<1000x128xf32>
    %mul3A_75 = arith.mulf %sub3A_70, %mul3A_74 : vector<1000x128xf32>
    %get3A_76 = arith.constant 0 : index
    %get3A_77 = arith.constant 0 : index
    %get3A_78 = vector.load %arg8[%get3A_76, %get3A_77] : memref<1x128xf32, #tpu.memory_space<vmem>>, vector<1x128xf32>
    %mul3A_79 = vector.broadcast %get3A_78 : vector<1x128xf32> to vector<1000x128xf32>
    %mul3A_80 = arith.mulf %mul3A_75, %mul3A_79 : vector<1000x128xf32>
    %get3A_81 = arith.constant 0 : index
    %get3A_82 = arith.constant 0 : index
    %get3A_83 = vector.load %arg9[%get3A_81, %get3A_82] : memref<1x128xf32, #tpu.memory_space<vmem>>, vector<1x128xf32>
    %add3A_84 = vector.broadcast %get3A_83 : vector<1x128xf32> to vector<1000x128xf32>
    %add3A_85 = arith.addf %mul3A_80, %add3A_84 : vector<1000x128xf32>
    %get3A_86 = arith.constant 0 : index
    %get3A_87 = arith.constant 0 : index
    %get3A_88 = vector.load %arg10[%get3A_86, %get3A_87] : memref<128x128xf32, #tpu.memory_space<vmem>>, vector<128x128xf32>
    %dot_general3A_89 = arith.constant dense<0.000000e+00> : vector<1000x128xf32>
    %dot_general3A_90 = tpu.matmul %add3A_85, %get3A_88, %dot_general3A_89 {dimension_numbers = #tpu.dot_dimension_numbers<[1], [0], [0], [1], [0, 0, 1, 1], [], []>, transpose_lhs_hint = false} : vector<1000x128xf32>, vector<128x128xf32>, vector<1000x128xf32> -> vector<1000x128xf32>
    %get3A_91 = arith.constant 0 : index
    %get3A_92 = arith.constant 0 : index
    %get3A_93 = vector.load %arg11[%get3A_91, %get3A_92] : memref<1x128xf32, #tpu.memory_space<vmem>>, vector<1x128xf32>
    %add3A_94 = vector.broadcast %get3A_93 : vector<1x128xf32> to vector<1000x128xf32>
    %add3A_95 = arith.addf %dot_general3A_90, %add3A_94 : vector<1000x128xf32>
    %swap3A = arith.constant 0 : index
    %swap3A_96 = arith.constant 0 : index
    %swap3A_97 = vector.load %arg12[%swap3A, %swap3A_96] : memref<1000x128xf32, #tpu.memory_space<vmem>>, vector<1000x128xf32>
    tpu.vector_store %arg12[%swap3A, %swap3A_96], %add3A_95 {strides = array<i32>} : memref<1000x128xf32, #tpu.memory_space<vmem>>, vector<1000x128xf32>,
    return
  }
  func.func @transform_0(%arg0: i32) -> (i32, i32) {
    %c0_i32 = arith.constant 0 : i32
    %c0_i32_0 = arith.constant 0 : i32
    return %arg0, %c0_i32 : i32, i32
  }
  func.func @transform_1(%arg0: i32) -> (i32, i32, i32) {
    %c0_i32 = arith.constant 0 : i32
    %c0_i32_0 = arith.constant 0 : i32
    %c0_i32_1 = arith.constant 0 : i32
    return %c0_i32, %arg0, %c0_i32_0 : i32, i32, i32
  }
  func.func @transform_2(%arg0: i32) -> (i32, i32) {
    %c0_i32 = arith.constant 0 : i32
    %c0_i32_0 = arith.constant 0 : i32
    return %arg0, %c0_i32 : i32, i32
  }
  func.func @transform_3(%arg0: i32) -> (i32, i32) {
    %c0_i32 = arith.constant 0 : i32
    %c0_i32_0 = arith.constant 0 : i32
    return %arg0, %c0_i32 : i32, i32
  }
  func.func @transform_4(%arg0: i32) -> (i32, i32) {
    %c0_i32 = arith.constant 0 : i32
    %c0_i32_0 = arith.constant 0 : i32
    %c0_i32_1 = arith.constant 0 : i32
    return %c0_i32, %c0_i32_0 : i32, i32
  }
  func.func @transform_5(%arg0: i32) -> (i32, i32) {
    %c0_i32 = arith.constant 0 : i32
    %c0_i32_0 = arith.constant 0 : i32
    %c0_i32_1 = arith.constant 0 : i32
    return %c0_i32, %c0_i32_0 : i32, i32
  }
  func.func @transform_6(%arg0: i32) -> (i32, i32) {
    %c0_i32 = arith.constant 0 : i32
    %c0_i32_0 = arith.constant 0 : i32
    %c0_i32_1 = arith.constant 0 : i32
    return %c0_i32, %c0_i32_0 : i32, i32
  }
  func.func @transform_7(%arg0: i32) -> (i32, i32) {
    %c0_i32 = arith.constant 0 : i32
    %c0_i32_0 = arith.constant 0 : i32
    %c0_i32_1 = arith.constant 0 : i32
    return %c0_i32, %c0_i32_0 : i32, i32
  }
  func.func @transform_8(%arg0: i32) -> (i32, i32) {
    %c0_i32 = arith.constant 0 : i32
    %c0_i32_0 = arith.constant 0 : i32
    %c0_i32_1 = arith.constant 0 : i32
    return %c0_i32, %c0_i32_0 : i32, i32
  }
  func.func @transform_9(%arg0: i32) -> (i32, i32) {
    %c0_i32 = arith.constant 0 : i32
    %c0_i32_0 = arith.constant 0 : i32
    %c0_i32_1 = arith.constant 0 : i32
    return %c0_i32, %c0_i32_0 : i32, i32
  }
  func.func @transform_10(%arg0: i32) -> (i32, i32) {
    %c0_i32 = arith.constant 0 : i32
    %c0_i32_0 = arith.constant 0 : i32
    %c0_i32_1 = arith.constant 0 : i32
    return %c0_i32, %c0_i32_0 : i32, i32
  }
  func.func @transform_11(%arg0: i32) -> (i32, i32) {
    %c0_i32 = arith.constant 0 : i32
    %c0_i32_0 = arith.constant 0 : i32
    return %arg0, %c0_i32 : i32, i32
  }
}

</mosaic_0001>

<sc_bundles>
// kernel: kernel.12.cloned.1.call-start
scs
__scs_entry_jumppad:
0x0: {  	(pc) =	sbr.rel $0x88, $3  }
0x1: {  	(tag) =	ssettag $0x0;
	lr =	simm.s32 $0x1  }
0x2: {  	[smem:$0x3F95] =	sst lr;
	_ =	strace $0xD0000000  }
0x3: {  	_ = 	snop  }
0x4: {  	_ = 	snop  }
0x5: {  	_ = 	snop  }
0x6: {  	_ = 	snop  }
0x7: {  	_ = 	snop  }
__scs_overlays_trampoline_lowered:
0x8: {  	[smem:$0x3FA4] =	sst s0  }
0x9: {  	[smem:$0x3FA5] =	sst s1  }
0xa: {  	[smem:$0x3FA6] =	sst s2  }
0xb: {  	[smem:$0x3FA7] =	sst s3  }
0xc: {  	[smem:$0x3FA8] =	sst s4  }
0xd: {  	[smem:$0x3FA9] =	sst s5  }
0xe: {  	[smem:$0x3FAA] =	sst s6  }
0xf: {  	[smem:$0x3FAB] =	sst s7  }
0x10: {  	[smem:$0x3FAC] =	sst s8  }
0x11: {  	[smem:$0x3FAD] =	sst s9;
	s0 =	simm.s32 @!p0 $0x0  }
0x12: {  	s1 =	sld [smem:$0x3F93];
	s0 =	simm.s32 @p0 $0x1  }
0x13: {  	[smem:$0x3FAE] =	sst s0;
	s0 =	simm.s32 @!p1 $0x0  }
0x14: {  	s2 =	sld [smem:$0x3F92];
	s0 =	simm.s32 @p1 $0x1  }
0x15: {  	[smem:$0x3FAF] =	sst s0;
	s0 =	simm.s32 @!p2 $0x0  }
0x16: {  	s3 =	sld [smem:$0x3FDB];
	s0 =	simm.s32 @p2 $0x1  }
0x17: {  	s4 =	simm.s32 $0x1BF5;
	[smem:$0x3FB1] =	sst s0  }
0x18: {  	s0 =	sld [smem:$0x3F94];
	_ =	swait.ge [sflag:s4], $0x0  }
0x19: {  	s7 =	sld [smem:$0x3F95]  }
0x1a: {  	s8 =	sadd.s32 $0xFFFFE003, lr  }
0x1b: {  	s9 =	sadd.s32 $0xFFFFFEF7, lr;
	s5 =	simm.s32 $0xFFFFFFFF;
	p2 =	slt.u32 s8, $0xFFFFF086  }
0x1c: {  	p1 =	slt.u32 s9, $0xF7A;
	s5 =	simm.s32 @!p2 $0x0  }
0x1d: {  	s5 =	simm.s32 @p1 $0x1;
	p0 =	seq.s32 s7, s2  }
0x1e: {  	s7 =	smul.u32 @!p0 $0xF7A, s2;
	p2 =	seq.s32 @!p0 s5, $0x0  }
0x1f: {  	s9 =	smul.u32 $0xF7A, s1;
	s8 =	simm.s32 @!p0 $0x1BF5;
	p2 =	por !p2, p0  }
0x20: {  	[sflag:s8] =	ssyncset.s32 @!p0 $0xFFFFF086;
	s6 =	sadd.s32 @!p0 s3, s7;
	s7 =	simm.s32 @!p0 $0x108  }
0x21: {  	s3 =	sadd.s32 s3, s9;
	s6 =	sadd.s32 @!p0 $0x88, s6;
	s7 =	simm.s32 @p2 $0x1082  }
0x22: {  	[simem:s7], [sflag:s8] =	dma.local @!p0 [hbm:s6], $0xF7A  }
0x23: {  	s9 =	sor.u32 $0xD0000000, s2;
	s6 =	simm.s32 $0x108;
	_ =	swait.ge @!p0 [sflag:s8], $0x0  }
0x24: {  	s3 =	sadd.s32 $0x88, s3;
	s6 =	simm.s32 @!p1 $0x1082;
	[sflag:s4] =	ssyncset.s32 $0xFFFFF086  }
0x25: {  	[simem:s6], [sflag:s4] =	dma.local [hbm:s3], $0xF7A  }
0x26: {  	[smem:$0x3F95] =	sst s1;
	(tag) =	ssettag s2;
	_ =	strace s9  }
0x27: {  	s1 =	sld [smem:$0x3FA5]  }
0x28: {  	s2 =	sld [smem:$0x3FA6]  }
0x29: {  	s4 =	sld [smem:$0x3FA8]  }
0x2a: {  	p0 =	seq.s32 s5, $0x0;
	s5 =	sld [smem:$0x3FA9]  }
0x2b: {  	s6 =	sld [smem:$0x3FAA]  }
0x2c: {  	s7 =	sld [smem:$0x3FAB]  }
0x2d: {  	s3 =	simm.s32 $0x108;
	s8 =	sld [smem:$0x3FAC]  }
0x2e: {  	s3 =	simm.s32 @!p0 $0x1082;
	s9 =	sld [smem:$0x3FAD]  }
0x2f: {  	lr =	sadd.s32 s0, s3;
	s0 =	sld [smem:$0x3FA4]  }
0x30: {  	s3 =	sld [smem:$0x3FA7]  }
0x31: {  	[smem:$0x3FB0] =	sst s10  }
0x32: {  	s10 =	sld [smem:$0x3FAE];
	_ =	sdelay $0x3  }
0x33: {  	p0 =	seq.s32 s10, $0x1;
	s10 =	sld [smem:$0x3FB0];
	_ =	sdelay $0x3  }
0x34: {  	[smem:$0x3FB0] =	sst s10  }
0x35: {  	s10 =	sld [smem:$0x3FAF];
	_ =	sdelay $0x3  }
0x36: {  	p1 =	seq.s32 s10, $0x1;
	s10 =	sld [smem:$0x3FB0];
	_ =	sdelay $0x3  }
0x37: {  	[smem:$0x3FB0] =	sst s10  }
0x38: {  	s10 =	sld [smem:$0x3FB1]  }
0x39: {  	_ = 	snop;
	(pc) =	sbr.ind lr, $3  }
0x3a: {  	_ = 	snop  }
0x3b: {  	_ = 	snop  }
0x3c: {  	p2 =	seq.s32 s10, $0x1;
	s10 =	sld [smem:$0x3FB0]  }
0x3d: {  	_ =	shalt  }
0x3e: {  	_ =	shalt  }
0x3f: {  	_ =	shalt  }
0x40: {  	_ =	shalt  }
0x41: {  	_ =	shalt  }
0x42: {  	_ =	shalt  }
0x43: {  	_ =	shalt  }
0x44: {  	_ =	shalt  }
0x45: {  	_ =	shalt  }
0x46: {  	_ =	shalt  }
0x47: {  	_ =	shalt  }
0x48: {  	_ =	shalt  }
0x49: {  	_ =	shalt  }
0x4a: {  	_ =	shalt  }
0x4b: {  	_ =	shalt  }
0x4c: {  	_ =	shalt  }
0x4d: {  	_ =	shalt  }
0x4e: {  	_ =	shalt  }
0x4f: {  	_ =	shalt  }
0x50: {  	_ =	shalt  }
0x51: {  	_ =	shalt  }
0x52: {  	_ =	shalt  }
0x53: {  	_ =	shalt  }
0x54: {  	_ =	shalt  }
0x55: {  	_ =	shalt  }
0x56: {  	_ =	shalt  }
0x57: {  	_ =	shalt  }
0x58: {  	_ =	shalt  }
0x59: {  	_ =	shalt  }
0x5a: {  	_ =	shalt  }
0x5b: {  	_ =	shalt  }
0x5c: {  	_ =	shalt  }
0x5d: {  	_ =	shalt  }
0x5e: {  	_ =	shalt  }
0x5f: {  	_ =	shalt  }
0x60: {  	_ =	shalt  }
0x61: {  	_ =	shalt  }
0x62: {  	_ =	shalt  }
0x63: {  	_ =	shalt  }
0x64: {  	_ =	shalt  }
0x65: {  	_ =	shalt  }
0x66: {  	_ =	shalt  }
0x67: {  	_ =	shalt  }
0x68: {  	_ =	shalt  }
0x69: {  	_ =	shalt  }
0x6a: {  	_ =	shalt  }
0x6b: {  	_ =	shalt  }
0x6c: {  	_ =	shalt  }
0x6d: {  	_ =	shalt  }
0x6e: {  	_ =	shalt  }
0x6f: {  	_ =	shalt  }
0x70: {  	_ =	shalt  }
0x71: {  	_ =	shalt  }
0x72: {  	_ =	shalt  }
0x73: {  	_ =	shalt  }
0x74: {  	_ =	shalt  }
0x75: {  	_ =	shalt  }
0x76: {  	_ =	shalt  }
0x77: {  	_ =	shalt  }
0x78: {  	_ =	shalt  }
0x79: {  	_ =	shalt  }
0x7a: {  	_ =	shalt  }
0x7b: {  	_ =	shalt  }
0x7c: {  	_ =	shalt  }
0x7d: {  	_ =	shalt  }
0x7e: {  	_ =	shalt  }
0x7f: {  	_ =	shalt  }
0x80: {  	_ =	shalt  }
0x81: {  	_ =	shalt  }
0x82: {  	_ =	shalt  }
0x83: {  	_ =	shalt  }
0x84: {  	_ =	shalt  }
0x85: {  	_ =	shalt  }
0x86: {  	_ =	shalt  }
0x87: {  	_ =	shalt  }
.Lfunc_end0:
.L_simem_size_0:
called_computation_lowered:
.L_overlay_start_0:
0x88: {  	s2 =	sld [smem:$0x3FD9]  }
0x89: {  	s3 =	sld [smem:$0x3FFE];
	_ =	sdelay $0x1  }
0x8a: {  	s1 =	srdreg.scid  }
0x8b: {  	s0 =	sand.u32 $0x1, s1  }
0x8c: {  	s17 =	sshll.u32 s0, $0xA;
	s2 =	sadd.s32 s3, s2  }
0x8d: {  	s2 =	sadd.s32 s2, s17  }
0x8e: {  	[smem:$0x3FBC] =	sst s2  }
0x8f: {  	_ = 	snop  }
0x90: {  	s2 =	sld [smem:$0x3FD0];
	(tm) =	ssettm $0x1  }
0x91: {  	s18 =	sld [smem:$0x3FFB];
	_ =	sdelay $0x3  }
0x92: {  	_ =	strace s18  }
0x93: {  	s3 =	sld [smem:$0x3FFC];
	_ =	sdelay $0x3  }
0x94: {  	_ =	strace s3  }
0x95: {  	s3 =	sld [smem:$0x3FFD];
	_ =	sdelay $0x3  }
0x96: {  	_ =	strace s3  }
0x97: {  	_ =	strace $0x8FFFFFFF  }
0x98: {  	s19 =	sld [smem:$0x3FDB];
	_ =	sdelay $0x1  }
0x99: {  	s4 =	simm.s32 $_scs_section_size  }
0x9a: {  	s5 =	simm.s32 $_size__tile_overlayer_lowered;
	s6 =	simm.s32 $_tile_overlayer_lowered  }
0x9b: {  	s22 =	simm.s32 $0x1BFF;
	s21 =	sshll.u32 s6, $0x1;
	s3 =	sadd.s32 s4, s19  }
0x9c: {  	s7 =	simm.s32 $0x0;
	s20 =	sshll.u32 s5, $0x1;
	s5 =	sadd.s32 s21, s3  }
0x9d: {  	[timem:s7], [sflag:s22] =	dma.local [hbm:s5], s20  }
0x9e: {  	_ =	swait.ge [sflag:s22], s20  }
0x9f: {  	s4 =	ssub.s32 $0x0, s20;
	[sflag:s22] =	ssyncset.done $0x0  }
0xa0: {  	[sflag:s22] =	ssyncadd.s32 s4;
	_ =	sdelay $0x1  }
0xa1: {  	s23 =	simm.s32 $0x1B8B  }
0xa2: {  	_ =	swait.ge [sflag:s23], $0x1  }
0xa3: {  	[sflag:s23] =	ssyncset.done $0x0  }
0xa4: {  	s25 =	simm.s32 $0x1B8E;
	s24 =	sld [smem:$0x3FFE];
	[sflag:s23] =	ssyncadd.s32 $0xFFFFFFFF  }
0xa5: {  	s26 =	simm.s32 $execute0_lowered;
	[smem:$0x3FD2] =	sst s25  }
0xa6: {  	s5 =	sshll.u32 s26, $0x1;
	_ =	strace $0x80000046;
	[dreg:$0x1] =	wrdreg $0xFFFFFFFF  }
0xa7: {  	s28 =	simm.s32 $_size_execute0_lowered;
	s3 =	sadd.s32 s3, s5;
	[dreg:$0x0] =	wrdreg $0x0  }
0xa8: {  	s5 =	sshll.u32 s28, $0x1;
	[dreg:$0x2] =	wrdreg s3  }
0xa9: {  	[dreg:$0x3] =	wrdreg s5  }
0xaa: {  	[dreg:$0x4] =	wrdreg $0xC0  }
0xab: {  	_ =	task [dreg:s7], $0x5FFFF  }
0xac: {  	[dreg:$0x1] =	wrdreg $0xFFFFFFFF  }
0xad: {  	[dreg:$0x0] =	wrdreg $0x60  }
0xae: {  	[dreg:$0x2] =	wrdreg s24  }
0xaf: {  	[dreg:$0x3] =	wrdreg s2  }
0xb0: {  	[dreg:$0x4] =	wrdreg $0x40800  }
0xb1: {  	[dreg:$0x5] =	wrdreg $0x9  }
0xb2: {  	_ =	task.clear_ibuf [dreg:s7], $0x6FFFF;
	_ =	strace $0x90000046  }
0xb3: {  	s29 =	simm.s32 $0x9;
	_ =	strace $0x80000048  }
0xb4: {  	_ =	swait.ge [sflag:s29], $0x1  }
0xb5: {  	[sflag:s29] =	ssyncadd.s32 $0xFFFFFFFF  }
0xb6: {  	_ =	strace $0x90000048  }
0xb7: {  	_ =	sfence  }
0xb8: {  	s30 =	sld [smem:$0x0];
	_ =	sdelay $0x2  }
0xb9: {  	s31 =	sshll.u32 s1, $0xD;
	s1 =	sshrl.u32 s1, $0x2  }
0xba: {  	s3 =	sand.u32 $0x4000, s31;
	s1 =	sadd.s32 s1, s30  }
0xbb: {  	s0 =	sor.u32 s3, s0;
	s1 =	sshll.u32 s1, $0x11  }
0xbc: {  	s0 =	sor.u32 s1, s0  }
0xbd: {  	s0 =	sadd.s32 $0x8F2B, s0  }
0xbe: {  	[sflag:s0] =	ssyncadd.remote.s32 $0x1  }
0xbf: {  	_ =	sfence.sel $0xFFFF  }
0xc0: {  	[dreg:$0x0] =	wrdreg $0xFFFFFFFF;
	(pc) =	sbr.abs _section_cstart, $3  }
0xc1: {  	[dreg:$0x1] =	wrdreg $0xFFFFFFFF  }
0xc2: {  	_ =	task.clear_ibuf [dreg:s7], $0x2FFFF;
	_ =	strace $0x9FFFFFFF  }
0xc3: {  	(tm) =	ssettm $0x7FFFFFFF  }
tec
execute0_lowered:
.L_overlay_start_1:
0x0: {  	(tag) =	ssettag $0x1  }
0x1: {  	s4 =	rddreg [dreg:$0x0]  }
0x2: {  	s6 =	rddreg [dreg:$0x1]  }
0x3: {  	s1 =	rddreg [dreg:$0x2]  }
0x4: {  	s0 =	rddreg [dreg:$0x3]  }
0x5: {  	s2 =	simm.s32 $0x0;
	s3 =	srdreg.scid;
	s13 =	simm.s32 $0x20  }
0x6: {  	s14 =	simm.s32 $0x10;
	[smem:$0x7FF] =	sst s2;
	s5 =	sand.u32 $0x1, s3  }
0x7: {  	s15 =	simm.s32 $0x0;
	_ =	strace $0x80000047;
	s3 =	sshll.u32 s5, $0xB  }
0x8: {  	s8 =	ssub.s32 $0x2, s5;
	s7 =	sadd.s32 s3, s4;
	s3 =	stileid.u32  }
0x9: {  	s5 =	sshll.u32 s5, $0x7;
	s4 =	sadd.s32 $0x14000, s4;
	s10 =	smul.u32 $0x500, s3  }
0xa: {  	s9 =	sshrl.u32 s8, $0x1;
	s11 =	sshll.u32 s3, $0xC;
	s12 =	smul.u32 $0xA00, s3  }
0xb: {  	s8 =	ssub.s32 s8, s9;
	s31 =	sshll.u32 s3, $0x6;
	s7 =	sadd.s32 s11, s7  }
0xc: {  	s11 =	simm.s32 $0x50;
	s28 =	sor.u32 s5, s10;
	s5 =	sadd.s32 $0x4000, s7  }
0xd: {  	s29 =	sshrl.u32 s12, $0x2;
	s7 =	smax.u32 s8, $0x1;
	s8 =	simm.s32 $0x1  }
0xe: {  	s12 =	simm.s32 $0x4000;
	s9 =	sshrl.u32 s28, $0x3;
	s30 =	sadd.s32 s29, s1  }
0xf: {  	v0 =	vimm.f32 $1.000000000e+00;
	s6 =	sadd.s32 s6, s9;
	s9 =	sor.u32 $0x1C01, s31;
	s10 =	sshrl.u32 s30, $0x3  }
.LBB2_1:
0x10: {  	[tilespmem:s2], [sflag:$0x1] =	stream.linear.gather [hbm4b:s5+s2], $0x3E80, $0x38;
	[tilespmem:$0x4300] =	vst v63  }
0x11: {  	_ =	swait.ge [sflag:s8], $0x3E80  }
0x12: {  	[sflag:s8] =	ssyncset.done $0x0  }
0x13: {  	[sflag:s8] =	ssyncadd.s32 $0xFFFFC180  }
0x14: {  	[spmem:s10], [sflag:s9] =	dma.local [hbm:s4], $0x50  }
0x15: {  	_ =	swait.ge [sflag:s8], $0x50  }
0x16: {  	[sflag:s8] =	ssyncset.done $0x0  }
0x17: {  	[sflag:s8] =	ssyncadd.s32 $0xFFFFFFB0  }
0x18: {  	[tilespmem:$0x4000] =	vst v0  }
0x19: {  	[tilespmem:$0x4010] =	vst v0  }
0x1a: {  	[tilespmem:$0x4020] =	vst v0  }
0x1b: {  	[tilespmem:$0x4030] =	vst v0  }
0x1c: {  	[tilespmem:$0x4040] =	vst v0  }
0x1d: {  	s16 =	simm.s32 $0x0;
	[bflag:$0x0] =	sbarrier.arrive $0xFFFF  }
0x1e: {  	[spmem:s1] =	stream.indirect.scatter.add.f32 [tilespmem:s12], [sflag:$0x1], $0x1, s16, s11, $0xb8;
	[tilespmem:$0x4300] =	vst v63  }
0x1f: {  	_ =	swait.ge [sflag:s8], $0x50  }
0x20: {  	s16 =	simm.s32 $0x200;
	[sflag:s8] =	ssyncset.done $0x0  }
.LBB2_2:
0x21: {  	s17 =	sshra.s32 s16, $0x2;
	[sflag:s8] =	ssyncadd.s32 $0xFFFFFFB0;
	p0 =	sne.s32 s16, $0xF800  }
0x22: {  	[spmem:s1] =	stream.indirect.scatter.add.f32 [tilespmem:s12], [sflag:$0x1], $0x1, s17, s11, $0xb8;
	[tilespmem:$0x4300] =	vst v63  }
.Ltmp0:
0x23: {  	_ = 	snop;
	(pc) =	sbr.rel @p0 .LBB2_2-.Ltmp0, $4  }
0x24: {  	_ = 	snop  }
0x25: {  	s16 =	sadd.s32 $0x200, s16  }
0x26: {  	_ =	swait.ge [sflag:s8], $0x50  }
0x27: {  	[sflag:s8] =	ssyncset.done $0x0  }
0x28: {  	s15 =	sadd.s32 $0x1, s15  }
0x29: {  	[sflag:s8] =	ssyncadd.s32 $0xFFFFFFB0;
	p0 =	sne.s32 s15, s7  }
.Ltmp1:
0x2a: {  	[bflag:$0x0] =	sbarrier.arrive $0xFFFF;
	(pc) =	sbr.rel @p0 .LBB2_1-.Ltmp1, $4  }
0x2b: {  	[hbm:s6@s13], [sflag:s9] =	dma.strided [spmem:s10@s14], $0x50, s8, $0x10   }
0x2c: {  	_ =	swait.ge [sflag:s8], $0x50  }
0x2d: {  	[sflag:s8] =	ssyncset.done $0x0  }
0x2e: {  	[sflag:s8] =	ssyncadd.s32 $0xFFFFFFB0  }
0x2f: {  	_ =	sfence.sel $0x180000  }
0x30: {  	[bflag:$0x0] =	sbarrier.arrive $0xFFFF  }
0x31: {  	p0 =	sne.s32 s3, $0x0;
	_ =	strace $0x90000047  }
0x32: {  	s0 =	sadd.s32 @!p0 $0x100000, s0;
	[bflag:$0x2] =	sbarrier.arrive $0xFFFF  }
0x33: {  	[sflag:s0] =	ssyncadd.tile.s32 @!p0 $0x1;
	_ =	shalt  }
.Lfunc_end2:
_tile_overlayer_lowered:
.L_overlay_start_2:
0x34: {  	(tag) =	ssettag $0x2  }
0x35: {  	s0 =	rddreg [dreg:$0x0];
	s2 =	stileid.u32  }
0x36: {  	s1 =	rddreg [dreg:$0x1];
	p0 =	sne.s32 s2, $0x0  }
0x37: {  	s3 =	rddreg [dreg:$0x2];
	[bflag:$0x3] =	sbarrier.arrive $0xFFFF;
	s2 =	simm.s32 @!p0 $0x1C01  }
0x38: {  	[timem:s3], [sflag:s2] =	dma.local @!p0 [hbm:s0], s1  }
0x39: {  	s0 =	simm.s32 @!p0 $0x1  }
0x3a: {  	_ =	swait.ge @!p0 [sflag:s0], s1  }
0x3b: {  	s1 =	ssub.s32 @!p0 $0x0, s1;
	[sflag:s0] =	ssyncset.done @!p0 $0x0  }
0x3c: {  	[sflag:s0] =	ssyncadd.s32 @!p0 s1  }
0x3d: {  	[bflag:$0x3] =	sbarrier.arrive $0xFFFF  }
0x3e: {  	_ =	shalt  }

// kernel: kernel.15.cloned.1.call-start
scs
__scs_entry_jumppad:
0x0: {  	(pc) =	sbr.rel $0x88, $3  }
0x1: {  	(tag) =	ssettag $0x0;
	lr =	simm.s32 $0x1  }
0x2: {  	[smem:$0x3F95] =	sst lr;
	_ =	strace $0xD0000000  }
0x3: {  	_ = 	snop  }
0x4: {  	_ = 	snop  }
0x5: {  	_ = 	snop  }
0x6: {  	_ = 	snop  }
0x7: {  	_ = 	snop  }
__scs_overlays_trampoline_lowered:
0x8: {  	[smem:$0x3FA4] =	sst s0  }
0x9: {  	[smem:$0x3FA5] =	sst s1  }
0xa: {  	[smem:$0x3FA6] =	sst s2  }
0xb: {  	[smem:$0x3FA7] =	sst s3  }
0xc: {  	[smem:$0x3FA8] =	sst s4  }
0xd: {  	[smem:$0x3FA9] =	sst s5  }
0xe: {  	[smem:$0x3FAA] =	sst s6  }
0xf: {  	[smem:$0x3FAB] =	sst s7  }
0x10: {  	[smem:$0x3FAC] =	sst s8  }
0x11: {  	[smem:$0x3FAD] =	sst s9;
	s0 =	simm.s32 @!p0 $0x0  }
0x12: {  	s1 =	sld [smem:$0x3F93];
	s0 =	simm.s32 @p0 $0x1  }
0x13: {  	[smem:$0x3FAE] =	sst s0;
	s0 =	simm.s32 @!p1 $0x0  }
0x14: {  	s2 =	sld [smem:$0x3F92];
	s0 =	simm.s32 @p1 $0x1  }
0x15: {  	[smem:$0x3FAF] =	sst s0;
	s0 =	simm.s32 @!p2 $0x0  }
0x16: {  	s3 =	sld [smem:$0x3FDB];
	s0 =	simm.s32 @p2 $0x1  }
0x17: {  	s4 =	simm.s32 $0x1BF5;
	[smem:$0x3FB1] =	sst s0  }
0x18: {  	s0 =	sld [smem:$0x3F94];
	_ =	swait.ge [sflag:s4], $0x0  }
0x19: {  	s7 =	sld [smem:$0x3F95]  }
0x1a: {  	s8 =	sadd.s32 $0xFFFFE003, lr  }
0x1b: {  	s9 =	sadd.s32 $0xFFFFFEF7, lr;
	s5 =	simm.s32 $0xFFFFFFFF;
	p2 =	slt.u32 s8, $0xFFFFF086  }
0x1c: {  	p1 =	slt.u32 s9, $0xF7A;
	s5 =	simm.s32 @!p2 $0x0  }
0x1d: {  	s5 =	simm.s32 @p1 $0x1;
	p0 =	seq.s32 s7, s2  }
0x1e: {  	s7 =	smul.u32 @!p0 $0xF7A, s2;
	p2 =	seq.s32 @!p0 s5, $0x0  }
0x1f: {  	s9 =	smul.u32 $0xF7A, s1;
	s8 =	simm.s32 @!p0 $0x1BF5;
	p2 =	por !p2, p0  }
0x20: {  	[sflag:s8] =	ssyncset.s32 @!p0 $0xFFFFF086;
	s6 =	sadd.s32 @!p0 s3, s7;
	s7 =	simm.s32 @!p0 $0x108  }
0x21: {  	s3 =	sadd.s32 s3, s9;
	s6 =	sadd.s32 @!p0 $0x88, s6;
	s7 =	simm.s32 @p2 $0x1082  }
0x22: {  	[simem:s7], [sflag:s8] =	dma.local @!p0 [hbm:s6], $0xF7A  }
0x23: {  	s9 =	sor.u32 $0xD0000000, s2;
	s6 =	simm.s32 $0x108;
	_ =	swait.ge @!p0 [sflag:s8], $0x0  }
0x24: {  	s3 =	sadd.s32 $0x88, s3;
	s6 =	simm.s32 @!p1 $0x1082;
	[sflag:s4] =	ssyncset.s32 $0xFFFFF086  }
0x25: {  	[simem:s6], [sflag:s4] =	dma.local [hbm:s3], $0xF7A  }
0x26: {  	[smem:$0x3F95] =	sst s1;
	(tag) =	ssettag s2;
	_ =	strace s9  }
0x27: {  	s1 =	sld [smem:$0x3FA5]  }
0x28: {  	s2 =	sld [smem:$0x3FA6]  }
0x29: {  	s4 =	sld [smem:$0x3FA8]  }
0x2a: {  	p0 =	seq.s32 s5, $0x0;
	s5 =	sld [smem:$0x3FA9]  }
0x2b: {  	s6 =	sld [smem:$0x3FAA]  }
0x2c: {  	s7 =	sld [smem:$0x3FAB]  }
0x2d: {  	s3 =	simm.s32 $0x108;
	s8 =	sld [smem:$0x3FAC]  }
0x2e: {  	s3 =	simm.s32 @!p0 $0x1082;
	s9 =	sld [smem:$0x3FAD]  }
0x2f: {  	lr =	sadd.s32 s0, s3;
	s0 =	sld [smem:$0x3FA4]  }
0x30: {  	s3 =	sld [smem:$0x3FA7]  }
0x31: {  	[smem:$0x3FB0] =	sst s10  }
0x32: {  	s10 =	sld [smem:$0x3FAE];
	_ =	sdelay $0x3  }
0x33: {  	p0 =	seq.s32 s10, $0x1;
	s10 =	sld [smem:$0x3FB0];
	_ =	sdelay $0x3  }
0x34: {  	[smem:$0x3FB0] =	sst s10  }
0x35: {  	s10 =	sld [smem:$0x3FAF];
	_ =	sdelay $0x3  }
0x36: {  	p1 =	seq.s32 s10, $0x1;
	s10 =	sld [smem:$0x3FB0];
	_ =	sdelay $0x3  }
0x37: {  	[smem:$0x3FB0] =	sst s10  }
0x38: {  	s10 =	sld [smem:$0x3FB1]  }
0x39: {  	_ = 	snop;
	(pc) =	sbr.ind lr, $3  }
0x3a: {  	_ = 	snop  }
0x3b: {  	_ = 	snop  }
0x3c: {  	p2 =	seq.s32 s10, $0x1;
	s10 =	sld [smem:$0x3FB0]  }
0x3d: {  	_ =	shalt  }
0x3e: {  	_ =	shalt  }
0x3f: {  	_ =	shalt  }
0x40: {  	_ =	shalt  }
0x41: {  	_ =	shalt  }
0x42: {  	_ =	shalt  }
0x43: {  	_ =	shalt  }
0x44: {  	_ =	shalt  }
0x45: {  	_ =	shalt  }
0x46: {  	_ =	shalt  }
0x47: {  	_ =	shalt  }
0x48: {  	_ =	shalt  }
0x49: {  	_ =	shalt  }
0x4a: {  	_ =	shalt  }
0x4b: {  	_ =	shalt  }
0x4c: {  	_ =	shalt  }
0x4d: {  	_ =	shalt  }
0x4e: {  	_ =	shalt  }
0x4f: {  	_ =	shalt  }
0x50: {  	_ =	shalt  }
0x51: {  	_ =	shalt  }
0x52: {  	_ =	shalt  }
0x53: {  	_ =	shalt  }
0x54: {  	_ =	shalt  }
0x55: {  	_ =	shalt  }
0x56: {  	_ =	shalt  }
0x57: {  	_ =	shalt  }
0x58: {  	_ =	shalt  }
0x59: {  	_ =	shalt  }
0x5a: {  	_ =	shalt  }
0x5b: {  	_ =	shalt  }
0x5c: {  	_ =	shalt  }
0x5d: {  	_ =	shalt  }
0x5e: {  	_ =	shalt  }
0x5f: {  	_ =	shalt  }
0x60: {  	_ =	shalt  }
0x61: {  	_ =	shalt  }
0x62: {  	_ =	shalt  }
0x63: {  	_ =	shalt  }
0x64: {  	_ =	shalt  }
0x65: {  	_ =	shalt  }
0x66: {  	_ =	shalt  }
0x67: {  	_ =	shalt  }
0x68: {  	_ =	shalt  }
0x69: {  	_ =	shalt  }
0x6a: {  	_ =	shalt  }
0x6b: {  	_ =	shalt  }
0x6c: {  	_ =	shalt  }
0x6d: {  	_ =	shalt  }
0x6e: {  	_ =	shalt  }
0x6f: {  	_ =	shalt  }
0x70: {  	_ =	shalt  }
0x71: {  	_ =	shalt  }
0x72: {  	_ =	shalt  }
0x73: {  	_ =	shalt  }
0x74: {  	_ =	shalt  }
0x75: {  	_ =	shalt  }
0x76: {  	_ =	shalt  }
0x77: {  	_ =	shalt  }
0x78: {  	_ =	shalt  }
0x79: {  	_ =	shalt  }
0x7a: {  	_ =	shalt  }
0x7b: {  	_ =	shalt  }
0x7c: {  	_ =	shalt  }
0x7d: {  	_ =	shalt  }
0x7e: {  	_ =	shalt  }
0x7f: {  	_ =	shalt  }
0x80: {  	_ =	shalt  }
0x81: {  	_ =	shalt  }
0x82: {  	_ =	shalt  }
0x83: {  	_ =	shalt  }
0x84: {  	_ =	shalt  }
0x85: {  	_ =	shalt  }
0x86: {  	_ =	shalt  }
0x87: {  	_ =	shalt  }
.Lfunc_end0:
.L_simem_size_0:
called_computation.1_lowered:
.L_overlay_start_0:
0x88: {  	s2 =	sld [smem:$0x3FD9]  }
0x89: {  	s3 =	sld [smem:$0x3FFE];
	_ =	sdelay $0x1  }
0x8a: {  	s1 =	srdreg.scid  }
0x8b: {  	s0 =	sand.u32 $0x1, s1  }
0x8c: {  	s16 =	sshll.u32 s0, $0xA;
	s2 =	sadd.s32 s3, s2  }
0x8d: {  	s2 =	sadd.s32 s2, s16  }
0x8e: {  	[smem:$0x3FBC] =	sst s2  }
0x8f: {  	_ = 	snop  }
0x90: {  	(tm) =	ssettm $0x1  }
0x91: {  	s17 =	sld [smem:$0x3FFB];
	_ =	sdelay $0x3  }
0x92: {  	_ =	strace s17  }
0x93: {  	s2 =	sld [smem:$0x3FFC];
	_ =	sdelay $0x3  }
0x94: {  	_ =	strace s2  }
0x95: {  	s2 =	sld [smem:$0x3FFD];
	_ =	sdelay $0x3  }
0x96: {  	_ =	strace s2  }
0x97: {  	_ =	strace $0x8FFFFFFF  }
0x98: {  	s18 =	sld [smem:$0x3FDB];
	_ =	sdelay $0x1  }
0x99: {  	s19 =	simm.s32 $_scs_section_size  }
0x9a: {  	s4 =	simm.s32 $_size__tile_overlayer_lowered;
	s5 =	simm.s32 $_tile_overlayer_lowered  }
0x9b: {  	s22 =	simm.s32 $0x1BFF;
	s21 =	sshll.u32 s5, $0x1;
	s2 =	sadd.s32 s19, s18  }
0x9c: {  	s6 =	simm.s32 $0x0;
	s20 =	sshll.u32 s4, $0x1;
	s4 =	sadd.s32 s21, s2  }
0x9d: {  	[timem:s6], [sflag:s22] =	dma.local [hbm:s4], s20  }
0x9e: {  	_ =	swait.ge [sflag:s22], s20  }
0x9f: {  	s3 =	ssub.s32 $0x0, s20;
	[sflag:s22] =	ssyncset.done $0x0  }
0xa0: {  	[sflag:s22] =	ssyncadd.s32 s3;
	_ =	sdelay $0x1  }
0xa1: {  	s23 =	simm.s32 $0x1B8B  }
0xa2: {  	_ =	swait.ge [sflag:s23], $0x1  }
0xa3: {  	[sflag:s23] =	ssyncset.done $0x0  }
0xa4: {  	s25 =	simm.s32 $0x1B8E;
	s24 =	sld [smem:$0x3FFE];
	[sflag:s23] =	ssyncadd.s32 $0xFFFFFFFF  }
0xa5: {  	s26 =	simm.s32 $execute0_lowered;
	[smem:$0x3FD2] =	sst s25  }
0xa6: {  	s4 =	sshll.u32 s26, $0x1;
	_ =	strace $0x80000049;
	[dreg:$0x1] =	wrdreg $0xFFFFFFFF  }
0xa7: {  	s28 =	simm.s32 $_size_execute0_lowered;
	s2 =	sadd.s32 s2, s4;
	[dreg:$0x0] =	wrdreg $0x0  }
0xa8: {  	s4 =	sshll.u32 s28, $0x1;
	[dreg:$0x2] =	wrdreg s2  }
0xa9: {  	[dreg:$0x3] =	wrdreg s4  }
0xaa: {  	[dreg:$0x4] =	wrdreg $0xC0  }
0xab: {  	_ =	task [dreg:s6], $0x5FFFF  }
0xac: {  	[dreg:$0x1] =	wrdreg $0xFFFFFFFF  }
0xad: {  	[dreg:$0x0] =	wrdreg $0x60  }
0xae: {  	[dreg:$0x2] =	wrdreg s24  }
0xaf: {  	[dreg:$0x3] =	wrdreg $0xA8000  }
0xb0: {  	[dreg:$0x4] =	wrdreg $0x9  }
0xb1: {  	_ =	task.clear_ibuf [dreg:s6], $0x5FFFF;
	_ =	strace $0x90000049  }
0xb2: {  	s29 =	simm.s32 $0x9;
	_ =	strace $0x8000004B  }
0xb3: {  	_ =	swait.ge [sflag:s29], $0x1  }
0xb4: {  	[sflag:s29] =	ssyncadd.s32 $0xFFFFFFFF  }
0xb5: {  	_ =	strace $0x9000004B  }
0xb6: {  	_ =	sfence  }
0xb7: {  	s30 =	sld [smem:$0x0];
	_ =	sdelay $0x2  }
0xb8: {  	s31 =	sshll.u32 s1, $0xD;
	s1 =	sshrl.u32 s1, $0x2  }
0xb9: {  	s3 =	sand.u32 $0x4000, s31;
	s1 =	sadd.s32 s1, s30  }
0xba: {  	s0 =	sor.u32 s3, s0;
	s1 =	sshll.u32 s1, $0x11  }
0xbb: {  	s0 =	sor.u32 s1, s0  }
0xbc: {  	s0 =	sadd.s32 $0x8F2B, s0  }
0xbd: {  	[sflag:s0] =	ssyncadd.remote.s32 $0x1  }
0xbe: {  	_ =	sfence.sel $0xFFFF  }
0xbf: {  	[dreg:$0x0] =	wrdreg $0xFFFFFFFF;
	(pc) =	sbr.abs _section_cstart, $3  }
0xc0: {  	[dreg:$0x1] =	wrdreg $0xFFFFFFFF  }
0xc1: {  	_ =	task.clear_ibuf [dreg:s6], $0x2FFFF;
	_ =	strace $0x9FFFFFFF  }
0xc2: {  	(tm) =	ssettm $0x7FFFFFFF  }
0xc3: {  	_ =	shalt  }
tec
execute0_lowered:
.L_overlay_start_1:
0x0: {  	(tag) =	ssettag $0x1  }
0x1: {  	s6 =	rddreg [dreg:$0x0]  }
0x2: {  	s1 =	rddreg [dreg:$0x1]  }
0x3: {  	s0 =	rddreg [dreg:$0x2];
	s3 =	simm.s32 $0x0;
	s2 =	srdreg.scid  }
0x4: {  	s14 =	simm.s32 $0x50;
	s15 =	simm.s32 $0x8000;
	s16 =	simm.s32 $0x0  }
0x5: {  	[smem:$0x7FF] =	sst s3;
	s5 =	sand.u32 $0x1, s2;
	s2 =	stileid.u32  }
0x6: {  	s7 =	smul.u32 $0x140000, s5;
	s4 =	sshll.u32 s2, $0xC;
	s8 =	sshll.u32 s5, $0xB  }
0x7: {  	s9 =	smul.u32 $0x14000, s2;
	_ =	strace $0x8000004A;
	s30 =	ssub.s32 $0x2, s5  }
0x8: {  	s10 =	smul.u32 $0x50000, s2;
	s5 =	sadd.s32 $0x72600, s6;
	s12 =	sshll.u32 s2, $0x6  }
0x9: {  	s8 =	sor.u32 s8, s4;
	s4 =	sadd.s32 $0x24200, s6;
	s31 =	sshrl.u32 s30, $0x1  }
0xa: {  	s12 =	sor.u32 $0x1C01, s12;
	s8 =	sadd.s32 s8, s6;
	s7 =	sadd.s32 s9, s7  }
0xb: {  	s9 =	ssub.s32 s30, s31;
	s10 =	sshrl.u32 s10, $0x2;
	s7 =	sshrl.u32 s7, $0x3  }
0xc: {  	s13 =	sadd.s32 s10, s1;
	s9 =	smax.u32 s9, $0x1;
	s10 =	simm.s32 $0x1  }
0xd: {  	s11 =	sadd.s32 s7, s6;
	s6 =	sadd.s32 $0x14200, s8;
	s7 =	sadd.s32 $0x4000, s8  }
0xe: {  	s13 =	sshrl.u32 s13, $0x3;
	s8 =	sadd.s32 $0x74E00, s11;
	s11 =	simm.s32 $0x4000  }
.LBB2_1:
0xf: {  	[tilespmem:s3], [sflag:$0x1] =	stream.linear.gather [hbm4b:s6+s3], $0x3E80, $0x38;
	[tilespmem:$0x1E800] =	vst v63  }
0x10: {  	_ =	swait.ge [sflag:s10], $0x3E80  }
0x11: {  	[sflag:s10] =	ssyncset.done $0x0  }
0x12: {  	[sflag:s10] =	ssyncadd.s32 $0xFFFFC180  }
0x13: {  	[tilespmem:s11], [sflag:$0x1] =	stream.linear.gather [hbm4b:s7+s3], $0x3E80, $0x38;
	[tilespmem:$0x1E800] =	vst v63  }
0x14: {  	_ =	swait.ge [sflag:s10], $0x3E80  }
0x15: {  	[sflag:s10] =	ssyncset.done $0x0  }
0x16: {  	[sflag:s10] =	ssyncadd.s32 $0xFFFFC180  }
0x17: {  	[spmem:s13], [sflag:s12] =	dma.local [hbm:s5], $0x2800  }
0x18: {  	_ =	swait.ge [sflag:s10], $0x2800  }
0x19: {  	[sflag:s10] =	ssyncset.done $0x0  }
0x1a: {  	[sflag:s10] =	ssyncadd.s32 $0xFFFFD800  }
0x1b: {  	s17 =	simm.s32 $0x0;
	[bflag:$0x0] =	sbarrier.arrive $0xFFFF  }
0x1c: {  	[tilespmem:s15], [sflag:$0x1] =	stream.indirect.gather [hbm4b:s4+s14], $0x80, s17, s14, $0xb8;
	[tilespmem:$0x1E800] =	vst v63  }
0x1d: {  	_ =	swait.ge [sflag:s10], $0x2800  }
0x1e: {  	[sflag:s10] =	ssyncset.done $0x0  }
0x1f: {  	s31 =	simm.s32 $0x4000;
	[sflag:s10] =	ssyncadd.s32 $0xFFFFD800  }
0x20: {  	[spmem:s1] =	stream.indirect.scatter.add.f32 [tilespmem:s15], [sflag:$0x1], $0x80, s31, s14, $0xb8;
	[tilespmem:$0x1E800] =	vst v63  }
0x21: {  	_ =	swait.ge [sflag:s10], $0x2800  }
0x22: {  	s18 =	simm.s32 $0x400;
	s17 =	simm.s32 $0x200;
	[sflag:s10] =	ssyncset.done $0x0  }
.LBB2_2:
0x23: {  	s19 =	sshra.s32 s17, $0x2  }
0x24: {  	[sflag:s10] =	ssyncadd.s32 $0xFFFFD800;
	s17 =	smov.u32 s18;
	s20 =	sadd.s32 $0x200, s18  }
0x25: {  	[tilespmem:s15], [sflag:$0x1] =	stream.indirect.gather [hbm4b:s4+s14], $0x80, s19, s14, $0xb8;
	[tilespmem:$0x1E800] =	vst v63  }
0x26: {  	p0 =	sne.s32 s18, $0xF800;
	_ =	swait.ge [sflag:s10], $0x2800  }
.Ltmp0:
0x27: {  	[sflag:s10] =	ssyncset.done $0x0;
	(pc) =	sbr.rel @p0 .LBB2_2-.Ltmp0, $4  }
0x28: {  	s18 =	sadd.s32 $0x4000, s19;
	[sflag:s10] =	ssyncadd.s32 $0xFFFFD800  }
0x29: {  	[spmem:s1] =	stream.indirect.scatter.add.f32 [tilespmem:s15], [sflag:$0x1], $0x80, s18, s14, $0xb8;
	[tilespmem:$0x1E800] =	vst v63  }
0x2a: {  	_ =	swait.ge [sflag:s10], $0x2800  }
0x2b: {  	s18 =	smov.u32 s20;
	[sflag:s10] =	ssyncset.done $0x0  }
0x2c: {  	s17 =	sshra.s32 s17, $0x2;
	[sflag:s10] =	ssyncadd.s32 $0xFFFFD800  }
0x2d: {  	[tilespmem:s15], [sflag:$0x1] =	stream.indirect.gather [hbm4b:s4+s14], $0x80, s17, s14, $0xb8;
	[tilespmem:$0x1E800] =	vst v63  }
0x2e: {  	_ =	swait.ge [sflag:s10], $0x2800  }
0x2f: {  	[sflag:s10] =	ssyncset.done $0x0  }
0x30: {  	s17 =	sadd.s32 $0x4000, s17;
	[sflag:s10] =	ssyncadd.s32 $0xFFFFD800  }
0x31: {  	[spmem:s1] =	stream.indirect.scatter.add.f32 [tilespmem:s15], [sflag:$0x1], $0x80, s17, s14, $0xb8;
	[tilespmem:$0x1E800] =	vst v63  }
0x32: {  	_ =	swait.ge [sflag:s10], $0x2800  }
0x33: {  	s16 =	sadd.s32 $0x1, s16;
	[sflag:s10] =	ssyncset.done $0x0  }
0x34: {  	p0 =	sne.s32 s16, s9;
	[sflag:s10] =	ssyncadd.s32 $0xFFFFD800  }
.Ltmp1:
0x35: {  	[bflag:$0x0] =	sbarrier.arrive $0xFFFF;
	(pc) =	sbr.rel @p0 .LBB2_1-.Ltmp1, $4  }
0x36: {  	[hbm:s8], [sflag:s12] =	dma.local [spmem:s13], $0x2800  }
0x37: {  	_ =	swait.ge [sflag:s10], $0x2800  }
0x38: {  	[sflag:s10] =	ssyncset.done $0x0  }
0x39: {  	[sflag:s10] =	ssyncadd.s32 $0xFFFFD800  }
0x3a: {  	_ =	sfence.sel $0x180000  }
0x3b: {  	[bflag:$0x0] =	sbarrier.arrive $0xFFFF  }
0x3c: {  	p0 =	sne.s32 s2, $0x0;
	_ =	strace $0x9000004A  }
0x3d: {  	s0 =	sadd.s32 @!p0 $0x100000, s0;
	[bflag:$0x2] =	sbarrier.arrive $0xFFFF  }
0x3e: {  	[sflag:s0] =	ssyncadd.tile.s32 @!p0 $0x1;
	_ =	shalt  }
.Lfunc_end2:
_tile_overlayer_lowered:
.L_overlay_start_2:
0x3f: {  	(tag) =	ssettag $0x2  }
0x40: {  	s0 =	rddreg [dreg:$0x0];
	s2 =	stileid.u32  }
0x41: {  	s1 =	rddreg [dreg:$0x1];
	p0 =	sne.s32 s2, $0x0  }
0x42: {  	s3 =	rddreg [dreg:$0x2];
	[bflag:$0x3] =	sbarrier.arrive $0xFFFF;
	s2 =	simm.s32 @!p0 $0x1C01  }
0x43: {  	[timem:s3], [sflag:s2] =	dma.local @!p0 [hbm:s0], s1  }
0x44: {  	s0 =	simm.s32 @!p0 $0x1  }
0x45: {  	_ =	swait.ge @!p0 [sflag:s0], s1  }
0x46: {  	s1 =	ssub.s32 @!p0 $0x0, s1;
	[sflag:s0] =	ssyncset.done @!p0 $0x0  }
0x47: {  	[sflag:s0] =	ssyncadd.s32 @!p0 s1  }
0x48: {  	[bflag:$0x3] =	sbarrier.arrive $0xFFFF  }
0x49: {  	_ =	shalt  }

// kernel: kernel.18.cloned.1.call-start
scs
__scs_entry_jumppad:
0x0: {  	(pc) =	sbr.rel $0x88, $3  }
0x1: {  	(tag) =	ssettag $0x0;
	lr =	simm.s32 $0x1  }
0x2: {  	[smem:$0x3F95] =	sst lr;
	_ =	strace $0xD0000000  }
0x3: {  	_ = 	snop  }
0x4: {  	_ = 	snop  }
0x5: {  	_ = 	snop  }
0x6: {  	_ = 	snop  }
0x7: {  	_ = 	snop  }
__scs_overlays_trampoline_lowered:
0x8: {  	[smem:$0x3FA4] =	sst s0  }
0x9: {  	[smem:$0x3FA5] =	sst s1  }
0xa: {  	[smem:$0x3FA6] =	sst s2  }
0xb: {  	[smem:$0x3FA7] =	sst s3  }
0xc: {  	[smem:$0x3FA8] =	sst s4  }
0xd: {  	[smem:$0x3FA9] =	sst s5  }
0xe: {  	[smem:$0x3FAA] =	sst s6  }
0xf: {  	[smem:$0x3FAB] =	sst s7  }
0x10: {  	[smem:$0x3FAC] =	sst s8  }
0x11: {  	[smem:$0x3FAD] =	sst s9;
	s0 =	simm.s32 @!p0 $0x0  }
0x12: {  	s1 =	sld [smem:$0x3F93];
	s0 =	simm.s32 @p0 $0x1  }
0x13: {  	[smem:$0x3FAE] =	sst s0;
	s0 =	simm.s32 @!p1 $0x0  }
0x14: {  	s2 =	sld [smem:$0x3F92];
	s0 =	simm.s32 @p1 $0x1  }
0x15: {  	[smem:$0x3FAF] =	sst s0;
	s0 =	simm.s32 @!p2 $0x0  }
0x16: {  	s3 =	sld [smem:$0x3FDB];
	s0 =	simm.s32 @p2 $0x1  }
0x17: {  	s4 =	simm.s32 $0x1BF5;
	[smem:$0x3FB1] =	sst s0  }
0x18: {  	s0 =	sld [smem:$0x3F94];
	_ =	swait.ge [sflag:s4], $0x0  }
0x19: {  	s7 =	sld [smem:$0x3F95]  }
0x1a: {  	s8 =	sadd.s32 $0xFFFFE003, lr  }
0x1b: {  	s9 =	sadd.s32 $0xFFFFFEF7, lr;
	s5 =	simm.s32 $0xFFFFFFFF;
	p2 =	slt.u32 s8, $0xFFFFF086  }
0x1c: {  	p1 =	slt.u32 s9, $0xF7A;
	s5 =	simm.s32 @!p2 $0x0  }
0x1d: {  	s5 =	simm.s32 @p1 $0x1;
	p0 =	seq.s32 s7, s2  }
0x1e: {  	s7 =	smul.u32 @!p0 $0xF7A, s2;
	p2 =	seq.s32 @!p0 s5, $0x0  }
0x1f: {  	s9 =	smul.u32 $0xF7A, s1;
	s8 =	simm.s32 @!p0 $0x1BF5;
	p2 =	por !p2, p0  }
0x20: {  	[sflag:s8] =	ssyncset.s32 @!p0 $0xFFFFF086;
	s6 =	sadd.s32 @!p0 s3, s7;
	s7 =	simm.s32 @!p0 $0x108  }
0x21: {  	s3 =	sadd.s32 s3, s9;
	s6 =	sadd.s32 @!p0 $0x88, s6;
	s7 =	simm.s32 @p2 $0x1082  }
0x22: {  	[simem:s7], [sflag:s8] =	dma.local @!p0 [hbm:s6], $0xF7A  }
0x23: {  	s9 =	sor.u32 $0xD0000000, s2;
	s6 =	simm.s32 $0x108;
	_ =	swait.ge @!p0 [sflag:s8], $0x0  }
0x24: {  	s3 =	sadd.s32 $0x88, s3;
	s6 =	simm.s32 @!p1 $0x1082;
	[sflag:s4] =	ssyncset.s32 $0xFFFFF086  }
0x25: {  	[simem:s6], [sflag:s4] =	dma.local [hbm:s3], $0xF7A  }
0x26: {  	[smem:$0x3F95] =	sst s1;
	(tag) =	ssettag s2;
	_ =	strace s9  }
0x27: {  	s1 =	sld [smem:$0x3FA5]  }
0x28: {  	s2 =	sld [smem:$0x3FA6]  }
0x29: {  	s4 =	sld [smem:$0x3FA8]  }
0x2a: {  	p0 =	seq.s32 s5, $0x0;
	s5 =	sld [smem:$0x3FA9]  }
0x2b: {  	s6 =	sld [smem:$0x3FAA]  }
0x2c: {  	s7 =	sld [smem:$0x3FAB]  }
0x2d: {  	s3 =	simm.s32 $0x108;
	s8 =	sld [smem:$0x3FAC]  }
0x2e: {  	s3 =	simm.s32 @!p0 $0x1082;
	s9 =	sld [smem:$0x3FAD]  }
0x2f: {  	lr =	sadd.s32 s0, s3;
	s0 =	sld [smem:$0x3FA4]  }
0x30: {  	s3 =	sld [smem:$0x3FA7]  }
0x31: {  	[smem:$0x3FB0] =	sst s10  }
0x32: {  	s10 =	sld [smem:$0x3FAE];
	_ =	sdelay $0x3  }
0x33: {  	p0 =	seq.s32 s10, $0x1;
	s10 =	sld [smem:$0x3FB0];
	_ =	sdelay $0x3  }
0x34: {  	[smem:$0x3FB0] =	sst s10  }
0x35: {  	s10 =	sld [smem:$0x3FAF];
	_ =	sdelay $0x3  }
0x36: {  	p1 =	seq.s32 s10, $0x1;
	s10 =	sld [smem:$0x3FB0];
	_ =	sdelay $0x3  }
0x37: {  	[smem:$0x3FB0] =	sst s10  }
0x38: {  	s10 =	sld [smem:$0x3FB1]  }
0x39: {  	_ = 	snop;
	(pc) =	sbr.ind lr, $3  }
0x3a: {  	_ = 	snop  }
0x3b: {  	_ = 	snop  }
0x3c: {  	p2 =	seq.s32 s10, $0x1;
	s10 =	sld [smem:$0x3FB0]  }
0x3d: {  	_ =	shalt  }
0x3e: {  	_ =	shalt  }
0x3f: {  	_ =	shalt  }
0x40: {  	_ =	shalt  }
0x41: {  	_ =	shalt  }
0x42: {  	_ =	shalt  }
0x43: {  	_ =	shalt  }
0x44: {  	_ =	shalt  }
0x45: {  	_ =	shalt  }
0x46: {  	_ =	shalt  }
0x47: {  	_ =	shalt  }
0x48: {  	_ =	shalt  }
0x49: {  	_ =	shalt  }
0x4a: {  	_ =	shalt  }
0x4b: {  	_ =	shalt  }
0x4c: {  	_ =	shalt  }
0x4d: {  	_ =	shalt  }
0x4e: {  	_ =	shalt  }
0x4f: {  	_ =	shalt  }
0x50: {  	_ =	shalt  }
0x51: {  	_ =	shalt  }
0x52: {  	_ =	shalt  }
0x53: {  	_ =	shalt  }
0x54: {  	_ =	shalt  }
0x55: {  	_ =	shalt  }
0x56: {  	_ =	shalt  }
0x57: {  	_ =	shalt  }
0x58: {  	_ =	shalt  }
0x59: {  	_ =	shalt  }
0x5a: {  	_ =	shalt  }
0x5b: {  	_ =	shalt  }
0x5c: {  	_ =	shalt  }
0x5d: {  	_ =	shalt  }
0x5e: {  	_ =	shalt  }
0x5f: {  	_ =	shalt  }
0x60: {  	_ =	shalt  }
0x61: {  	_ =	shalt  }
0x62: {  	_ =	shalt  }
0x63: {  	_ =	shalt  }
0x64: {  	_ =	shalt  }
0x65: {  	_ =	shalt  }
0x66: {  	_ =	shalt  }
0x67: {  	_ =	shalt  }
0x68: {  	_ =	shalt  }
0x69: {  	_ =	shalt  }
0x6a: {  	_ =	shalt  }
0x6b: {  	_ =	shalt  }
0x6c: {  	_ =	shalt  }
0x6d: {  	_ =	shalt  }
0x6e: {  	_ =	shalt  }
0x6f: {  	_ =	shalt  }
0x70: {  	_ =	shalt  }
0x71: {  	_ =	shalt  }
0x72: {  	_ =	shalt  }
0x73: {  	_ =	shalt  }
0x74: {  	_ =	shalt  }
0x75: {  	_ =	shalt  }
0x76: {  	_ =	shalt  }
0x77: {  	_ =	shalt  }
0x78: {  	_ =	shalt  }
0x79: {  	_ =	shalt  }
0x7a: {  	_ =	shalt  }
0x7b: {  	_ =	shalt  }
0x7c: {  	_ =	shalt  }
0x7d: {  	_ =	shalt  }
0x7e: {  	_ =	shalt  }
0x7f: {  	_ =	shalt  }
0x80: {  	_ =	shalt  }
0x81: {  	_ =	shalt  }
0x82: {  	_ =	shalt  }
0x83: {  	_ =	shalt  }
0x84: {  	_ =	shalt  }
0x85: {  	_ =	shalt  }
0x86: {  	_ =	shalt  }
0x87: {  	_ =	shalt  }
.Lfunc_end0:
.L_simem_size_0:
called_computation.2_lowered:
.L_overlay_start_0:
0x88: {  	s2 =	sld [smem:$0x3FD9]  }
0x89: {  	s3 =	sld [smem:$0x3FFE];
	_ =	sdelay $0x1  }
0x8a: {  	s1 =	srdreg.scid  }
0x8b: {  	s0 =	sand.u32 $0x1, s1  }
0x8c: {  	s16 =	sshll.u32 s0, $0xA;
	s2 =	sadd.s32 s3, s2  }
0x8d: {  	s2 =	sadd.s32 s2, s16  }
0x8e: {  	[smem:$0x3FBC] =	sst s2  }
0x8f: {  	_ = 	snop  }
0x90: {  	(tm) =	ssettm $0x1  }
0x91: {  	s17 =	sld [smem:$0x3FFB];
	_ =	sdelay $0x3  }
0x92: {  	_ =	strace s17  }
0x93: {  	s2 =	sld [smem:$0x3FFC];
	_ =	sdelay $0x3  }
0x94: {  	_ =	strace s2  }
0x95: {  	s2 =	sld [smem:$0x3FFD];
	_ =	sdelay $0x3  }
0x96: {  	_ =	strace s2  }
0x97: {  	_ =	strace $0x8FFFFFFF  }
0x98: {  	s18 =	sld [smem:$0x3FDB];
	_ =	sdelay $0x1  }
0x99: {  	s19 =	simm.s32 $_scs_section_size  }
0x9a: {  	s4 =	simm.s32 $_size__tile_overlayer_lowered;
	s5 =	simm.s32 $_tile_overlayer_lowered  }
0x9b: {  	s22 =	simm.s32 $0x1BFF;
	s21 =	sshll.u32 s5, $0x1;
	s2 =	sadd.s32 s19, s18  }
0x9c: {  	s6 =	simm.s32 $0x0;
	s20 =	sshll.u32 s4, $0x1;
	s4 =	sadd.s32 s21, s2  }
0x9d: {  	[timem:s6], [sflag:s22] =	dma.local [hbm:s4], s20  }
0x9e: {  	_ =	swait.ge [sflag:s22], s20  }
0x9f: {  	s3 =	ssub.s32 $0x0, s20;
	[sflag:s22] =	ssyncset.done $0x0  }
0xa0: {  	[sflag:s22] =	ssyncadd.s32 s3;
	_ =	sdelay $0x1  }
0xa1: {  	s23 =	simm.s32 $0x1B8B  }
0xa2: {  	_ =	swait.ge [sflag:s23], $0x1  }
0xa3: {  	[sflag:s23] =	ssyncset.done $0x0  }
0xa4: {  	s25 =	simm.s32 $0x1B8E;
	s24 =	sld [smem:$0x3FFE];
	[sflag:s23] =	ssyncadd.s32 $0xFFFFFFFF  }
0xa5: {  	s26 =	simm.s32 $execute0_lowered;
	[smem:$0x3FD2] =	sst s25  }
0xa6: {  	s4 =	sshll.u32 s26, $0x1;
	_ =	strace $0x8000004C;
	[dreg:$0x1] =	wrdreg $0xFFFFFFFF  }
0xa7: {  	s28 =	simm.s32 $_size_execute0_lowered;
	s2 =	sadd.s32 s2, s4;
	[dreg:$0x0] =	wrdreg $0x0  }
0xa8: {  	s4 =	sshll.u32 s28, $0x1;
	[dreg:$0x2] =	wrdreg s2  }
0xa9: {  	[dreg:$0x3] =	wrdreg s4  }
0xaa: {  	[dreg:$0x4] =	wrdreg $0xC0  }
0xab: {  	_ =	task [dreg:s6], $0x5FFFF  }
0xac: {  	[dreg:$0x1] =	wrdreg $0xFFFFFFFF  }
0xad: {  	[dreg:$0x0] =	wrdreg $0x60  }
0xae: {  	[dreg:$0x2] =	wrdreg s24  }
0xaf: {  	[dreg:$0x3] =	wrdreg $0xA8000  }
0xb0: {  	[dreg:$0x4] =	wrdreg $0x9  }
0xb1: {  	_ =	task.clear_ibuf [dreg:s6], $0x5FFFF;
	_ =	strace $0x9000004C  }
0xb2: {  	s29 =	simm.s32 $0x9;
	_ =	strace $0x8000004E  }
0xb3: {  	_ =	swait.ge [sflag:s29], $0x1  }
0xb4: {  	[sflag:s29] =	ssyncadd.s32 $0xFFFFFFFF  }
0xb5: {  	_ =	strace $0x9000004E  }
0xb6: {  	_ =	sfence  }
0xb7: {  	s30 =	sld [smem:$0x0];
	_ =	sdelay $0x2  }
0xb8: {  	s31 =	sshll.u32 s1, $0xD;
	s1 =	sshrl.u32 s1, $0x2  }
0xb9: {  	s3 =	sand.u32 $0x4000, s31;
	s1 =	sadd.s32 s1, s30  }
0xba: {  	s0 =	sor.u32 s3, s0;
	s1 =	sshll.u32 s1, $0x11  }
0xbb: {  	s0 =	sor.u32 s1, s0  }
0xbc: {  	s0 =	sadd.s32 $0x8F2B, s0  }
0xbd: {  	[sflag:s0] =	ssyncadd.remote.s32 $0x1  }
0xbe: {  	_ =	sfence.sel $0xFFFF  }
0xbf: {  	[dreg:$0x0] =	wrdreg $0xFFFFFFFF;
	(pc) =	sbr.abs _section_cstart, $3  }
0xc0: {  	[dreg:$0x1] =	wrdreg $0xFFFFFFFF  }
0xc1: {  	_ =	task.clear_ibuf [dreg:s6], $0x2FFFF;
	_ =	strace $0x9FFFFFFF  }
0xc2: {  	(tm) =	ssettm $0x7FFFFFFF  }
0xc3: {  	_ =	shalt  }
tec
execute0_lowered:
.L_overlay_start_1:
0x0: {  	(tag) =	ssettag $0x1  }
0x1: {  	s6 =	rddreg [dreg:$0x0]  }
0x2: {  	s1 =	rddreg [dreg:$0x1]  }
0x3: {  	s0 =	rddreg [dreg:$0x2];
	s3 =	simm.s32 $0x0;
	s2 =	srdreg.scid  }
0x4: {  	s14 =	simm.s32 $0x50;
	s15 =	simm.s32 $0x8000;
	s16 =	simm.s32 $0x0  }
0x5: {  	[smem:$0x7FF] =	sst s3;
	s5 =	sand.u32 $0x1, s2;
	s2 =	stileid.u32  }
0x6: {  	s7 =	smul.u32 $0x140000, s5;
	s4 =	sshll.u32 s2, $0xC;
	s8 =	sshll.u32 s5, $0xB  }
0x7: {  	s9 =	smul.u32 $0x14000, s2;
	_ =	strace $0x8000004D;
	s30 =	ssub.s32 $0x2, s5  }
0x8: {  	s10 =	smul.u32 $0x50000, s2;
	s5 =	sadd.s32 $0x72600, s6;
	s12 =	sshll.u32 s2, $0x6  }
0x9: {  	s8 =	sor.u32 s8, s4;
	s4 =	sadd.s32 $0x24200, s6;
	s31 =	sshrl.u32 s30, $0x1  }
0xa: {  	s12 =	sor.u32 $0x1C01, s12;
	s8 =	sadd.s32 s8, s6;
	s7 =	sadd.s32 s9, s7  }
0xb: {  	s9 =	ssub.s32 s30, s31;
	s10 =	sshrl.u32 s10, $0x2;
	s7 =	sshrl.u32 s7, $0x3  }
0xc: {  	s13 =	sadd.s32 s10, s1;
	s9 =	smax.u32 s9, $0x1;
	s10 =	simm.s32 $0x1  }
0xd: {  	s11 =	sadd.s32 s7, s6;
	s6 =	sadd.s32 $0x14200, s8;
	s7 =	sadd.s32 $0x4000, s8  }
0xe: {  	s13 =	sshrl.u32 s13, $0x3;
	s8 =	sadd.s32 $0x74E00, s11;
	s11 =	simm.s32 $0x4000  }
.LBB2_1:
0xf: {  	[tilespmem:s3], [sflag:$0x1] =	stream.linear.gather [hbm4b:s6+s3], $0x3E80, $0x38;
	[tilespmem:$0x1E800] =	vst v63  }
0x10: {  	_ =	swait.ge [sflag:s10], $0x3E80  }
0x11: {  	[sflag:s10] =	ssyncset.done $0x0  }
0x12: {  	[sflag:s10] =	ssyncadd.s32 $0xFFFFC180  }
0x13: {  	[tilespmem:s11], [sflag:$0x1] =	stream.linear.gather [hbm4b:s7+s3], $0x3E80, $0x38;
	[tilespmem:$0x1E800] =	vst v63  }
0x14: {  	_ =	swait.ge [sflag:s10], $0x3E80  }
0x15: {  	[sflag:s10] =	ssyncset.done $0x0  }
0x16: {  	[sflag:s10] =	ssyncadd.s32 $0xFFFFC180  }
0x17: {  	[spmem:s13], [sflag:s12] =	dma.local [hbm:s5], $0x2800  }
0x18: {  	_ =	swait.ge [sflag:s10], $0x2800  }
0x19: {  	[sflag:s10] =	ssyncset.done $0x0  }
0x1a: {  	[sflag:s10] =	ssyncadd.s32 $0xFFFFD800  }
0x1b: {  	s17 =	simm.s32 $0x0;
	[bflag:$0x0] =	sbarrier.arrive $0xFFFF  }
0x1c: {  	[tilespmem:s15], [sflag:$0x1] =	stream.indirect.gather [hbm4b:s4+s14], $0x80, s17, s14, $0xb8;
	[tilespmem:$0x1E800] =	vst v63  }
0x1d: {  	_ =	swait.ge [sflag:s10], $0x2800  }
0x1e: {  	[sflag:s10] =	ssyncset.done $0x0  }
0x1f: {  	s31 =	simm.s32 $0x4000;
	[sflag:s10] =	ssyncadd.s32 $0xFFFFD800  }
0x20: {  	[spmem:s1] =	stream.indirect.scatter.add.f32 [tilespmem:s15], [sflag:$0x1], $0x80, s31, s14, $0xb8;
	[tilespmem:$0x1E800] =	vst v63  }
0x21: {  	_ =	swait.ge [sflag:s10], $0x2800  }
0x22: {  	s18 =	simm.s32 $0x400;
	s17 =	simm.s32 $0x200;
	[sflag:s10] =	ssyncset.done $0x0  }
.LBB2_2:
0x23: {  	s19 =	sshra.s32 s17, $0x2  }
0x24: {  	[sflag:s10] =	ssyncadd.s32 $0xFFFFD800;
	s17 =	smov.u32 s18;
	s20 =	sadd.s32 $0x200, s18  }
0x25: {  	[tilespmem:s15], [sflag:$0x1] =	stream.indirect.gather [hbm4b:s4+s14], $0x80, s19, s14, $0xb8;
	[tilespmem:$0x1E800] =	vst v63  }
0x26: {  	p0 =	sne.s32 s18, $0xF800;
	_ =	swait.ge [sflag:s10], $0x2800  }
.Ltmp0:
0x27: {  	[sflag:s10] =	ssyncset.done $0x0;
	(pc) =	sbr.rel @p0 .LBB2_2-.Ltmp0, $4  }
0x28: {  	s18 =	sadd.s32 $0x4000, s19;
	[sflag:s10] =	ssyncadd.s32 $0xFFFFD800  }
0x29: {  	[spmem:s1] =	stream.indirect.scatter.add.f32 [tilespmem:s15], [sflag:$0x1], $0x80, s18, s14, $0xb8;
	[tilespmem:$0x1E800] =	vst v63  }
0x2a: {  	_ =	swait.ge [sflag:s10], $0x2800  }
0x2b: {  	s18 =	smov.u32 s20;
	[sflag:s10] =	ssyncset.done $0x0  }
0x2c: {  	s17 =	sshra.s32 s17, $0x2;
	[sflag:s10] =	ssyncadd.s32 $0xFFFFD800  }
0x2d: {  	[tilespmem:s15], [sflag:$0x1] =	stream.indirect.gather [hbm4b:s4+s14], $0x80, s17, s14, $0xb8;
	[tilespmem:$0x1E800] =	vst v63  }
0x2e: {  	_ =	swait.ge [sflag:s10], $0x2800  }
0x2f: {  	[sflag:s10] =	ssyncset.done $0x0  }
0x30: {  	s17 =	sadd.s32 $0x4000, s17;
	[sflag:s10] =	ssyncadd.s32 $0xFFFFD800  }
0x31: {  	[spmem:s1] =	stream.indirect.scatter.add.f32 [tilespmem:s15], [sflag:$0x1], $0x80, s17, s14, $0xb8;
	[tilespmem:$0x1E800] =	vst v63  }
0x32: {  	_ =	swait.ge [sflag:s10], $0x2800  }
0x33: {  	s16 =	sadd.s32 $0x1, s16;
	[sflag:s10] =	ssyncset.done $0x0  }
0x34: {  	p0 =	sne.s32 s16, s9;
	[sflag:s10] =	ssyncadd.s32 $0xFFFFD800  }
.Ltmp1:
0x35: {  	[bflag:$0x0] =	sbarrier.arrive $0xFFFF;
	(pc) =	sbr.rel @p0 .LBB2_1-.Ltmp1, $4  }
0x36: {  	[hbm:s8], [sflag:s12] =	dma.local [spmem:s13], $0x2800  }
0x37: {  	_ =	swait.ge [sflag:s10], $0x2800  }
0x38: {  	[sflag:s10] =	ssyncset.done $0x0  }
0x39: {  	[sflag:s10] =	ssyncadd.s32 $0xFFFFD800  }
0x3a: {  	_ =	sfence.sel $0x180000  }
0x3b: {  	[bflag:$0x0] =	sbarrier.arrive $0xFFFF  }
0x3c: {  	p0 =	sne.s32 s2, $0x0;
	_ =	strace $0x9000004D  }
0x3d: {  	s0 =	sadd.s32 @!p0 $0x100000, s0;
	[bflag:$0x2] =	sbarrier.arrive $0xFFFF  }
0x3e: {  	[sflag:s0] =	ssyncadd.tile.s32 @!p0 $0x1;
	_ =	shalt  }
.Lfunc_end2:
_tile_overlayer_lowered:
.L_overlay_start_2:
0x3f: {  	(tag) =	ssettag $0x2  }
0x40: {  	s0 =	rddreg [dreg:$0x0];
	s2 =	stileid.u32  }
0x41: {  	s1 =	rddreg [dreg:$0x1];
	p0 =	sne.s32 s2, $0x0  }
0x42: {  	s3 =	rddreg [dreg:$0x2];
	[bflag:$0x3] =	sbarrier.arrive $0xFFFF;
	s2 =	simm.s32 @!p0 $0x1C01  }
0x43: {  	[timem:s3], [sflag:s2] =	dma.local @!p0 [hbm:s0], s1  }
0x44: {  	s0 =	simm.s32 @!p0 $0x1  }
0x45: {  	_ =	swait.ge @!p0 [sflag:s0], s1  }
0x46: {  	s1 =	ssub.s32 @!p0 $0x0, s1;
	[sflag:s0] =	ssyncset.done @!p0 $0x0  }
0x47: {  	[sflag:s0] =	ssyncadd.s32 @!p0 s1  }
0x48: {  	[bflag:$0x3] =	sbarrier.arrive $0xFFFF  }
0x49: {  	_ =	shalt  }

// kernel: kernel.21.cloned.1.call-start
scs
__scs_entry_jumppad:
0x0: {  	(pc) =	sbr.rel $0x88, $3  }
0x1: {  	(tag) =	ssettag $0x0;
	lr =	simm.s32 $0x1  }
0x2: {  	[smem:$0x3F95] =	sst lr;
	_ =	strace $0xD0000000  }
0x3: {  	_ = 	snop  }
0x4: {  	_ = 	snop  }
0x5: {  	_ = 	snop  }
0x6: {  	_ = 	snop  }
0x7: {  	_ = 	snop  }
__scs_overlays_trampoline_lowered:
0x8: {  	[smem:$0x3FA4] =	sst s0  }
0x9: {  	[smem:$0x3FA5] =	sst s1  }
0xa: {  	[smem:$0x3FA6] =	sst s2  }
0xb: {  	[smem:$0x3FA7] =	sst s3  }
0xc: {  	[smem:$0x3FA8] =	sst s4  }
0xd: {  	[smem:$0x3FA9] =	sst s5  }
0xe: {  	[smem:$0x3FAA] =	sst s6  }
0xf: {  	[smem:$0x3FAB] =	sst s7  }
0x10: {  	[smem:$0x3FAC] =	sst s8  }
0x11: {  	[smem:$0x3FAD] =	sst s9;
	s0 =	simm.s32 @!p0 $0x0  }
0x12: {  	s1 =	sld [smem:$0x3F93];
	s0 =	simm.s32 @p0 $0x1  }
0x13: {  	[smem:$0x3FAE] =	sst s0;
	s0 =	simm.s32 @!p1 $0x0  }
0x14: {  	s2 =	sld [smem:$0x3F92];
	s0 =	simm.s32 @p1 $0x1  }
0x15: {  	[smem:$0x3FAF] =	sst s0;
	s0 =	simm.s32 @!p2 $0x0  }
0x16: {  	s3 =	sld [smem:$0x3FDB];
	s0 =	simm.s32 @p2 $0x1  }
0x17: {  	s4 =	simm.s32 $0x1BF5;
	[smem:$0x3FB1] =	sst s0  }
0x18: {  	s0 =	sld [smem:$0x3F94];
	_ =	swait.ge [sflag:s4], $0x0  }
0x19: {  	s7 =	sld [smem:$0x3F95]  }
0x1a: {  	s8 =	sadd.s32 $0xFFFFE003, lr  }
0x1b: {  	s9 =	sadd.s32 $0xFFFFFEF7, lr;
	s5 =	simm.s32 $0xFFFFFFFF;
	p2 =	slt.u32 s8, $0xFFFFF086  }
0x1c: {  	p1 =	slt.u32 s9, $0xF7A;
	s5 =	simm.s32 @!p2 $0x0  }
0x1d: {  	s5 =	simm.s32 @p1 $0x1;
	p0 =	seq.s32 s7, s2  }
0x1e: {  	s7 =	smul.u32 @!p0 $0xF7A, s2;
	p2 =	seq.s32 @!p0 s5, $0x0  }
0x1f: {  	s9 =	smul.u32 $0xF7A, s1;
	s8 =	simm.s32 @!p0 $0x1BF5;
	p2 =	por !p2, p0  }
0x20: {  	[sflag:s8] =	ssyncset.s32 @!p0 $0xFFFFF086;
	s6 =	sadd.s32 @!p0 s3, s7;
	s7 =	simm.s32 @!p0 $0x108  }
0x21: {  	s3 =	sadd.s32 s3, s9;
	s6 =	sadd.s32 @!p0 $0x88, s6;
	s7 =	simm.s32 @p2 $0x1082  }
0x22: {  	[simem:s7], [sflag:s8] =	dma.local @!p0 [hbm:s6], $0xF7A  }
0x23: {  	s9 =	sor.u32 $0xD0000000, s2;
	s6 =	simm.s32 $0x108;
	_ =	swait.ge @!p0 [sflag:s8], $0x0  }
0x24: {  	s3 =	sadd.s32 $0x88, s3;
	s6 =	simm.s32 @!p1 $0x1082;
	[sflag:s4] =	ssyncset.s32 $0xFFFFF086  }
0x25: {  	[simem:s6], [sflag:s4] =	dma.local [hbm:s3], $0xF7A  }
0x26: {  	[smem:$0x3F95] =	sst s1;
	(tag) =	ssettag s2;
	_ =	strace s9  }
0x27: {  	s1 =	sld [smem:$0x3FA5]  }
0x28: {  	s2 =	sld [smem:$0x3FA6]  }
0x29: {  	s4 =	sld [smem:$0x3FA8]  }
0x2a: {  	p0 =	seq.s32 s5, $0x0;
	s5 =	sld [smem:$0x3FA9]  }
0x2b: {  	s6 =	sld [smem:$0x3FAA]  }
0x2c: {  	s7 =	sld [smem:$0x3FAB]  }
0x2d: {  	s3 =	simm.s32 $0x108;
	s8 =	sld [smem:$0x3FAC]  }
0x2e: {  	s3 =	simm.s32 @!p0 $0x1082;
	s9 =	sld [smem:$0x3FAD]  }
0x2f: {  	lr =	sadd.s32 s0, s3;
	s0 =	sld [smem:$0x3FA4]  }
0x30: {  	s3 =	sld [smem:$0x3FA7]  }
0x31: {  	[smem:$0x3FB0] =	sst s10  }
0x32: {  	s10 =	sld [smem:$0x3FAE];
	_ =	sdelay $0x3  }
0x33: {  	p0 =	seq.s32 s10, $0x1;
	s10 =	sld [smem:$0x3FB0];
	_ =	sdelay $0x3  }
0x34: {  	[smem:$0x3FB0] =	sst s10  }
0x35: {  	s10 =	sld [smem:$0x3FAF];
	_ =	sdelay $0x3  }
0x36: {  	p1 =	seq.s32 s10, $0x1;
	s10 =	sld [smem:$0x3FB0];
	_ =	sdelay $0x3  }
0x37: {  	[smem:$0x3FB0] =	sst s10  }
0x38: {  	s10 =	sld [smem:$0x3FB1]  }
0x39: {  	_ = 	snop;
	(pc) =	sbr.ind lr, $3  }
0x3a: {  	_ = 	snop  }
0x3b: {  	_ = 	snop  }
0x3c: {  	p2 =	seq.s32 s10, $0x1;
	s10 =	sld [smem:$0x3FB0]  }
0x3d: {  	_ =	shalt  }
0x3e: {  	_ =	shalt  }
0x3f: {  	_ =	shalt  }
0x40: {  	_ =	shalt  }
0x41: {  	_ =	shalt  }
0x42: {  	_ =	shalt  }
0x43: {  	_ =	shalt  }
0x44: {  	_ =	shalt  }
0x45: {  	_ =	shalt  }
0x46: {  	_ =	shalt  }
0x47: {  	_ =	shalt  }
0x48: {  	_ =	shalt  }
0x49: {  	_ =	shalt  }
0x4a: {  	_ =	shalt  }
0x4b: {  	_ =	shalt  }
0x4c: {  	_ =	shalt  }
0x4d: {  	_ =	shalt  }
0x4e: {  	_ =	shalt  }
0x4f: {  	_ =	shalt  }
0x50: {  	_ =	shalt  }
0x51: {  	_ =	shalt  }
0x52: {  	_ =	shalt  }
0x53: {  	_ =	shalt  }
0x54: {  	_ =	shalt  }
0x55: {  	_ =	shalt  }
0x56: {  	_ =	shalt  }
0x57: {  	_ =	shalt  }
0x58: {  	_ =	shalt  }
0x59: {  	_ =	shalt  }
0x5a: {  	_ =	shalt  }
0x5b: {  	_ =	shalt  }
0x5c: {  	_ =	shalt  }
0x5d: {  	_ =	shalt  }
0x5e: {  	_ =	shalt  }
0x5f: {  	_ =	shalt  }
0x60: {  	_ =	shalt  }
0x61: {  	_ =	shalt  }
0x62: {  	_ =	shalt  }
0x63: {  	_ =	shalt  }
0x64: {  	_ =	shalt  }
0x65: {  	_ =	shalt  }
0x66: {  	_ =	shalt  }
0x67: {  	_ =	shalt  }
0x68: {  	_ =	shalt  }
0x69: {  	_ =	shalt  }
0x6a: {  	_ =	shalt  }
0x6b: {  	_ =	shalt  }
0x6c: {  	_ =	shalt  }
0x6d: {  	_ =	shalt  }
0x6e: {  	_ =	shalt  }
0x6f: {  	_ =	shalt  }
0x70: {  	_ =	shalt  }
0x71: {  	_ =	shalt  }
0x72: {  	_ =	shalt  }
0x73: {  	_ =	shalt  }
0x74: {  	_ =	shalt  }
0x75: {  	_ =	shalt  }
0x76: {  	_ =	shalt  }
0x77: {  	_ =	shalt  }
0x78: {  	_ =	shalt  }
0x79: {  	_ =	shalt  }
0x7a: {  	_ =	shalt  }
0x7b: {  	_ =	shalt  }
0x7c: {  	_ =	shalt  }
0x7d: {  	_ =	shalt  }
0x7e: {  	_ =	shalt  }
0x7f: {  	_ =	shalt  }
0x80: {  	_ =	shalt  }
0x81: {  	_ =	shalt  }
0x82: {  	_ =	shalt  }
0x83: {  	_ =	shalt  }
0x84: {  	_ =	shalt  }
0x85: {  	_ =	shalt  }
0x86: {  	_ =	shalt  }
0x87: {  	_ =	shalt  }
.Lfunc_end0:
.L_simem_size_0:
called_computation.3_lowered:
.L_overlay_start_0:
0x88: {  	s2 =	sld [smem:$0x3FD9]  }
0x89: {  	s3 =	sld [smem:$0x3FFE];
	_ =	sdelay $0x1  }
0x8a: {  	s1 =	srdreg.scid  }
0x8b: {  	s0 =	sand.u32 $0x1, s1  }
0x8c: {  	s16 =	sshll.u32 s0, $0xA;
	s2 =	sadd.s32 s3, s2  }
0x8d: {  	s2 =	sadd.s32 s2, s16  }
0x8e: {  	[smem:$0x3FBC] =	sst s2  }
0x8f: {  	_ = 	snop  }
0x90: {  	(tm) =	ssettm $0x1  }
0x91: {  	s17 =	sld [smem:$0x3FFB];
	_ =	sdelay $0x3  }
0x92: {  	_ =	strace s17  }
0x93: {  	s2 =	sld [smem:$0x3FFC];
	_ =	sdelay $0x3  }
0x94: {  	_ =	strace s2  }
0x95: {  	s2 =	sld [smem:$0x3FFD];
	_ =	sdelay $0x3  }
0x96: {  	_ =	strace s2  }
0x97: {  	_ =	strace $0x8FFFFFFF  }
0x98: {  	s18 =	sld [smem:$0x3FDB];
	_ =	sdelay $0x1  }
0x99: {  	s19 =	simm.s32 $_scs_section_size  }
0x9a: {  	s4 =	simm.s32 $_size__tile_overlayer_lowered;
	s5 =	simm.s32 $_tile_overlayer_lowered  }
0x9b: {  	s22 =	simm.s32 $0x1BFF;
	s21 =	sshll.u32 s5, $0x1;
	s2 =	sadd.s32 s19, s18  }
0x9c: {  	s6 =	simm.s32 $0x0;
	s20 =	sshll.u32 s4, $0x1;
	s4 =	sadd.s32 s21, s2  }
0x9d: {  	[timem:s6], [sflag:s22] =	dma.local [hbm:s4], s20  }
0x9e: {  	_ =	swait.ge [sflag:s22], s20  }
0x9f: {  	s3 =	ssub.s32 $0x0, s20;
	[sflag:s22] =	ssyncset.done $0x0  }
0xa0: {  	[sflag:s22] =	ssyncadd.s32 s3;
	_ =	sdelay $0x1  }
0xa1: {  	s23 =	simm.s32 $0x1B8B  }
0xa2: {  	_ =	swait.ge [sflag:s23], $0x1  }
0xa3: {  	[sflag:s23] =	ssyncset.done $0x0  }
0xa4: {  	s25 =	simm.s32 $0x1B8E;
	s24 =	sld [smem:$0x3FFE];
	[sflag:s23] =	ssyncadd.s32 $0xFFFFFFFF  }
0xa5: {  	s26 =	simm.s32 $execute0_lowered;
	[smem:$0x3FD2] =	sst s25  }
0xa6: {  	s4 =	sshll.u32 s26, $0x1;
	_ =	strace $0x8000004F;
	[dreg:$0x1] =	wrdreg $0xFFFFFFFF  }
0xa7: {  	s28 =	simm.s32 $_size_execute0_lowered;
	s2 =	sadd.s32 s2, s4;
	[dreg:$0x0] =	wrdreg $0x0  }
0xa8: {  	s4 =	sshll.u32 s28, $0x1;
	[dreg:$0x2] =	wrdreg s2  }
0xa9: {  	[dreg:$0x3] =	wrdreg s4  }
0xaa: {  	[dreg:$0x4] =	wrdreg $0xC0  }
0xab: {  	_ =	task [dreg:s6], $0x5FFFF  }
0xac: {  	[dreg:$0x1] =	wrdreg $0xFFFFFFFF  }
0xad: {  	[dreg:$0x0] =	wrdreg $0x60  }
0xae: {  	[dreg:$0x2] =	wrdreg s24  }
0xaf: {  	[dreg:$0x3] =	wrdreg $0xA8000  }
0xb0: {  	[dreg:$0x4] =	wrdreg $0x9  }
0xb1: {  	_ =	task.clear_ibuf [dreg:s6], $0x5FFFF;
	_ =	strace $0x9000004F  }
0xb2: {  	s29 =	simm.s32 $0x9;
	_ =	strace $0x80000051  }
0xb3: {  	_ =	swait.ge [sflag:s29], $0x1  }
0xb4: {  	[sflag:s29] =	ssyncadd.s32 $0xFFFFFFFF  }
0xb5: {  	_ =	strace $0x90000051  }
0xb6: {  	_ =	sfence  }
0xb7: {  	s30 =	sld [smem:$0x0];
	_ =	sdelay $0x2  }
0xb8: {  	s31 =	sshll.u32 s1, $0xD;
	s1 =	sshrl.u32 s1, $0x2  }
0xb9: {  	s3 =	sand.u32 $0x4000, s31;
	s1 =	sadd.s32 s1, s30  }
0xba: {  	s0 =	sor.u32 s3, s0;
	s1 =	sshll.u32 s1, $0x11  }
0xbb: {  	s0 =	sor.u32 s1, s0  }
0xbc: {  	s0 =	sadd.s32 $0x8F2B, s0  }
0xbd: {  	[sflag:s0] =	ssyncadd.remote.s32 $0x1  }
0xbe: {  	_ =	sfence.sel $0xFFFF  }
0xbf: {  	[dreg:$0x0] =	wrdreg $0xFFFFFFFF;
	(pc) =	sbr.abs _section_cstart, $3  }
0xc0: {  	[dreg:$0x1] =	wrdreg $0xFFFFFFFF  }
0xc1: {  	_ =	task.clear_ibuf [dreg:s6], $0x2FFFF;
	_ =	strace $0x9FFFFFFF  }
0xc2: {  	(tm) =	ssettm $0x7FFFFFFF  }
0xc3: {  	_ =	shalt  }
tec
execute0_lowered:
.L_overlay_start_1:
0x0: {  	(tag) =	ssettag $0x1  }
0x1: {  	s6 =	rddreg [dreg:$0x0]  }
0x2: {  	s1 =	rddreg [dreg:$0x1]  }
0x3: {  	s0 =	rddreg [dreg:$0x2];
	s3 =	simm.s32 $0x0;
	s2 =	srdreg.scid  }
0x4: {  	s14 =	simm.s32 $0x50;
	s15 =	simm.s32 $0x8000;
	s16 =	simm.s32 $0x0  }
0x5: {  	[smem:$0x7FF] =	sst s3;
	s5 =	sand.u32 $0x1, s2;
	s2 =	stileid.u32  }
0x6: {  	s7 =	smul.u32 $0x140000, s5;
	s4 =	sshll.u32 s2, $0xC;
	s8 =	sshll.u32 s5, $0xB  }
0x7: {  	s9 =	smul.u32 $0x14000, s2;
	_ =	strace $0x80000050;
	s30 =	ssub.s32 $0x2, s5  }
0x8: {  	s10 =	smul.u32 $0x50000, s2;
	s5 =	sadd.s32 $0x72600, s6;
	s12 =	sshll.u32 s2, $0x6  }
0x9: {  	s8 =	sor.u32 s8, s4;
	s4 =	sadd.s32 $0x24200, s6;
	s31 =	sshrl.u32 s30, $0x1  }
0xa: {  	s12 =	sor.u32 $0x1C01, s12;
	s8 =	sadd.s32 s8, s6;
	s7 =	sadd.s32 s9, s7  }
0xb: {  	s9 =	ssub.s32 s30, s31;
	s10 =	sshrl.u32 s10, $0x2;
	s7 =	sshrl.u32 s7, $0x3  }
0xc: {  	s13 =	sadd.s32 s10, s1;
	s9 =	smax.u32 s9, $0x1;
	s10 =	simm.s32 $0x1  }
0xd: {  	s11 =	sadd.s32 s7, s6;
	s6 =	sadd.s32 $0x14200, s8;
	s7 =	sadd.s32 $0x4000, s8  }
0xe: {  	s13 =	sshrl.u32 s13, $0x3;
	s8 =	sadd.s32 $0x74E00, s11;
	s11 =	simm.s32 $0x4000  }
.LBB2_1:
0xf: {  	[tilespmem:s3], [sflag:$0x1] =	stream.linear.gather [hbm4b:s6+s3], $0x3E80, $0x38;
	[tilespmem:$0x1E800] =	vst v63  }
0x10: {  	_ =	swait.ge [sflag:s10], $0x3E80  }
0x11: {  	[sflag:s10] =	ssyncset.done $0x0  }
0x12: {  	[sflag:s10] =	ssyncadd.s32 $0xFFFFC180  }
0x13: {  	[tilespmem:s11], [sflag:$0x1] =	stream.linear.gather [hbm4b:s7+s3], $0x3E80, $0x38;
	[tilespmem:$0x1E800] =	vst v63  }
0x14: {  	_ =	swait.ge [sflag:s10], $0x3E80  }
0x15: {  	[sflag:s10] =	ssyncset.done $0x0  }
0x16: {  	[sflag:s10] =	ssyncadd.s32 $0xFFFFC180  }
0x17: {  	[spmem:s13], [sflag:s12] =	dma.local [hbm:s5], $0x2800  }
0x18: {  	_ =	swait.ge [sflag:s10], $0x2800  }
0x19: {  	[sflag:s10] =	ssyncset.done $0x0  }
0x1a: {  	[sflag:s10] =	ssyncadd.s32 $0xFFFFD800  }
0x1b: {  	s17 =	simm.s32 $0x0;
	[bflag:$0x0] =	sbarrier.arrive $0xFFFF  }
0x1c: {  	[tilespmem:s15], [sflag:$0x1] =	stream.indirect.gather [hbm4b:s4+s14], $0x80, s17, s14, $0xb8;
	[tilespmem:$0x1E800] =	vst v63  }
0x1d: {  	_ =	swait.ge [sflag:s10], $0x2800  }
0x1e: {  	[sflag:s10] =	ssyncset.done $0x0  }
0x1f: {  	s31 =	simm.s32 $0x4000;
	[sflag:s10] =	ssyncadd.s32 $0xFFFFD800  }
0x20: {  	[spmem:s1] =	stream.indirect.scatter.add.f32 [tilespmem:s15], [sflag:$0x1], $0x80, s31, s14, $0xb8;
	[tilespmem:$0x1E800] =	vst v63  }
0x21: {  	_ =	swait.ge [sflag:s10], $0x2800  }
0x22: {  	s18 =	simm.s32 $0x400;
	s17 =	simm.s32 $0x200;
	[sflag:s10] =	ssyncset.done $0x0  }
.LBB2_2:
0x23: {  	s19 =	sshra.s32 s17, $0x2  }
0x24: {  	[sflag:s10] =	ssyncadd.s32 $0xFFFFD800;
	s17 =	smov.u32 s18;
	s20 =	sadd.s32 $0x200, s18  }
0x25: {  	[tilespmem:s15], [sflag:$0x1] =	stream.indirect.gather [hbm4b:s4+s14], $0x80, s19, s14, $0xb8;
	[tilespmem:$0x1E800] =	vst v63  }
0x26: {  	p0 =	sne.s32 s18, $0xF800;
	_ =	swait.ge [sflag:s10], $0x2800  }
.Ltmp0:
0x27: {  	[sflag:s10] =	ssyncset.done $0x0;
	(pc) =	sbr.rel @p0 .LBB2_2-.Ltmp0, $4  }
0x28: {  	s18 =	sadd.s32 $0x4000, s19;
	[sflag:s10] =	ssyncadd.s32 $0xFFFFD800  }
0x29: {  	[spmem:s1] =	stream.indirect.scatter.add.f32 [tilespmem:s15], [sflag:$0x1], $0x80, s18, s14, $0xb8;
	[tilespmem:$0x1E800] =	vst v63  }
0x2a: {  	_ =	swait.ge [sflag:s10], $0x2800  }
0x2b: {  	s18 =	smov.u32 s20;
	[sflag:s10] =	ssyncset.done $0x0  }
0x2c: {  	s17 =	sshra.s32 s17, $0x2;
	[sflag:s10] =	ssyncadd.s32 $0xFFFFD800  }
0x2d: {  	[tilespmem:s15], [sflag:$0x1] =	stream.indirect.gather [hbm4b:s4+s14], $0x80, s17, s14, $0xb8;
	[tilespmem:$0x1E800] =	vst v63  }
0x2e: {  	_ =	swait.ge [sflag:s10], $0x2800  }
0x2f: {  	[sflag:s10] =	ssyncset.done $0x0  }
0x30: {  	s17 =	sadd.s32 $0x4000, s17;
	[sflag:s10] =	ssyncadd.s32 $0xFFFFD800  }
0x31: {  	[spmem:s1] =	stream.indirect.scatter.add.f32 [tilespmem:s15], [sflag:$0x1], $0x80, s17, s14, $0xb8;
	[tilespmem:$0x1E800] =	vst v63  }
0x32: {  	_ =	swait.ge [sflag:s10], $0x2800  }
0x33: {  	s16 =	sadd.s32 $0x1, s16;
	[sflag:s10] =	ssyncset.done $0x0  }
0x34: {  	p0 =	sne.s32 s16, s9;
	[sflag:s10] =	ssyncadd.s32 $0xFFFFD800  }
.Ltmp1:
0x35: {  	[bflag:$0x0] =	sbarrier.arrive $0xFFFF;
	(pc) =	sbr.rel @p0 .LBB2_1-.Ltmp1, $4  }
0x36: {  	[hbm:s8], [sflag:s12] =	dma.local [spmem:s13], $0x2800  }
0x37: {  	_ =	swait.ge [sflag:s10], $0x2800  }
0x38: {  	[sflag:s10] =	ssyncset.done $0x0  }
0x39: {  	[sflag:s10] =	ssyncadd.s32 $0xFFFFD800  }
0x3a: {  	_ =	sfence.sel $0x180000  }
0x3b: {  	[bflag:$0x0] =	sbarrier.arrive $0xFFFF  }
0x3c: {  	p0 =	sne.s32 s2, $0x0;
	_ =	strace $0x90000050  }
0x3d: {  	s0 =	sadd.s32 @!p0 $0x100000, s0;
	[bflag:$0x2] =	sbarrier.arrive $0xFFFF  }
0x3e: {  	[sflag:s0] =	ssyncadd.tile.s32 @!p0 $0x1;
	_ =	shalt  }
.Lfunc_end2:
_tile_overlayer_lowered:
.L_overlay_start_2:
0x3f: {  	(tag) =	ssettag $0x2  }
0x40: {  	s0 =	rddreg [dreg:$0x0];
	s2 =	stileid.u32  }
0x41: {  	s1 =	rddreg [dreg:$0x1];
	p0 =	sne.s32 s2, $0x0  }
0x42: {  	s3 =	rddreg [dreg:$0x2];
	[bflag:$0x3] =	sbarrier.arrive $0xFFFF;
	s2 =	simm.s32 @!p0 $0x1C01  }
0x43: {  	[timem:s3], [sflag:s2] =	dma.local @!p0 [hbm:s0], s1  }
0x44: {  	s0 =	simm.s32 @!p0 $0x1  }
0x45: {  	_ =	swait.ge @!p0 [sflag:s0], s1  }
0x46: {  	s1 =	ssub.s32 @!p0 $0x0, s1;
	[sflag:s0] =	ssyncset.done @!p0 $0x0  }
0x47: {  	[sflag:s0] =	ssyncadd.s32 @!p0 s1  }
0x48: {  	[bflag:$0x3] =	sbarrier.arrive $0xFFFF  }
0x49: {  	_ =	shalt  }

// kernel: kernel.24.cloned.1.call-start
scs
__scs_entry_jumppad:
0x0: {  	(pc) =	sbr.rel $0x88, $3  }
0x1: {  	(tag) =	ssettag $0x0;
	lr =	simm.s32 $0x1  }
0x2: {  	[smem:$0x3F95] =	sst lr;
	_ =	strace $0xD0000000  }
0x3: {  	_ = 	snop  }
0x4: {  	_ = 	snop  }
0x5: {  	_ = 	snop  }
0x6: {  	_ = 	snop  }
0x7: {  	_ = 	snop  }
__scs_overlays_trampoline_lowered:
0x8: {  	[smem:$0x3FA4] =	sst s0  }
0x9: {  	[smem:$0x3FA5] =	sst s1  }
0xa: {  	[smem:$0x3FA6] =	sst s2  }
0xb: {  	[smem:$0x3FA7] =	sst s3  }
0xc: {  	[smem:$0x3FA8] =	sst s4  }
0xd: {  	[smem:$0x3FA9] =	sst s5  }
0xe: {  	[smem:$0x3FAA] =	sst s6  }
0xf: {  	[smem:$0x3FAB] =	sst s7  }
0x10: {  	[smem:$0x3FAC] =	sst s8  }
0x11: {  	[smem:$0x3FAD] =	sst s9;
	s0 =	simm.s32 @!p0 $0x0  }
0x12: {  	s1 =	sld [smem:$0x3F93];
	s0 =	simm.s32 @p0 $0x1  }
0x13: {  	[smem:$0x3FAE] =	sst s0;
	s0 =	simm.s32 @!p1 $0x0  }
0x14: {  	s2 =	sld [smem:$0x3F92];
	s0 =	simm.s32 @p1 $0x1  }
0x15: {  	[smem:$0x3FAF] =	sst s0;
	s0 =	simm.s32 @!p2 $0x0  }
0x16: {  	s3 =	sld [smem:$0x3FDB];
	s0 =	simm.s32 @p2 $0x1  }
0x17: {  	s4 =	simm.s32 $0x1BF5;
	[smem:$0x3FB1] =	sst s0  }
0x18: {  	s0 =	sld [smem:$0x3F94];
	_ =	swait.ge [sflag:s4], $0x0  }
0x19: {  	s7 =	sld [smem:$0x3F95]  }
0x1a: {  	s8 =	sadd.s32 $0xFFFFE003, lr  }
0x1b: {  	s9 =	sadd.s32 $0xFFFFFEF7, lr;
	s5 =	simm.s32 $0xFFFFFFFF;
	p2 =	slt.u32 s8, $0xFFFFF086  }
0x1c: {  	p1 =	slt.u32 s9, $0xF7A;
	s5 =	simm.s32 @!p2 $0x0  }
0x1d: {  	s5 =	simm.s32 @p1 $0x1;
	p0 =	seq.s32 s7, s2  }
0x1e: {  	s7 =	smul.u32 @!p0 $0xF7A, s2;
	p2 =	seq.s32 @!p0 s5, $0x0  }
0x1f: {  	s9 =	smul.u32 $0xF7A, s1;
	s8 =	simm.s32 @!p0 $0x1BF5;
	p2 =	por !p2, p0  }
0x20: {  	[sflag:s8] =	ssyncset.s32 @!p0 $0xFFFFF086;
	s6 =	sadd.s32 @!p0 s3, s7;
	s7 =	simm.s32 @!p0 $0x108  }
0x21: {  	s3 =	sadd.s32 s3, s9;
	s6 =	sadd.s32 @!p0 $0x88, s6;
	s7 =	simm.s32 @p2 $0x1082  }
0x22: {  	[simem:s7], [sflag:s8] =	dma.local @!p0 [hbm:s6], $0xF7A  }
0x23: {  	s9 =	sor.u32 $0xD0000000, s2;
	s6 =	simm.s32 $0x108;
	_ =	swait.ge @!p0 [sflag:s8], $0x0  }
0x24: {  	s3 =	sadd.s32 $0x88, s3;
	s6 =	simm.s32 @!p1 $0x1082;
	[sflag:s4] =	ssyncset.s32 $0xFFFFF086  }
0x25: {  	[simem:s6], [sflag:s4] =	dma.local [hbm:s3], $0xF7A  }
0x26: {  	[smem:$0x3F95] =	sst s1;
	(tag) =	ssettag s2;
	_ =	strace s9  }
0x27: {  	s1 =	sld [smem:$0x3FA5]  }
0x28: {  	s2 =	sld [smem:$0x3FA6]  }
0x29: {  	s4 =	sld [smem:$0x3FA8]  }
0x2a: {  	p0 =	seq.s32 s5, $0x0;
	s5 =	sld [smem:$0x3FA9]  }
0x2b: {  	s6 =	sld [smem:$0x3FAA]  }
0x2c: {  	s7 =	sld [smem:$0x3FAB]  }
0x2d: {  	s3 =	simm.s32 $0x108;
	s8 =	sld [smem:$0x3FAC]  }
0x2e: {  	s3 =	simm.s32 @!p0 $0x1082;
	s9 =	sld [smem:$0x3FAD]  }
0x2f: {  	lr =	sadd.s32 s0, s3;
	s0 =	sld [smem:$0x3FA4]  }
0x30: {  	s3 =	sld [smem:$0x3FA7]  }
0x31: {  	[smem:$0x3FB0] =	sst s10  }
0x32: {  	s10 =	sld [smem:$0x3FAE];
	_ =	sdelay $0x3  }
0x33: {  	p0 =	seq.s32 s10, $0x1;
	s10 =	sld [smem:$0x3FB0];
	_ =	sdelay $0x3  }
0x34: {  	[smem:$0x3FB0] =	sst s10  }
0x35: {  	s10 =	sld [smem:$0x3FAF];
	_ =	sdelay $0x3  }
0x36: {  	p1 =	seq.s32 s10, $0x1;
	s10 =	sld [smem:$0x3FB0];
	_ =	sdelay $0x3  }
0x37: {  	[smem:$0x3FB0] =	sst s10  }
0x38: {  	s10 =	sld [smem:$0x3FB1]  }
0x39: {  	_ = 	snop;
	(pc) =	sbr.ind lr, $3  }
0x3a: {  	_ = 	snop  }
0x3b: {  	_ = 	snop  }
0x3c: {  	p2 =	seq.s32 s10, $0x1;
	s10 =	sld [smem:$0x3FB0]  }
0x3d: {  	_ =	shalt  }
0x3e: {  	_ =	shalt  }
0x3f: {  	_ =	shalt  }
0x40: {  	_ =	shalt  }
0x41: {  	_ =	shalt  }
0x42: {  	_ =	shalt  }
0x43: {  	_ =	shalt  }
0x44: {  	_ =	shalt  }
0x45: {  	_ =	shalt  }
0x46: {  	_ =	shalt  }
0x47: {  	_ =	shalt  }
0x48: {  	_ =	shalt  }
0x49: {  	_ =	shalt  }
0x4a: {  	_ =	shalt  }
0x4b: {  	_ =	shalt  }
0x4c: {  	_ =	shalt  }
0x4d: {  	_ =	shalt  }
0x4e: {  	_ =	shalt  }
0x4f: {  	_ =	shalt  }
0x50: {  	_ =	shalt  }
0x51: {  	_ =	shalt  }
0x52: {  	_ =	shalt  }
0x53: {  	_ =	shalt  }
0x54: {  	_ =	shalt  }
0x55: {  	_ =	shalt  }
0x56: {  	_ =	shalt  }
0x57: {  	_ =	shalt  }
0x58: {  	_ =	shalt  }
0x59: {  	_ =	shalt  }
0x5a: {  	_ =	shalt  }
0x5b: {  	_ =	shalt  }
0x5c: {  	_ =	shalt  }
0x5d: {  	_ =	shalt  }
0x5e: {  	_ =	shalt  }
0x5f: {  	_ =	shalt  }
0x60: {  	_ =	shalt  }
0x61: {  	_ =	shalt  }
0x62: {  	_ =	shalt  }
0x63: {  	_ =	shalt  }
0x64: {  	_ =	shalt  }
0x65: {  	_ =	shalt  }
0x66: {  	_ =	shalt  }
0x67: {  	_ =	shalt  }
0x68: {  	_ =	shalt  }
0x69: {  	_ =	shalt  }
0x6a: {  	_ =	shalt  }
0x6b: {  	_ =	shalt  }
0x6c: {  	_ =	shalt  }
0x6d: {  	_ =	shalt  }
0x6e: {  	_ =	shalt  }
0x6f: {  	_ =	shalt  }
0x70: {  	_ =	shalt  }
0x71: {  	_ =	shalt  }
0x72: {  	_ =	shalt  }
0x73: {  	_ =	shalt  }
0x74: {  	_ =	shalt  }
0x75: {  	_ =	shalt  }
0x76: {  	_ =	shalt  }
0x77: {  	_ =	shalt  }
0x78: {  	_ =	shalt  }
0x79: {  	_ =	shalt  }
0x7a: {  	_ =	shalt  }
0x7b: {  	_ =	shalt  }
0x7c: {  	_ =	shalt  }
0x7d: {  	_ =	shalt  }
0x7e: {  	_ =	shalt  }
0x7f: {  	_ =	shalt  }
0x80: {  	_ =	shalt  }
0x81: {  	_ =	shalt  }
0x82: {  	_ =	shalt  }
0x83: {  	_ =	shalt  }
0x84: {  	_ =	shalt  }
0x85: {  	_ =	shalt  }
0x86: {  	_ =	shalt  }
0x87: {  	_ =	shalt  }
.Lfunc_end0:
.L_simem_size_0:
called_computation.4_lowered:
.L_overlay_start_0:
0x88: {  	s2 =	sld [smem:$0x3FD9]  }
0x89: {  	s3 =	sld [smem:$0x3FFE];
	_ =	sdelay $0x1  }
0x8a: {  	s1 =	srdreg.scid  }
0x8b: {  	s0 =	sand.u32 $0x1, s1  }
0x8c: {  	s16 =	sshll.u32 s0, $0xA;
	s2 =	sadd.s32 s3, s2  }
0x8d: {  	s2 =	sadd.s32 s2, s16  }
0x8e: {  	[smem:$0x3FBC] =	sst s2  }
0x8f: {  	_ = 	snop  }
0x90: {  	(tm) =	ssettm $0x1  }
0x91: {  	s17 =	sld [smem:$0x3FFB];
	_ =	sdelay $0x3  }
0x92: {  	_ =	strace s17  }
0x93: {  	s2 =	sld [smem:$0x3FFC];
	_ =	sdelay $0x3  }
0x94: {  	_ =	strace s2  }
0x95: {  	s2 =	sld [smem:$0x3FFD];
	_ =	sdelay $0x3  }
0x96: {  	_ =	strace s2  }
0x97: {  	_ =	strace $0x8FFFFFFF  }
0x98: {  	s18 =	sld [smem:$0x3FDB];
	_ =	sdelay $0x1  }
0x99: {  	s19 =	simm.s32 $_scs_section_size  }
0x9a: {  	s4 =	simm.s32 $_size__tile_overlayer_lowered;
	s5 =	simm.s32 $_tile_overlayer_lowered  }
0x9b: {  	s22 =	simm.s32 $0x1BFF;
	s21 =	sshll.u32 s5, $0x1;
	s2 =	sadd.s32 s19, s18  }
0x9c: {  	s6 =	simm.s32 $0x0;
	s20 =	sshll.u32 s4, $0x1;
	s4 =	sadd.s32 s21, s2  }
0x9d: {  	[timem:s6], [sflag:s22] =	dma.local [hbm:s4], s20  }
0x9e: {  	_ =	swait.ge [sflag:s22], s20  }
0x9f: {  	s3 =	ssub.s32 $0x0, s20;
	[sflag:s22] =	ssyncset.done $0x0  }
0xa0: {  	[sflag:s22] =	ssyncadd.s32 s3;
	_ =	sdelay $0x1  }
0xa1: {  	s23 =	simm.s32 $0x1B8B  }
0xa2: {  	_ =	swait.ge [sflag:s23], $0x1  }
0xa3: {  	[sflag:s23] =	ssyncset.done $0x0  }
0xa4: {  	s25 =	simm.s32 $0x1B8E;
	s24 =	sld [smem:$0x3FFE];
	[sflag:s23] =	ssyncadd.s32 $0xFFFFFFFF  }
0xa5: {  	s26 =	simm.s32 $execute0_lowered;
	[smem:$0x3FD2] =	sst s25  }
0xa6: {  	s4 =	sshll.u32 s26, $0x1;
	_ =	strace $0x80000052;
	[dreg:$0x1] =	wrdreg $0xFFFFFFFF  }
0xa7: {  	s28 =	simm.s32 $_size_execute0_lowered;
	s2 =	sadd.s32 s2, s4;
	[dreg:$0x0] =	wrdreg $0x0  }
0xa8: {  	s4 =	sshll.u32 s28, $0x1;
	[dreg:$0x2] =	wrdreg s2  }
0xa9: {  	[dreg:$0x3] =	wrdreg s4  }
0xaa: {  	[dreg:$0x4] =	wrdreg $0xC0  }
0xab: {  	_ =	task [dreg:s6], $0x5FFFF  }
0xac: {  	[dreg:$0x1] =	wrdreg $0xFFFFFFFF  }
0xad: {  	[dreg:$0x0] =	wrdreg $0x60  }
0xae: {  	[dreg:$0x2] =	wrdreg s24  }
0xaf: {  	[dreg:$0x3] =	wrdreg $0xA8000  }
0xb0: {  	[dreg:$0x4] =	wrdreg $0x9  }
0xb1: {  	_ =	task.clear_ibuf [dreg:s6], $0x5FFFF;
	_ =	strace $0x90000052  }
0xb2: {  	s29 =	simm.s32 $0x9;
	_ =	strace $0x80000054  }
0xb3: {  	_ =	swait.ge [sflag:s29], $0x1  }
0xb4: {  	[sflag:s29] =	ssyncadd.s32 $0xFFFFFFFF  }
0xb5: {  	_ =	strace $0x90000054  }
0xb6: {  	_ =	sfence  }
0xb7: {  	s30 =	sld [smem:$0x0];
	_ =	sdelay $0x2  }
0xb8: {  	s31 =	sshll.u32 s1, $0xD;
	s1 =	sshrl.u32 s1, $0x2  }
0xb9: {  	s3 =	sand.u32 $0x4000, s31;
	s1 =	sadd.s32 s1, s30  }
0xba: {  	s0 =	sor.u32 s3, s0;
	s1 =	sshll.u32 s1, $0x11  }
0xbb: {  	s0 =	sor.u32 s1, s0  }
0xbc: {  	s0 =	sadd.s32 $0x8F2B, s0  }
0xbd: {  	[sflag:s0] =	ssyncadd.remote.s32 $0x1  }
0xbe: {  	_ =	sfence.sel $0xFFFF  }
0xbf: {  	[dreg:$0x0] =	wrdreg $0xFFFFFFFF;
	(pc) =	sbr.abs _section_cstart, $3  }
0xc0: {  	[dreg:$0x1] =	wrdreg $0xFFFFFFFF  }
0xc1: {  	_ =	task.clear_ibuf [dreg:s6], $0x2FFFF;
	_ =	strace $0x9FFFFFFF  }
0xc2: {  	(tm) =	ssettm $0x7FFFFFFF  }
0xc3: {  	_ =	shalt  }
tec
execute0_lowered:
.L_overlay_start_1:
0x0: {  	(tag) =	ssettag $0x1  }
0x1: {  	s6 =	rddreg [dreg:$0x0]  }
0x2: {  	s1 =	rddreg [dreg:$0x1]  }
0x3: {  	s0 =	rddreg [dreg:$0x2];
	s3 =	simm.s32 $0x0;
	s2 =	srdreg.scid  }
0x4: {  	s14 =	simm.s32 $0x50;
	s15 =	simm.s32 $0x8000;
	s16 =	simm.s32 $0x0  }
0x5: {  	[smem:$0x7FF] =	sst s3;
	s5 =	sand.u32 $0x1, s2;
	s2 =	stileid.u32  }
0x6: {  	s7 =	smul.u32 $0x140000, s5;
	s4 =	sshll.u32 s2, $0xC;
	s8 =	sshll.u32 s5, $0xB  }
0x7: {  	s9 =	smul.u32 $0x14000, s2;
	_ =	strace $0x80000053;
	s30 =	ssub.s32 $0x2, s5  }
0x8: {  	s10 =	smul.u32 $0x50000, s2;
	s5 =	sadd.s32 $0x72600, s6;
	s12 =	sshll.u32 s2, $0x6  }
0x9: {  	s8 =	sor.u32 s8, s4;
	s4 =	sadd.s32 $0x24200, s6;
	s31 =	sshrl.u32 s30, $0x1  }
0xa: {  	s12 =	sor.u32 $0x1C01, s12;
	s8 =	sadd.s32 s8, s6;
	s7 =	sadd.s32 s9, s7  }
0xb: {  	s9 =	ssub.s32 s30, s31;
	s10 =	sshrl.u32 s10, $0x2;
	s7 =	sshrl.u32 s7, $0x3  }
0xc: {  	s13 =	sadd.s32 s10, s1;
	s9 =	smax.u32 s9, $0x1;
	s10 =	simm.s32 $0x1  }
0xd: {  	s11 =	sadd.s32 s7, s6;
	s6 =	sadd.s32 $0x14200, s8;
	s7 =	sadd.s32 $0x4000, s8  }
0xe: {  	s13 =	sshrl.u32 s13, $0x3;
	s8 =	sadd.s32 $0x74E00, s11;
	s11 =	simm.s32 $0x4000  }
.LBB2_1:
0xf: {  	[tilespmem:s3], [sflag:$0x1] =	stream.linear.gather [hbm4b:s6+s3], $0x3E80, $0x38;
	[tilespmem:$0x1E800] =	vst v63  }
0x10: {  	_ =	swait.ge [sflag:s10], $0x3E80  }
0x11: {  	[sflag:s10] =	ssyncset.done $0x0  }
0x12: {  	[sflag:s10] =	ssyncadd.s32 $0xFFFFC180  }
0x13: {  	[tilespmem:s11], [sflag:$0x1] =	stream.linear.gather [hbm4b:s7+s3], $0x3E80, $0x38;
	[tilespmem:$0x1E800] =	vst v63  }
0x14: {  	_ =	swait.ge [sflag:s10], $0x3E80  }
0x15: {  	[sflag:s10] =	ssyncset.done $0x0  }
0x16: {  	[sflag:s10] =	ssyncadd.s32 $0xFFFFC180  }
0x17: {  	[spmem:s13], [sflag:s12] =	dma.local [hbm:s5], $0x2800  }
0x18: {  	_ =	swait.ge [sflag:s10], $0x2800  }
0x19: {  	[sflag:s10] =	ssyncset.done $0x0  }
0x1a: {  	[sflag:s10] =	ssyncadd.s32 $0xFFFFD800  }
0x1b: {  	s17 =	simm.s32 $0x0;
	[bflag:$0x0] =	sbarrier.arrive $0xFFFF  }
0x1c: {  	[tilespmem:s15], [sflag:$0x1] =	stream.indirect.gather [hbm4b:s4+s14], $0x80, s17, s14, $0xb8;
	[tilespmem:$0x1E800] =	vst v63  }
0x1d: {  	_ =	swait.ge [sflag:s10], $0x2800  }
0x1e: {  	[sflag:s10] =	ssyncset.done $0x0  }
0x1f: {  	s31 =	simm.s32 $0x4000;
	[sflag:s10] =	ssyncadd.s32 $0xFFFFD800  }
0x20: {  	[spmem:s1] =	stream.indirect.scatter.add.f32 [tilespmem:s15], [sflag:$0x1], $0x80, s31, s14, $0xb8;
	[tilespmem:$0x1E800] =	vst v63  }
0x21: {  	_ =	swait.ge [sflag:s10], $0x2800  }
0x22: {  	s18 =	simm.s32 $0x400;
	s17 =	simm.s32 $0x200;
	[sflag:s10] =	ssyncset.done $0x0  }
.LBB2_2:
0x23: {  	s19 =	sshra.s32 s17, $0x2  }
0x24: {  	[sflag:s10] =	ssyncadd.s32 $0xFFFFD800;
	s17 =	smov.u32 s18;
	s20 =	sadd.s32 $0x200, s18  }
0x25: {  	[tilespmem:s15], [sflag:$0x1] =	stream.indirect.gather [hbm4b:s4+s14], $0x80, s19, s14, $0xb8;
	[tilespmem:$0x1E800] =	vst v63  }
0x26: {  	p0 =	sne.s32 s18, $0xF800;
	_ =	swait.ge [sflag:s10], $0x2800  }
.Ltmp0:
0x27: {  	[sflag:s10] =	ssyncset.done $0x0;
	(pc) =	sbr.rel @p0 .LBB2_2-.Ltmp0, $4  }
0x28: {  	s18 =	sadd.s32 $0x4000, s19;
	[sflag:s10] =	ssyncadd.s32 $0xFFFFD800  }
0x29: {  	[spmem:s1] =	stream.indirect.scatter.add.f32 [tilespmem:s15], [sflag:$0x1], $0x80, s18, s14, $0xb8;
	[tilespmem:$0x1E800] =	vst v63  }
0x2a: {  	_ =	swait.ge [sflag:s10], $0x2800  }
0x2b: {  	s18 =	smov.u32 s20;
	[sflag:s10] =	ssyncset.done $0x0  }
0x2c: {  	s17 =	sshra.s32 s17, $0x2;
	[sflag:s10] =	ssyncadd.s32 $0xFFFFD800  }
0x2d: {  	[tilespmem:s15], [sflag:$0x1] =	stream.indirect.gather [hbm4b:s4+s14], $0x80, s17, s14, $0xb8;
	[tilespmem:$0x1E800] =	vst v63  }
0x2e: {  	_ =	swait.ge [sflag:s10], $0x2800  }
0x2f: {  	[sflag:s10] =	ssyncset.done $0x0  }
0x30: {  	s17 =	sadd.s32 $0x4000, s17;
	[sflag:s10] =	ssyncadd.s32 $0xFFFFD800  }
0x31: {  	[spmem:s1] =	stream.indirect.scatter.add.f32 [tilespmem:s15], [sflag:$0x1], $0x80, s17, s14, $0xb8;
	[tilespmem:$0x1E800] =	vst v63  }
0x32: {  	_ =	swait.ge [sflag:s10], $0x2800  }
0x33: {  	s16 =	sadd.s32 $0x1, s16;
	[sflag:s10] =	ssyncset.done $0x0  }
0x34: {  	p0 =	sne.s32 s16, s9;
	[sflag:s10] =	ssyncadd.s32 $0xFFFFD800  }
.Ltmp1:
0x35: {  	[bflag:$0x0] =	sbarrier.arrive $0xFFFF;
	(pc) =	sbr.rel @p0 .LBB2_1-.Ltmp1, $4  }
0x36: {  	[hbm:s8], [sflag:s12] =	dma.local [spmem:s13], $0x2800  }
0x37: {  	_ =	swait.ge [sflag:s10], $0x2800  }
0x38: {  	[sflag:s10] =	ssyncset.done $0x0  }
0x39: {  	[sflag:s10] =	ssyncadd.s32 $0xFFFFD800  }
0x3a: {  	_ =	sfence.sel $0x180000  }
0x3b: {  	[bflag:$0x0] =	sbarrier.arrive $0xFFFF  }
0x3c: {  	p0 =	sne.s32 s2, $0x0;
	_ =	strace $0x90000053  }
0x3d: {  	s0 =	sadd.s32 @!p0 $0x100000, s0;
	[bflag:$0x2] =	sbarrier.arrive $0xFFFF  }
0x3e: {  	[sflag:s0] =	ssyncadd.tile.s32 @!p0 $0x1;
	_ =	shalt  }
.Lfunc_end2:
_tile_overlayer_lowered:
.L_overlay_start_2:
0x3f: {  	(tag) =	ssettag $0x2  }
0x40: {  	s0 =	rddreg [dreg:$0x0];
	s2 =	stileid.u32  }
0x41: {  	s1 =	rddreg [dreg:$0x1];
	p0 =	sne.s32 s2, $0x0  }
0x42: {  	s3 =	rddreg [dreg:$0x2];
	[bflag:$0x3] =	sbarrier.arrive $0xFFFF;
	s2 =	simm.s32 @!p0 $0x1C01  }
0x43: {  	[timem:s3], [sflag:s2] =	dma.local @!p0 [hbm:s0], s1  }
0x44: {  	s0 =	simm.s32 @!p0 $0x1  }
0x45: {  	_ =	swait.ge @!p0 [sflag:s0], s1  }
0x46: {  	s1 =	ssub.s32 @!p0 $0x0, s1;
	[sflag:s0] =	ssyncset.done @!p0 $0x0  }
0x47: {  	[sflag:s0] =	ssyncadd.s32 @!p0 s1  }
0x48: {  	[bflag:$0x3] =	sbarrier.arrive $0xFFFF  }
0x49: {  	_ =	shalt  }

</sc_bundles>
